<compile_context>
chip_gen: v7x
topology: tpu7x:2x2x1
jax: 0.10.2.dev20260603
libtpu: 0.0.44.dev20260713+nightly
codegen_flags: <defaults>
</compile_context>

<pallas_src>
import functools

import jax
import jax.numpy as jnp
from jax import lax
from jax.experimental import pallas as pl
from jax.experimental.pallas import tpu as pltpu

NN = 10000
NP = 10240
EE = 320000
DD = 128
BB = 64
NBLK = 10
BLK = 1024
EBLK = 1280
NEB = EE // EBLK
NHI = NP // 128

_F32 = jnp.float32


def _deg_body(sa_ref, sb_ref, da_ref, db_ref, os_ref, od_ref):
    i = pl.program_id(0)

    @pl.when(i == 0)
    def _():
        os_ref[...] = jnp.zeros((NHI, 128), _F32)
        od_ref[...] = jnp.zeros((NHI, 128), _F32)

    ihi = lax.broadcasted_iota(jnp.int32, (NHI, EBLK), 0)
    ilo = lax.broadcasted_iota(jnp.int32, (EBLK, 128), 1)

    def hist(a_ref, b_ref, o_ref):
        g = a_ref[0]
        gt = b_ref[0]
        ohhi = (ihi == (g >> 7)).astype(_F32)
        ohlo = (ilo == (gt & 127)).astype(_F32)
        o_ref[...] += jnp.dot(ohhi, ohlo, preferred_element_type=_F32)

    hist(sa_ref, sb_ref, os_ref)
    hist(da_ref, db_ref, od_ref)


def _deg_call(src, dst):
    sa = src.reshape(NEB, 1, EBLK)
    sb = src.reshape(NEB, EBLK, 1)
    da = dst.reshape(NEB, 1, EBLK)
    db = dst.reshape(NEB, EBLK, 1)
    outs = pl.pallas_call(
        _deg_body,
        grid=(NEB,),
        in_specs=[
            pl.BlockSpec((1, 1, EBLK), lambda i: (i, 0, 0)),
            pl.BlockSpec((1, EBLK, 1), lambda i: (i, 0, 0)),
            pl.BlockSpec((1, 1, EBLK), lambda i: (i, 0, 0)),
            pl.BlockSpec((1, EBLK, 1), lambda i: (i, 0, 0)),
        ],
        out_specs=[
            pl.BlockSpec((NHI, 128), lambda i: (0, 0)),
            pl.BlockSpec((NHI, 128), lambda i: (0, 0)),
        ],
        out_shape=[
            jax.ShapeDtypeStruct((NHI, 128), _F32),
            jax.ShapeDtypeStruct((NHI, 128), _F32),
        ],
    )(sa, sb, da, db)
    return outs[0].reshape(NP, 1), outs[1].reshape(NP, 1)


def _scale_body(x_ref, d_ref, o_ref):
    o_ref[...] = x_ref[...] * lax.rsqrt(jnp.maximum(d_ref[...], 1.0))


def _scale_call(x_p, dego):
    return pl.pallas_call(
        _scale_body,
        grid=(NBLK,),
        in_specs=[
            pl.BlockSpec((BLK, DD), lambda i: (i, 0)),
            pl.BlockSpec((BLK, 1), lambda i: (i, 0)),
        ],
        out_specs=pl.BlockSpec((BLK, DD), lambda i: (i, 0)),
        out_shape=jax.ShapeDtypeStruct((NP, DD), _F32),
    )(x_p, dego)


def _dense_body(p_ref, di_ref, do_ref, w_ref, b_ref, g_ref, be_ref, o_ref,
                *, scale_out):
    a = p_ref[...] * lax.rsqrt(jnp.maximum(di_ref[...], 1.0))
    y = jnp.dot(a, w_ref[...], preferred_element_type=_F32) + b_ref[...]
    mu = jnp.mean(y, axis=-1, keepdims=True)
    yc = y - mu
    var = jnp.mean(yc * yc, axis=-1, keepdims=True)
    h = jnp.maximum(yc * lax.rsqrt(var + 1e-5) * g_ref[...] + be_ref[...], 0.0)
    if scale_out:
        h = h * lax.rsqrt(jnp.maximum(do_ref[...], 1.0))
    o_ref[...] = h


def _dense_call(p, degi, dego, w, b, g, be, scale_out):
    return pl.pallas_call(
        functools.partial(_dense_body, scale_out=scale_out),
        grid=(NBLK,),
        in_specs=[
            pl.BlockSpec((BLK, DD), lambda i: (i, 0)),
            pl.BlockSpec((BLK, 1), lambda i: (i, 0)),
            pl.BlockSpec((BLK, 1), lambda i: (i, 0)),
            pl.BlockSpec((DD, DD), lambda i: (0, 0)),
            pl.BlockSpec((1, DD), lambda i: (0, 0)),
            pl.BlockSpec((1, DD), lambda i: (0, 0)),
            pl.BlockSpec((1, DD), lambda i: (0, 0)),
        ],
        out_specs=pl.BlockSpec((BLK, DD), lambda i: (i, 0)),
        out_shape=jax.ShapeDtypeStruct((NP, DD), _F32),
    )(p, degi, dego, w, b, g, be)


def _ln(y, g, b):
    mu = jnp.mean(y, axis=-1, keepdims=True)
    yc = y - mu
    var = jnp.mean(yc * yc, axis=-1, keepdims=True)
    return yc * lax.rsqrt(var + 1e-5) * g + b


def _l2n(v):
    n = jnp.sqrt(jnp.sum(v * v, axis=1, keepdims=True))
    return v / jnp.maximum(n, 1e-12)


def _head_body(
    h2_ref, gid_ref, maxp_ref, temp_ref, phys_ref, wt_ref, wp_ref,
    wc1_ref, bc1_ref, g3_ref, be3_ref, wc2_ref, bc2_ref, g4_ref, be4_ref,
    wc3_ref, bc3_ref, o_ref, macc, cacc,
):
    i = pl.program_id(0)

    @pl.when(i == 0)
    def _():
        macc[...] = jnp.zeros((BB, DD), _F32)
        cacc[...] = jnp.zeros((BB, DD), _F32)

    g = gid_ref[0]
    oh = (lax.broadcasted_iota(jnp.int32, (BB, BLK), 0) == g).astype(_F32)
    macc[...] += jnp.dot(oh, h2_ref[...], preferred_element_type=_F32)
    cacc[...] = cacc[...] + jnp.sum(oh, axis=1, keepdims=True)

    @pl.when(i == NBLK - 1)
    def _():
        mean = macc[...] / jnp.maximum(cacc[...], 1.0)
        mx = maxp_ref[...]
        temp = temp_ref[...]
        temp_f = jnp.maximum(
            jnp.dot(temp, wt_ref[...], preferred_element_type=_F32), 0.0
        )
        ph = jnp.concatenate([phys_ref[...], temp], axis=1)
        phys_f = jnp.maximum(
            jnp.dot(ph, wp_ref[...], preferred_element_type=_F32), 0.0
        )
        hg = jnp.concatenate([_l2n(mean), _l2n(mx), temp_f, phys_f], axis=1)
        o1 = jnp.maximum(
            _ln(jnp.dot(hg, wc1_ref[...], preferred_element_type=_F32)
                + bc1_ref[...], g3_ref[...], be3_ref[...]), 0.0)
        o2 = jnp.maximum(
            _ln(jnp.dot(o1, wc2_ref[...], preferred_element_type=_F32)
                + bc2_ref[...], g4_ref[...], be4_ref[...]), 0.0)
        o_ref[...] = (
            jnp.dot(o2, wc3_ref[...], preferred_element_type=_F32) + bc3_ref[...]
        )


def _head_call(h2, gids3, maxp, temp, phys, wt, wp, wc1, bc1, g3, be3,
               wc2, bc2, g4, be4, wc3, bc3):
    full = lambda shape: pl.BlockSpec(shape, lambda i: tuple(0 for _ in shape))
    return pl.pallas_call(
        _head_body,
        grid=(NBLK,),
        in_specs=[
            pl.BlockSpec((BLK, DD), lambda i: (i, 0)),
            pl.BlockSpec((1, 1, BLK), lambda i: (i, 0, 0)),
            full((BB, DD)),
            full((BB, 1)),
            full((BB, 8)),
            full((1, DD)),
            full((9, DD)),
            full((4 * DD, DD)),
            full((1, DD)),
            full((1, DD)),
            full((1, DD)),
            full((DD, DD)),
            full((1, DD)),
            full((1, DD)),
            full((1, DD)),
            full((DD, 16)),
            full((1, 16)),
        ],
        out_specs=full((BB, 16)),
        out_shape=jax.ShapeDtypeStruct((BB, 16), _F32),
        scratch_shapes=[
            pltpu.VMEM((BB, DD), _F32),
            pltpu.VMEM((BB, DD), _F32),
        ],
    )(h2, gids3, maxp, temp, phys, wt, wp, wc1, bc1, g3, be3,
      wc2, bc2, g4, be4, wc3, bc3)


def kernel(x, edge_index, node_graph_ids, temp, phys, W1, b1, W2, b2,
           g1, be1, g2, be2, g3, be3, g4, be4, Wt, Wp, Wc1, bc1, Wc2, bc2,
           Wc3, bc3):
    src = edge_index[0]
    dst = edge_index[1]
    x_p = jnp.zeros((NP, DD), _F32).at[:NN].set(x)
    gids_p = jnp.concatenate(
        [node_graph_ids, jnp.full((NP - NN,), BB, jnp.int32)]
    )
    gids3 = gids_p.reshape(NBLK, 1, BLK)

    r = lambda v: v.reshape(1, -1)

    dego, degi = _deg_call(src, dst)
    h0s = _scale_call(x_p, dego)
    p1 = jax.ops.segment_sum(h0s[src], dst, num_segments=NP)
    h1s = _dense_call(p1, degi, dego, W1, r(b1), r(g1), r(be1), scale_out=True)
    p2 = jax.ops.segment_sum(h1s[src], dst, num_segments=NP)
    h2 = _dense_call(p2, degi, dego, W2, r(b2), r(g2), r(be2), scale_out=False)
    mx = jax.ops.segment_max(h2[:NN], node_graph_ids, num_segments=BB,
                             indices_are_sorted=True)
    out = _head_call(h2, gids3, mx, temp, phys, Wt, Wp, Wc1, r(bc1),
                     r(g3), r(be3), Wc2, r(bc2), r(g4), r(be4), Wc3, r(bc3))
    return out

# --- scband reference (transcript-rebuilt; emitter-appended) ---
"""Pipeline reference for scband-sftmodel-67989332295844 (READ-ONLY COPY).

The authoritative reference and input builder live on the scoring server;
editing this copy changes nothing except your own understanding.
"""

import jax, jax.numpy as jnp
import numpy as np

N = 10000; E = 320000; D = 128; H = 128; B = 64; C = 16

def setup_inputs(seed: int = 0):
    key = jax.random.key(seed)
    ks = jax.random.split(key, 16)
    def w(k, shape, fan_in):
        return jax.random.normal(k, shape, jnp.float32) / np.sqrt(fan_in)
    inp = {}
    inp["x"] = jax.random.normal(ks[0], (N, D), jnp.float32)
    inp["edge_index"] = jax.random.randint(ks[1], (2, E), 0, N, dtype=jnp.int32)
    inp["node_graph_ids"] = jnp.sort(jax.random.randint(ks[2], (N,), 0, B, dtype=jnp.int32))
    inp["temp"] = jax.random.uniform(ks[3], (B, 1), dtype=jnp.float32)
    inp["phys"] = jax.random.normal(ks[4], (B, 8), jnp.float32)
    inp["W1"] = w(ks[5], (D, H), D); inp["b1"] = jnp.zeros((H,), jnp.float32)
    inp["W2"] = w(ks[6], (H, H), H); inp["b2"] = jnp.zeros((H,), jnp.float32)
    inp["g1"] = jnp.ones((H,), jnp.float32); inp["be1"] = jnp.zeros((H,), jnp.float32)
    inp["g2"] = jnp.ones((H,), jnp.float32); inp["be2"] = jnp.zeros((H,), jnp.float32)
    inp["g3"] = jnp.ones((H,), jnp.float32); inp["be3"] = jnp.zeros((H,), jnp.float32)
    inp["g4"] = jnp.ones((H,), jnp.float32); inp["be4"] = jnp.zeros((H,), jnp.float32)
    inp["Wt"] = w(ks[7], (1, H), 1)
    inp["Wp"] = w(ks[8], (9, H), 9)
    inp["Wc1"] = w(ks[9], (4 * H, H), 4 * H); inp["bc1"] = jnp.zeros((H,), jnp.float32)
    inp["Wc2"] = w(ks[10], (H, H), H); inp["bc2"] = jnp.zeros((H,), jnp.float32)
    inp["Wc3"] = w(ks[11], (H, C), H); inp["bc3"] = jnp.zeros((C,), jnp.float32)
    return inp

def layer_norm(x, g, b, eps=1e-5):
    mu = jnp.mean(x, axis=-1, keepdims=True)
    var = jnp.var(x, axis=-1, keepdims=True)
    return (x - mu) / jnp.sqrt(var + eps) * g + b

def l2norm(x, eps=1e-12):
    n = jnp.sqrt(jnp.sum(x * x, axis=1, keepdims=True))
    return x / jnp.maximum(n, eps)

def graph_conv(x, src, dst, W, b):
    n = x.shape[0]
    ones = jnp.ones((src.shape[0],), x.dtype)
    out_deg = jnp.clip(jax.ops.segment_sum(ones, src, num_segments=n), 1.0, None)
    h = x * (out_deg ** -0.5)[:, None]
    agg = jax.ops.segment_sum(h[src], dst, num_segments=n)
    in_deg = jnp.clip(jax.ops.segment_sum(ones, dst, num_segments=n), 1.0, None)
    agg = agg * (in_deg ** -0.5)[:, None]
    return agg @ W + b

def reference(x, edge_index, node_graph_ids, temp, phys, W1, b1, W2, b2, g1, be1, g2, be2, g3, be3, g4, be4, Wt, Wp, Wc1, bc1, Wc2, bc2, Wc3, bc3):
    src, dst = edge_index[0], edge_index[1]
    phys_f = jax.nn.relu(jnp.concatenate([phys, temp], axis=1) @ Wp)
    temp_f = jax.nn.relu(temp @ Wt)
    h1 = jax.nn.relu(layer_norm(graph_conv(x, src, dst, W1, b1), g1, be1))
    h1 = jax.nn.relu(layer_norm(graph_conv(h1, src, dst, W2, b2), g2, be2))
    counts = jnp.clip(jax.ops.segment_sum(jnp.ones((N,), h1.dtype), node_graph_ids, num_segments=B), 1.0, None)
    hg_mean = jax.ops.segment_sum(h1, node_graph_ids, num_segments=B) / counts[:, None]
    hg_max = jax.ops.segment_max(h1, node_graph_ids, num_segments=B, indices_are_sorted=True)
    hg = jnp.concatenate([l2norm(hg_mean), l2norm(hg_max), temp_f, phys_f], axis=1)
    out = jax.nn.relu(layer_norm(hg @ Wc1 + bc1, g3, be3))
    out = jax.nn.relu(layer_norm(out @ Wc2 + bc2, g4, be4))
    out = out @ Wc3 + bc3
    return out

if __name__ == "__main__":
    import jax
    _d = setup_inputs()
    print(jax.jit(kernel)(*tuple(_d.values())))

</pallas_src>

<mosaic_0001>
module attributes {stable_mosaic.version = 14 : i64} {
  func.func @_deg_body(%arg0: i32, %arg1: memref<1x1x1280xi32, #tpu.memory_space<vmem>>, %arg2: memref<1x1280x1xi32, #tpu.memory_space<vmem>>, %arg3: memref<1x1x1280xi32, #tpu.memory_space<vmem>>, %arg4: memref<1x1280x1xi32, #tpu.memory_space<vmem>>, %arg5: memref<80x128xf32, #tpu.memory_space<vmem>>, %arg6: memref<80x128xf32, #tpu.memory_space<vmem>>) attributes {dimension_semantics = [#tpu.dimension_semantics<arbitrary>], iteration_bounds = array<i64: 250>, scalar_prefetch = 0 : i64, scratch_operands = 0 : i64, tpu.core_type = #tpu.core_type<tc>, window_params = [{transform_indices = @transform_0, window_bounds = array<i64: 1, 1, 1280>}, {transform_indices = @transform_1, window_bounds = array<i64: 1, 1280, 1>}, {transform_indices = @transform_2, window_bounds = array<i64: 1, 1, 1280>}, {transform_indices = @transform_3, window_bounds = array<i64: 1, 1280, 1>}, {pipeline_mode = #tpu.pipeline_mode<synchronous>, transform_indices = @transform_4, window_bounds = array<i64: 80, 128>}, {pipeline_mode = #tpu.pipeline_mode<synchronous>, transform_indices = @transform_5, window_bounds = array<i64: 80, 128>}]} {
    %eq3A = arith.constant 0 : i32
    %eq3A_0 = arith.cmpi eq, %arg0, %eq3A : i32
    %convert_element_type3A = arith.extui %eq3A_0 : i1 to i32
    %cond3A = arith.constant 0 : i32
    %cond3A_1 = arith.cmpi ne, %convert_element_type3A, %cond3A : i32
    scf.if %cond3A_1 {
      %broadcast_in_dim3A = arith.constant 0.000000e+00 : f32
      %broadcast_in_dim3A_63 = vector.broadcast %broadcast_in_dim3A : f32 to vector<80x128xf32>
      %swap3A_64 = arith.constant 0 : index
      %swap3A_65 = arith.constant 0 : index
      %swap3A_66 = vector.load %arg5[%swap3A_64, %swap3A_65] : memref<80x128xf32, #tpu.memory_space<vmem>>, vector<80x128xf32>
      tpu.vector_store %arg5[%swap3A_64, %swap3A_65], %broadcast_in_dim3A_63 {strides = array<i32>} : memref<80x128xf32, #tpu.memory_space<vmem>>, vector<80x128xf32>,
      %broadcast_in_dim3A_67 = arith.constant 0.000000e+00 : f32
      %broadcast_in_dim3A_68 = vector.broadcast %broadcast_in_dim3A_67 : f32 to vector<80x128xf32>
      %swap3A_69 = arith.constant 0 : index
      %swap3A_70 = arith.constant 0 : index
      %swap3A_71 = vector.load %arg6[%swap3A_69, %swap3A_70] : memref<80x128xf32, #tpu.memory_space<vmem>>, vector<80x128xf32>
      tpu.vector_store %arg6[%swap3A_69, %swap3A_70], %broadcast_in_dim3A_68 {strides = array<i32>} : memref<80x128xf32, #tpu.memory_space<vmem>>, vector<80x128xf32>,
    } else {
    }
    %iota3A = tpu.iota {dimensions = array<i32: 0>} : vector<80x1280xi32>
    %iota3A_2 = tpu.iota {dimensions = array<i32: 1>} : vector<1280x128xi32>
    %get3A = arith.constant 0 : index
    %get3A_3 = arith.constant 0 : index
    %get3A_4 = arith.constant 0 : index
    %get3A_5 = vector.load %arg1[%get3A, %get3A_3, %get3A_4] : memref<1x1x1280xi32, #tpu.memory_space<vmem>>, vector<1x1x1280xi32>
    %get3A_6 = vector.shape_cast %get3A_5 : vector<1x1x1280xi32> to vector<1x1280xi32>
    %get3A_7 = arith.constant 0 : index
    %get3A_8 = arith.constant 0 : index
    %get3A_9 = arith.constant 0 : index
    %get3A_10 = vector.load %arg2[%get3A_7, %get3A_8, %get3A_9] : memref<1x1280x1xi32, #tpu.memory_space<vmem>>, vector<1x1280x1xi32>
    %get3A_11 = vector.shape_cast %get3A_10 : vector<1x1280x1xi32> to vector<1280x1xi32>
    %shift_right_arithmetic3A = arith.constant 7 : i32
    %shift_right_arithmetic3A_12 = vector.broadcast %shift_right_arithmetic3A : i32 to vector<1x1280xi32>
    %shift_right_arithmetic3A_13 = arith.shrsi %get3A_6, %shift_right_arithmetic3A_12 : vector<1x1280xi32>
    %eq3A_14 = vector.broadcast %shift_right_arithmetic3A_13 : vector<1x1280xi32> to vector<80x1280xi32>
    %eq3A_15 = arith.cmpi eq, %iota3A, %eq3A_14 : vector<80x1280xi32>
    %convert_element_type3A_16 = arith.extui %eq3A_15 : vector<80x1280xi1> to vector<80x1280xi32>
    %convert_element_type3A_17 = arith.sitofp %convert_element_type3A_16 : vector<80x1280xi32> to vector<80x1280xf32>
    %and3A = arith.constant 127 : i32
    %and3A_18 = vector.broadcast %and3A : i32 to vector<1280x1xi32>
    %and3A_19 = arith.andi %get3A_11, %and3A_18 : vector<1280x1xi32>
    %eq3A_20 = vector.broadcast %and3A_19 : vector<1280x1xi32> to vector<1280x128xi32>
    %eq3A_21 = arith.cmpi eq, %iota3A_2, %eq3A_20 : vector<1280x128xi32>
    %convert_element_type3A_22 = arith.extui %eq3A_21 : vector<1280x128xi1> to vector<1280x128xi32>
    %convert_element_type3A_23 = arith.sitofp %convert_element_type3A_22 : vector<1280x128xi32> to vector<1280x128xf32>
    %get3A_24 = arith.constant 0 : index
    %get3A_25 = arith.constant 0 : index
    %get3A_26 = vector.load %arg5[%get3A_24, %get3A_25] : memref<80x128xf32, #tpu.memory_space<vmem>>, vector<80x128xf32>
    %dot_general3A = arith.constant dense<0.000000e+00> : vector<80x128xf32>
    %dot_general3A_27 = tpu.matmul %convert_element_type3A_17, %convert_element_type3A_23, %dot_general3A {dimension_numbers = #tpu.dot_dimension_numbers<[1], [0], [0], [1], [0, 0, 1, 1], [], []>, transpose_lhs_hint = false} : vector<80x1280xf32>, vector<1280x128xf32>, vector<80x128xf32> -> vector<80x128xf32>
    %add3A = arith.addf %get3A_26, %dot_general3A_27 : vector<80x128xf32>
    %swap3A = arith.constant 0 : index
    %swap3A_28 = arith.constant 0 : index
    %swap3A_29 = vector.load %arg5[%swap3A, %swap3A_28] : memref<80x128xf32, #tpu.memory_space<vmem>>, vector<80x128xf32>
    tpu.vector_store %arg5[%swap3A, %swap3A_28], %add3A {strides = array<i32>} : memref<80x128xf32, #tpu.memory_space<vmem>>, vector<80x128xf32>,
    %get3A_30 = arith.constant 0 : index
    %get3A_31 = arith.constant 0 : index
    %get3A_32 = arith.constant 0 : index
    %get3A_33 = vector.load %arg3[%get3A_30, %get3A_31, %get3A_32] : memref<1x1x1280xi32, #tpu.memory_space<vmem>>, vector<1x1x1280xi32>
    %get3A_34 = vector.shape_cast %get3A_33 : vector<1x1x1280xi32> to vector<1x1280xi32>
    %get3A_35 = arith.constant 0 : index
    %get3A_36 = arith.constant 0 : index
    %get3A_37 = arith.constant 0 : index
    %get3A_38 = vector.load %arg4[%get3A_35, %get3A_36, %get3A_37] : memref<1x1280x1xi32, #tpu.memory_space<vmem>>, vector<1x1280x1xi32>
    %get3A_39 = vector.shape_cast %get3A_38 : vector<1x1280x1xi32> to vector<1280x1xi32>
    %shift_right_arithmetic3A_40 = arith.constant 7 : i32
    %shift_right_arithmetic3A_41 = vector.broadcast %shift_right_arithmetic3A_40 : i32 to vector<1x1280xi32>
    %shift_right_arithmetic3A_42 = arith.shrsi %get3A_34, %shift_right_arithmetic3A_41 : vector<1x1280xi32>
    %eq3A_43 = vector.broadcast %shift_right_arithmetic3A_42 : vector<1x1280xi32> to vector<80x1280xi32>
    %eq3A_44 = arith.cmpi eq, %iota3A, %eq3A_43 : vector<80x1280xi32>
    %convert_element_type3A_45 = arith.extui %eq3A_44 : vector<80x1280xi1> to vector<80x1280xi32>
    %convert_element_type3A_46 = arith.sitofp %convert_element_type3A_45 : vector<80x1280xi32> to vector<80x1280xf32>
    %and3A_47 = arith.constant 127 : i32
    %and3A_48 = vector.broadcast %and3A_47 : i32 to vector<1280x1xi32>
    %and3A_49 = arith.andi %get3A_39, %and3A_48 : vector<1280x1xi32>
    %eq3A_50 = vector.broadcast %and3A_49 : vector<1280x1xi32> to vector<1280x128xi32>
    %eq3A_51 = arith.cmpi eq, %iota3A_2, %eq3A_50 : vector<1280x128xi32>
    %convert_element_type3A_52 = arith.extui %eq3A_51 : vector<1280x128xi1> to vector<1280x128xi32>
    %convert_element_type3A_53 = arith.sitofp %convert_element_type3A_52 : vector<1280x128xi32> to vector<1280x128xf32>
    %get3A_54 = arith.constant 0 : index
    %get3A_55 = arith.constant 0 : index
    %get3A_56 = vector.load %arg6[%get3A_54, %get3A_55] : memref<80x128xf32, #tpu.memory_space<vmem>>, vector<80x128xf32>
    %dot_general3A_57 = arith.constant dense<0.000000e+00> : vector<80x128xf32>
    %dot_general3A_58 = tpu.matmul %convert_element_type3A_46, %convert_element_type3A_53, %dot_general3A_57 {dimension_numbers = #tpu.dot_dimension_numbers<[1], [0], [0], [1], [0, 0, 1, 1], [], []>, transpose_lhs_hint = false} : vector<80x1280xf32>, vector<1280x128xf32>, vector<80x128xf32> -> vector<80x128xf32>
    %add3A_59 = arith.addf %get3A_56, %dot_general3A_58 : vector<80x128xf32>
    %swap3A_60 = arith.constant 0 : index
    %swap3A_61 = arith.constant 0 : index
    %swap3A_62 = vector.load %arg6[%swap3A_60, %swap3A_61] : memref<80x128xf32, #tpu.memory_space<vmem>>, vector<80x128xf32>
    tpu.vector_store %arg6[%swap3A_60, %swap3A_61], %add3A_59 {strides = array<i32>} : memref<80x128xf32, #tpu.memory_space<vmem>>, vector<80x128xf32>,
    return
  }
  func.func @transform_0(%arg0: i32) -> (i32, i32, i32) {
    %c0_i32 = arith.constant 0 : i32
    %c0_i32_0 = arith.constant 0 : i32
    %c0_i32_1 = arith.constant 0 : i32
    return %arg0, %c0_i32, %c0_i32_0 : i32, i32, i32
  }
  func.func @transform_1(%arg0: i32) -> (i32, i32, i32) {
    %c0_i32 = arith.constant 0 : i32
    %c0_i32_0 = arith.constant 0 : i32
    %c0_i32_1 = arith.constant 0 : i32
    return %arg0, %c0_i32, %c0_i32_0 : i32, i32, i32
  }
  func.func @transform_2(%arg0: i32) -> (i32, i32, i32) {
    %c0_i32 = arith.constant 0 : i32
    %c0_i32_0 = arith.constant 0 : i32
    %c0_i32_1 = arith.constant 0 : i32
    return %arg0, %c0_i32, %c0_i32_0 : i32, i32, i32
  }
  func.func @transform_3(%arg0: i32) -> (i32, i32, i32) {
    %c0_i32 = arith.constant 0 : i32
    %c0_i32_0 = arith.constant 0 : i32
    %c0_i32_1 = arith.constant 0 : i32
    return %arg0, %c0_i32, %c0_i32_0 : i32, i32, i32
  }
  func.func @transform_4(%arg0: i32) -> (i32, i32) {
    %c0_i32 = arith.constant 0 : i32
    %c0_i32_0 = arith.constant 0 : i32
    %c0_i32_1 = arith.constant 0 : i32
    return %c0_i32, %c0_i32_0 : i32, i32
  }
  func.func @transform_5(%arg0: i32) -> (i32, i32) {
    %c0_i32 = arith.constant 0 : i32
    %c0_i32_0 = arith.constant 0 : i32
    %c0_i32_1 = arith.constant 0 : i32
    return %c0_i32, %c0_i32_0 : i32, i32
  }
}

module attributes {stable_mosaic.version = 14 : i64} {
  func.func @_scale_body(%arg0: i32, %arg1: memref<1024x128xf32, #tpu.memory_space<vmem>>, %arg2: memref<1024x1xf32, #tpu.memory_space<vmem>>, %arg3: memref<1024x128xf32, #tpu.memory_space<vmem>>) attributes {dimension_semantics = [#tpu.dimension_semantics<arbitrary>], iteration_bounds = array<i64: 10>, scalar_prefetch = 0 : i64, scratch_operands = 0 : i64, tpu.core_type = #tpu.core_type<tc>, window_params = [{transform_indices = @transform_0, window_bounds = array<i64: 1024, 128>}, {transform_indices = @transform_1, window_bounds = array<i64: 1024, 1>}, {transform_indices = @transform_2, window_bounds = array<i64: 1024, 128>}]} {
    %get3A = arith.constant 0 : index
    %get3A_0 = arith.constant 0 : index
    %get3A_1 = vector.load %arg1[%get3A, %get3A_0] : memref<1024x128xf32, #tpu.memory_space<vmem>>, vector<1024x128xf32>
    %get3A_2 = arith.constant 0 : index
    %get3A_3 = arith.constant 0 : index
    %get3A_4 = vector.load %arg2[%get3A_2, %get3A_3] : memref<1024x1xf32, #tpu.memory_space<vmem>>, vector<1024x1xf32>
    %max3A = arith.constant 1.000000e+00 : f32
    %max3A_5 = vector.broadcast %max3A : f32 to vector<1024x1xf32>
    %max3A_6 = arith.maximumf %get3A_4, %max3A_5 : vector<1024x1xf32>
    %rsqrt3A = math.rsqrt %max3A_6 : vector<1024x1xf32>
    %mul3A = vector.broadcast %rsqrt3A : vector<1024x1xf32> to vector<1024x128xf32>
    %mul3A_7 = arith.mulf %get3A_1, %mul3A : vector<1024x128xf32>
    %swap3A = arith.constant 0 : index
    %swap3A_8 = arith.constant 0 : index
    %swap3A_9 = vector.load %arg3[%swap3A, %swap3A_8] : memref<1024x128xf32, #tpu.memory_space<vmem>>, vector<1024x128xf32>
    tpu.vector_store %arg3[%swap3A, %swap3A_8], %mul3A_7 {strides = array<i32>} : memref<1024x128xf32, #tpu.memory_space<vmem>>, vector<1024x128xf32>,
    return
  }
  func.func @transform_0(%arg0: i32) -> (i32, i32) {
    %c0_i32 = arith.constant 0 : i32
    %c0_i32_0 = arith.constant 0 : i32
    return %arg0, %c0_i32 : i32, i32
  }
  func.func @transform_1(%arg0: i32) -> (i32, i32) {
    %c0_i32 = arith.constant 0 : i32
    %c0_i32_0 = arith.constant 0 : i32
    return %arg0, %c0_i32 : i32, i32
  }
  func.func @transform_2(%arg0: i32) -> (i32, i32) {
    %c0_i32 = arith.constant 0 : i32
    %c0_i32_0 = arith.constant 0 : i32
    return %arg0, %c0_i32 : i32, i32
  }
}

module attributes {stable_mosaic.version = 14 : i64} {
  func.func @_dense_body(%arg0: i32, %arg1: memref<1024x128xf32, #tpu.memory_space<vmem>>, %arg2: memref<1024x1xf32, #tpu.memory_space<vmem>>, %arg3: memref<1024x1xf32, #tpu.memory_space<vmem>>, %arg4: memref<128x128xf32, #tpu.memory_space<vmem>>, %arg5: memref<1x128xf32, #tpu.memory_space<vmem>>, %arg6: memref<1x128xf32, #tpu.memory_space<vmem>>, %arg7: memref<1x128xf32, #tpu.memory_space<vmem>>, %arg8: memref<1024x128xf32, #tpu.memory_space<vmem>>) attributes {dimension_semantics = [#tpu.dimension_semantics<arbitrary>], iteration_bounds = array<i64: 10>, scalar_prefetch = 0 : i64, scratch_operands = 0 : i64, tpu.core_type = #tpu.core_type<tc>, window_params = [{transform_indices = @transform_0, window_bounds = array<i64: 1024, 128>}, {transform_indices = @transform_1, window_bounds = array<i64: 1024, 1>}, {transform_indices = @transform_2, window_bounds = array<i64: 1024, 1>}, {pipeline_mode = #tpu.pipeline_mode<synchronous>, transform_indices = @transform_3, window_bounds = array<i64: 128, 128>}, {pipeline_mode = #tpu.pipeline_mode<synchronous>, transform_indices = @transform_4, window_bounds = array<i64: 1, 128>}, {pipeline_mode = #tpu.pipeline_mode<synchronous>, transform_indices = @transform_5, window_bounds = array<i64: 1, 128>}, {pipeline_mode = #tpu.pipeline_mode<synchronous>, transform_indices = @transform_6, window_bounds = array<i64: 1, 128>}, {transform_indices = @transform_7, window_bounds = array<i64: 1024, 128>}]} {
    %get3A = arith.constant 0 : index
    %get3A_0 = arith.constant 0 : index
    %get3A_1 = vector.load %arg1[%get3A, %get3A_0] : memref<1024x128xf32, #tpu.memory_space<vmem>>, vector<1024x128xf32>
    %get3A_2 = arith.constant 0 : index
    %get3A_3 = arith.constant 0 : index
    %get3A_4 = vector.load %arg2[%get3A_2, %get3A_3] : memref<1024x1xf32, #tpu.memory_space<vmem>>, vector<1024x1xf32>
    %max3A = arith.constant 1.000000e+00 : f32
    %max3A_5 = vector.broadcast %max3A : f32 to vector<1024x1xf32>
    %max3A_6 = arith.maximumf %get3A_4, %max3A_5 : vector<1024x1xf32>
    %rsqrt3A = math.rsqrt %max3A_6 : vector<1024x1xf32>
    %mul3A = vector.broadcast %rsqrt3A : vector<1024x1xf32> to vector<1024x128xf32>
    %mul3A_7 = arith.mulf %get3A_1, %mul3A : vector<1024x128xf32>
    %get3A_8 = arith.constant 0 : index
    %get3A_9 = arith.constant 0 : index
    %get3A_10 = vector.load %arg4[%get3A_8, %get3A_9] : memref<128x128xf32, #tpu.memory_space<vmem>>, vector<128x128xf32>
    %dot_general3A = arith.constant dense<0.000000e+00> : vector<1024x128xf32>
    %dot_general3A_11 = tpu.matmul %mul3A_7, %get3A_10, %dot_general3A {dimension_numbers = #tpu.dot_dimension_numbers<[1], [0], [0], [1], [0, 0, 1, 1], [], []>, transpose_lhs_hint = false} : vector<1024x128xf32>, vector<128x128xf32>, vector<1024x128xf32> -> vector<1024x128xf32>
    %get3A_12 = arith.constant 0 : index
    %get3A_13 = arith.constant 0 : index
    %get3A_14 = vector.load %arg5[%get3A_12, %get3A_13] : memref<1x128xf32, #tpu.memory_space<vmem>>, vector<1x128xf32>
    %add3A = vector.broadcast %get3A_14 : vector<1x128xf32> to vector<1024x128xf32>
    %add3A_15 = arith.addf %dot_general3A_11, %add3A : vector<1024x128xf32>
    %reduce_sum3A = arith.constant dense<0.000000e+00> : vector<1024xf32>
    %reduce_sum3A_16 = vector.multi_reduction <add>, %add3A_15, %reduce_sum3A [1] : vector<1024x128xf32> to vector<1024xf32>
    %broadcast_in_dim3A = vector.shape_cast %reduce_sum3A_16 : vector<1024xf32> to vector<1024x1xf32>
    %div3A = arith.constant 1.280000e+02 : f32
    %div3A_17 = vector.broadcast %div3A : f32 to vector<1024x1xf32>
    %div3A_18 = arith.divf %broadcast_in_dim3A, %div3A_17 : vector<1024x1xf32>
    %sub3A = vector.broadcast %div3A_18 : vector<1024x1xf32> to vector<1024x128xf32>
    %sub3A_19 = arith.subf %add3A_15, %sub3A : vector<1024x128xf32>
    %mul3A_20 = arith.mulf %sub3A_19, %sub3A_19 : vector<1024x128xf32>
    %reduce_sum3A_21 = arith.constant dense<0.000000e+00> : vector<1024xf32>
    %reduce_sum3A_22 = vector.multi_reduction <add>, %mul3A_20, %reduce_sum3A_21 [1] : vector<1024x128xf32> to vector<1024xf32>
    %broadcast_in_dim3A_23 = vector.shape_cast %reduce_sum3A_22 : vector<1024xf32> to vector<1024x1xf32>
    %div3A_24 = arith.constant 1.280000e+02 : f32
    %div3A_25 = vector.broadcast %div3A_24 : f32 to vector<1024x1xf32>
    %div3A_26 = arith.divf %broadcast_in_dim3A_23, %div3A_25 : vector<1024x1xf32>
    %add3A_27 = arith.constant 9.99999974E-6 : f32
    %add3A_28 = vector.broadcast %add3A_27 : f32 to vector<1024x1xf32>
    %add3A_29 = arith.addf %div3A_26, %add3A_28 : vector<1024x1xf32>
    %rsqrt3A_30 = math.rsqrt %add3A_29 : vector<1024x1xf32>
    %mul3A_31 = vector.broadcast %rsqrt3A_30 : vector<1024x1xf32> to vector<1024x128xf32>
    %mul3A_32 = arith.mulf %sub3A_19, %mul3A_31 : vector<1024x128xf32>
    %get3A_33 = arith.constant 0 : index
    %get3A_34 = arith.constant 0 : index
    %get3A_35 = vector.load %arg6[%get3A_33, %get3A_34] : memref<1x128xf32, #tpu.memory_space<vmem>>, vector<1x128xf32>
    %mul3A_36 = vector.broadcast %get3A_35 : vector<1x128xf32> to vector<1024x128xf32>
    %mul3A_37 = arith.mulf %mul3A_32, %mul3A_36 : vector<1024x128xf32>
    %get3A_38 = arith.constant 0 : index
    %get3A_39 = arith.constant 0 : index
    %get3A_40 = vector.load %arg7[%get3A_38, %get3A_39] : memref<1x128xf32, #tpu.memory_space<vmem>>, vector<1x128xf32>
    %add3A_41 = vector.broadcast %get3A_40 : vector<1x128xf32> to vector<1024x128xf32>
    %add3A_42 = arith.addf %mul3A_37, %add3A_41 : vector<1024x128xf32>
    %max3A_43 = arith.constant 0.000000e+00 : f32
    %max3A_44 = vector.broadcast %max3A_43 : f32 to vector<1024x128xf32>
    %max3A_45 = arith.maximumf %add3A_42, %max3A_44 : vector<1024x128xf32>
    %get3A_46 = arith.constant 0 : index
    %get3A_47 = arith.constant 0 : index
    %get3A_48 = vector.load %arg3[%get3A_46, %get3A_47] : memref<1024x1xf32, #tpu.memory_space<vmem>>, vector<1024x1xf32>
    %max3A_49 = arith.constant 1.000000e+00 : f32
    %max3A_50 = vector.broadcast %max3A_49 : f32 to vector<1024x1xf32>
    %max3A_51 = arith.maximumf %get3A_48, %max3A_50 : vector<1024x1xf32>
    %rsqrt3A_52 = math.rsqrt %max3A_51 : vector<1024x1xf32>
    %mul3A_53 = vector.broadcast %rsqrt3A_52 : vector<1024x1xf32> to vector<1024x128xf32>
    %mul3A_54 = arith.mulf %max3A_45, %mul3A_53 : vector<1024x128xf32>
    %swap3A = arith.constant 0 : index
    %swap3A_55 = arith.constant 0 : index
    %swap3A_56 = vector.load %arg8[%swap3A, %swap3A_55] : memref<1024x128xf32, #tpu.memory_space<vmem>>, vector<1024x128xf32>
    tpu.vector_store %arg8[%swap3A, %swap3A_55], %mul3A_54 {strides = array<i32>} : memref<1024x128xf32, #tpu.memory_space<vmem>>, vector<1024x128xf32>,
    return
  }
  func.func @transform_0(%arg0: i32) -> (i32, i32) {
    %c0_i32 = arith.constant 0 : i32
    %c0_i32_0 = arith.constant 0 : i32
    return %arg0, %c0_i32 : i32, i32
  }
  func.func @transform_1(%arg0: i32) -> (i32, i32) {
    %c0_i32 = arith.constant 0 : i32
    %c0_i32_0 = arith.constant 0 : i32
    return %arg0, %c0_i32 : i32, i32
  }
  func.func @transform_2(%arg0: i32) -> (i32, i32) {
    %c0_i32 = arith.constant 0 : i32
    %c0_i32_0 = arith.constant 0 : i32
    return %arg0, %c0_i32 : i32, i32
  }
  func.func @transform_3(%arg0: i32) -> (i32, i32) {
    %c0_i32 = arith.constant 0 : i32
    %c0_i32_0 = arith.constant 0 : i32
    %c0_i32_1 = arith.constant 0 : i32
    return %c0_i32, %c0_i32_0 : i32, i32
  }
  func.func @transform_4(%arg0: i32) -> (i32, i32) {
    %c0_i32 = arith.constant 0 : i32
    %c0_i32_0 = arith.constant 0 : i32
    %c0_i32_1 = arith.constant 0 : i32
    return %c0_i32, %c0_i32_0 : i32, i32
  }
  func.func @transform_5(%arg0: i32) -> (i32, i32) {
    %c0_i32 = arith.constant 0 : i32
    %c0_i32_0 = arith.constant 0 : i32
    %c0_i32_1 = arith.constant 0 : i32
    return %c0_i32, %c0_i32_0 : i32, i32
  }
  func.func @transform_6(%arg0: i32) -> (i32, i32) {
    %c0_i32 = arith.constant 0 : i32
    %c0_i32_0 = arith.constant 0 : i32
    %c0_i32_1 = arith.constant 0 : i32
    return %c0_i32, %c0_i32_0 : i32, i32
  }
  func.func @transform_7(%arg0: i32) -> (i32, i32) {
    %c0_i32 = arith.constant 0 : i32
    %c0_i32_0 = arith.constant 0 : i32
    return %arg0, %c0_i32 : i32, i32
  }
}

module attributes {stable_mosaic.version = 14 : i64} {
  func.func @_dense_body(%arg0: i32, %arg1: memref<1024x128xf32, #tpu.memory_space<vmem>>, %arg2: memref<1024x1xf32, #tpu.memory_space<vmem>>, %arg3: memref<1024x1xf32, #tpu.memory_space<vmem>>, %arg4: memref<128x128xf32, #tpu.memory_space<vmem>>, %arg5: memref<1x128xf32, #tpu.memory_space<vmem>>, %arg6: memref<1x128xf32, #tpu.memory_space<vmem>>, %arg7: memref<1x128xf32, #tpu.memory_space<vmem>>, %arg8: memref<1024x128xf32, #tpu.memory_space<vmem>>) attributes {dimension_semantics = [#tpu.dimension_semantics<arbitrary>], iteration_bounds = array<i64: 10>, scalar_prefetch = 0 : i64, scratch_operands = 0 : i64, tpu.core_type = #tpu.core_type<tc>, window_params = [{transform_indices = @transform_0, window_bounds = array<i64: 1024, 128>}, {transform_indices = @transform_1, window_bounds = array<i64: 1024, 1>}, {transform_indices = @transform_2, window_bounds = array<i64: 1024, 1>}, {pipeline_mode = #tpu.pipeline_mode<synchronous>, transform_indices = @transform_3, window_bounds = array<i64: 128, 128>}, {pipeline_mode = #tpu.pipeline_mode<synchronous>, transform_indices = @transform_4, window_bounds = array<i64: 1, 128>}, {pipeline_mode = #tpu.pipeline_mode<synchronous>, transform_indices = @transform_5, window_bounds = array<i64: 1, 128>}, {pipeline_mode = #tpu.pipeline_mode<synchronous>, transform_indices = @transform_6, window_bounds = array<i64: 1, 128>}, {transform_indices = @transform_7, window_bounds = array<i64: 1024, 128>}]} {
    %get3A = arith.constant 0 : index
    %get3A_0 = arith.constant 0 : index
    %get3A_1 = vector.load %arg1[%get3A, %get3A_0] : memref<1024x128xf32, #tpu.memory_space<vmem>>, vector<1024x128xf32>
    %get3A_2 = arith.constant 0 : index
    %get3A_3 = arith.constant 0 : index
    %get3A_4 = vector.load %arg2[%get3A_2, %get3A_3] : memref<1024x1xf32, #tpu.memory_space<vmem>>, vector<1024x1xf32>
    %max3A = arith.constant 1.000000e+00 : f32
    %max3A_5 = vector.broadcast %max3A : f32 to vector<1024x1xf32>
    %max3A_6 = arith.maximumf %get3A_4, %max3A_5 : vector<1024x1xf32>
    %rsqrt3A = math.rsqrt %max3A_6 : vector<1024x1xf32>
    %mul3A = vector.broadcast %rsqrt3A : vector<1024x1xf32> to vector<1024x128xf32>
    %mul3A_7 = arith.mulf %get3A_1, %mul3A : vector<1024x128xf32>
    %get3A_8 = arith.constant 0 : index
    %get3A_9 = arith.constant 0 : index
    %get3A_10 = vector.load %arg4[%get3A_8, %get3A_9] : memref<128x128xf32, #tpu.memory_space<vmem>>, vector<128x128xf32>
    %dot_general3A = arith.constant dense<0.000000e+00> : vector<1024x128xf32>
    %dot_general3A_11 = tpu.matmul %mul3A_7, %get3A_10, %dot_general3A {dimension_numbers = #tpu.dot_dimension_numbers<[1], [0], [0], [1], [0, 0, 1, 1], [], []>, transpose_lhs_hint = false} : vector<1024x128xf32>, vector<128x128xf32>, vector<1024x128xf32> -> vector<1024x128xf32>
    %get3A_12 = arith.constant 0 : index
    %get3A_13 = arith.constant 0 : index
    %get3A_14 = vector.load %arg5[%get3A_12, %get3A_13] : memref<1x128xf32, #tpu.memory_space<vmem>>, vector<1x128xf32>
    %add3A = vector.broadcast %get3A_14 : vector<1x128xf32> to vector<1024x128xf32>
    %add3A_15 = arith.addf %dot_general3A_11, %add3A : vector<1024x128xf32>
    %reduce_sum3A = arith.constant dense<0.000000e+00> : vector<1024xf32>
    %reduce_sum3A_16 = vector.multi_reduction <add>, %add3A_15, %reduce_sum3A [1] : vector<1024x128xf32> to vector<1024xf32>
    %broadcast_in_dim3A = vector.shape_cast %reduce_sum3A_16 : vector<1024xf32> to vector<1024x1xf32>
    %div3A = arith.constant 1.280000e+02 : f32
    %div3A_17 = vector.broadcast %div3A : f32 to vector<1024x1xf32>
    %div3A_18 = arith.divf %broadcast_in_dim3A, %div3A_17 : vector<1024x1xf32>
    %sub3A = vector.broadcast %div3A_18 : vector<1024x1xf32> to vector<1024x128xf32>
    %sub3A_19 = arith.subf %add3A_15, %sub3A : vector<1024x128xf32>
    %mul3A_20 = arith.mulf %sub3A_19, %sub3A_19 : vector<1024x128xf32>
    %reduce_sum3A_21 = arith.constant dense<0.000000e+00> : vector<1024xf32>
    %reduce_sum3A_22 = vector.multi_reduction <add>, %mul3A_20, %reduce_sum3A_21 [1] : vector<1024x128xf32> to vector<1024xf32>
    %broadcast_in_dim3A_23 = vector.shape_cast %reduce_sum3A_22 : vector<1024xf32> to vector<1024x1xf32>
    %div3A_24 = arith.constant 1.280000e+02 : f32
    %div3A_25 = vector.broadcast %div3A_24 : f32 to vector<1024x1xf32>
    %div3A_26 = arith.divf %broadcast_in_dim3A_23, %div3A_25 : vector<1024x1xf32>
    %add3A_27 = arith.constant 9.99999974E-6 : f32
    %add3A_28 = vector.broadcast %add3A_27 : f32 to vector<1024x1xf32>
    %add3A_29 = arith.addf %div3A_26, %add3A_28 : vector<1024x1xf32>
    %rsqrt3A_30 = math.rsqrt %add3A_29 : vector<1024x1xf32>
    %mul3A_31 = vector.broadcast %rsqrt3A_30 : vector<1024x1xf32> to vector<1024x128xf32>
    %mul3A_32 = arith.mulf %sub3A_19, %mul3A_31 : vector<1024x128xf32>
    %get3A_33 = arith.constant 0 : index
    %get3A_34 = arith.constant 0 : index
    %get3A_35 = vector.load %arg6[%get3A_33, %get3A_34] : memref<1x128xf32, #tpu.memory_space<vmem>>, vector<1x128xf32>
    %mul3A_36 = vector.broadcast %get3A_35 : vector<1x128xf32> to vector<1024x128xf32>
    %mul3A_37 = arith.mulf %mul3A_32, %mul3A_36 : vector<1024x128xf32>
    %get3A_38 = arith.constant 0 : index
    %get3A_39 = arith.constant 0 : index
    %get3A_40 = vector.load %arg7[%get3A_38, %get3A_39] : memref<1x128xf32, #tpu.memory_space<vmem>>, vector<1x128xf32>
    %add3A_41 = vector.broadcast %get3A_40 : vector<1x128xf32> to vector<1024x128xf32>
    %add3A_42 = arith.addf %mul3A_37, %add3A_41 : vector<1024x128xf32>
    %max3A_43 = arith.constant 0.000000e+00 : f32
    %max3A_44 = vector.broadcast %max3A_43 : f32 to vector<1024x128xf32>
    %max3A_45 = arith.maximumf %add3A_42, %max3A_44 : vector<1024x128xf32>
    %swap3A = arith.constant 0 : index
    %swap3A_46 = arith.constant 0 : index
    %swap3A_47 = vector.load %arg8[%swap3A, %swap3A_46] : memref<1024x128xf32, #tpu.memory_space<vmem>>, vector<1024x128xf32>
    tpu.vector_store %arg8[%swap3A, %swap3A_46], %max3A_45 {strides = array<i32>} : memref<1024x128xf32, #tpu.memory_space<vmem>>, vector<1024x128xf32>,
    return
  }
  func.func @transform_0(%arg0: i32) -> (i32, i32) {
    %c0_i32 = arith.constant 0 : i32
    %c0_i32_0 = arith.constant 0 : i32
    return %arg0, %c0_i32 : i32, i32
  }
  func.func @transform_1(%arg0: i32) -> (i32, i32) {
    %c0_i32 = arith.constant 0 : i32
    %c0_i32_0 = arith.constant 0 : i32
    return %arg0, %c0_i32 : i32, i32
  }
  func.func @transform_2(%arg0: i32) -> (i32, i32) {
    %c0_i32 = arith.constant 0 : i32
    %c0_i32_0 = arith.constant 0 : i32
    return %arg0, %c0_i32 : i32, i32
  }
  func.func @transform_3(%arg0: i32) -> (i32, i32) {
    %c0_i32 = arith.constant 0 : i32
    %c0_i32_0 = arith.constant 0 : i32
    %c0_i32_1 = arith.constant 0 : i32
    return %c0_i32, %c0_i32_0 : i32, i32
  }
  func.func @transform_4(%arg0: i32) -> (i32, i32) {
    %c0_i32 = arith.constant 0 : i32
    %c0_i32_0 = arith.constant 0 : i32
    %c0_i32_1 = arith.constant 0 : i32
    return %c0_i32, %c0_i32_0 : i32, i32
  }
  func.func @transform_5(%arg0: i32) -> (i32, i32) {
    %c0_i32 = arith.constant 0 : i32
    %c0_i32_0 = arith.constant 0 : i32
    %c0_i32_1 = arith.constant 0 : i32
    return %c0_i32, %c0_i32_0 : i32, i32
  }
  func.func @transform_6(%arg0: i32) -> (i32, i32) {
    %c0_i32 = arith.constant 0 : i32
    %c0_i32_0 = arith.constant 0 : i32
    %c0_i32_1 = arith.constant 0 : i32
    return %c0_i32, %c0_i32_0 : i32, i32
  }
  func.func @transform_7(%arg0: i32) -> (i32, i32) {
    %c0_i32 = arith.constant 0 : i32
    %c0_i32_0 = arith.constant 0 : i32
    return %arg0, %c0_i32 : i32, i32
  }
}

module attributes {stable_mosaic.version = 14 : i64} {
  func.func @_head_body(%arg0: i32, %arg1: memref<1024x128xf32, #tpu.memory_space<vmem>>, %arg2: memref<1x1x1024xi32, #tpu.memory_space<vmem>>, %arg3: memref<64x128xf32, #tpu.memory_space<vmem>>, %arg4: memref<64x1xf32, #tpu.memory_space<vmem>>, %arg5: memref<64x8xf32, #tpu.memory_space<vmem>>, %arg6: memref<1x128xf32, #tpu.memory_space<vmem>>, %arg7: memref<9x128xf32, #tpu.memory_space<vmem>>, %arg8: memref<512x128xf32, #tpu.memory_space<vmem>>, %arg9: memref<1x128xf32, #tpu.memory_space<vmem>>, %arg10: memref<1x128xf32, #tpu.memory_space<vmem>>, %arg11: memref<1x128xf32, #tpu.memory_space<vmem>>, %arg12: memref<128x128xf32, #tpu.memory_space<vmem>>, %arg13: memref<1x128xf32, #tpu.memory_space<vmem>>, %arg14: memref<1x128xf32, #tpu.memory_space<vmem>>, %arg15: memref<1x128xf32, #tpu.memory_space<vmem>>, %arg16: memref<128x16xf32, #tpu.memory_space<vmem>>, %arg17: memref<1x16xf32, #tpu.memory_space<vmem>>, %arg18: memref<64x16xf32, #tpu.memory_space<vmem>>, %arg19: memref<64x128xf32, #tpu.memory_space<vmem>>, %arg20: memref<64x128xf32, #tpu.memory_space<vmem>>) attributes {dimension_semantics = [#tpu.dimension_semantics<arbitrary>], iteration_bounds = array<i64: 10>, scalar_prefetch = 0 : i64, scratch_operands = 2 : i64, tpu.core_type = #tpu.core_type<tc>, window_params = [{transform_indices = @transform_0, window_bounds = array<i64: 1024, 128>}, {transform_indices = @transform_1, window_bounds = array<i64: 1, 1, 1024>}, {pipeline_mode = #tpu.pipeline_mode<synchronous>, transform_indices = @transform_2, window_bounds = array<i64: 64, 128>}, {pipeline_mode = #tpu.pipeline_mode<synchronous>, transform_indices = @transform_3, window_bounds = array<i64: 64, 1>}, {pipeline_mode = #tpu.pipeline_mode<synchronous>, transform_indices = @transform_4, window_bounds = array<i64: 64, 8>}, {pipeline_mode = #tpu.pipeline_mode<synchronous>, transform_indices = @transform_5, window_bounds = array<i64: 1, 128>}, {pipeline_mode = #tpu.pipeline_mode<synchronous>, transform_indices = @transform_6, window_bounds = array<i64: 9, 128>}, {pipeline_mode = #tpu.pipeline_mode<synchronous>, transform_indices = @transform_7, window_bounds = array<i64: 512, 128>}, {pipeline_mode = #tpu.pipeline_mode<synchronous>, transform_indices = @transform_8, window_bounds = array<i64: 1, 128>}, {pipeline_mode = #tpu.pipeline_mode<synchronous>, transform_indices = @transform_9, window_bounds = array<i64: 1, 128>}, {pipeline_mode = #tpu.pipeline_mode<synchronous>, transform_indices = @transform_10, window_bounds = array<i64: 1, 128>}, {pipeline_mode = #tpu.pipeline_mode<synchronous>, transform_indices = @transform_11, window_bounds = array<i64: 128, 128>}, {pipeline_mode = #tpu.pipeline_mode<synchronous>, transform_indices = @transform_12, window_bounds = array<i64: 1, 128>}, {pipeline_mode = #tpu.pipeline_mode<synchronous>, transform_indices = @transform_13, window_bounds = array<i64: 1, 128>}, {pipeline_mode = #tpu.pipeline_mode<synchronous>, transform_indices = @transform_14, window_bounds = array<i64: 1, 128>}, {pipeline_mode = #tpu.pipeline_mode<synchronous>, transform_indices = @transform_15, window_bounds = array<i64: 128, 16>}, {pipeline_mode = #tpu.pipeline_mode<synchronous>, transform_indices = @transform_16, window_bounds = array<i64: 1, 16>}, {pipeline_mode = #tpu.pipeline_mode<synchronous>, transform_indices = @transform_17, window_bounds = array<i64: 64, 16>}]} {
    %eq3A = arith.constant 0 : i32
    %eq3A_0 = arith.cmpi eq, %arg0, %eq3A : i32
    %convert_element_type3A = arith.extui %eq3A_0 : i1 to i32
    %cond3A = arith.constant 0 : i32
    %cond3A_1 = arith.cmpi ne, %convert_element_type3A, %cond3A : i32
    scf.if %cond3A_1 {
      %broadcast_in_dim3A_33 = arith.constant 0.000000e+00 : f32
      %broadcast_in_dim3A_34 = vector.broadcast %broadcast_in_dim3A_33 : f32 to vector<64x128xf32>
      %swap3A_35 = arith.constant 0 : index
      %swap3A_36 = arith.constant 0 : index
      %swap3A_37 = vector.load %arg19[%swap3A_35, %swap3A_36] : memref<64x128xf32, #tpu.memory_space<vmem>>, vector<64x128xf32>
      tpu.vector_store %arg19[%swap3A_35, %swap3A_36], %broadcast_in_dim3A_34 {strides = array<i32>} : memref<64x128xf32, #tpu.memory_space<vmem>>, vector<64x128xf32>,
      %broadcast_in_dim3A_38 = arith.constant 0.000000e+00 : f32
      %broadcast_in_dim3A_39 = vector.broadcast %broadcast_in_dim3A_38 : f32 to vector<64x128xf32>
      %swap3A_40 = arith.constant 0 : index
      %swap3A_41 = arith.constant 0 : index
      %swap3A_42 = vector.load %arg20[%swap3A_40, %swap3A_41] : memref<64x128xf32, #tpu.memory_space<vmem>>, vector<64x128xf32>
      tpu.vector_store %arg20[%swap3A_40, %swap3A_41], %broadcast_in_dim3A_39 {strides = array<i32>} : memref<64x128xf32, #tpu.memory_space<vmem>>, vector<64x128xf32>,
    } else {
    }
    %get3A = arith.constant 0 : index
    %get3A_2 = arith.constant 0 : index
    %get3A_3 = arith.constant 0 : index
    %get3A_4 = vector.load %arg2[%get3A, %get3A_2, %get3A_3] : memref<1x1x1024xi32, #tpu.memory_space<vmem>>, vector<1x1x1024xi32>
    %get3A_5 = vector.shape_cast %get3A_4 : vector<1x1x1024xi32> to vector<1x1024xi32>
    %iota3A = tpu.iota {dimensions = array<i32: 0>} : vector<64x1024xi32>
    %eq3A_6 = vector.broadcast %get3A_5 : vector<1x1024xi32> to vector<64x1024xi32>
    %eq3A_7 = arith.cmpi eq, %iota3A, %eq3A_6 : vector<64x1024xi32>
    %convert_element_type3A_8 = arith.extui %eq3A_7 : vector<64x1024xi1> to vector<64x1024xi32>
    %convert_element_type3A_9 = arith.sitofp %convert_element_type3A_8 : vector<64x1024xi32> to vector<64x1024xf32>
    %get3A_10 = arith.constant 0 : index
    %get3A_11 = arith.constant 0 : index
    %get3A_12 = vector.load %arg19[%get3A_10, %get3A_11] : memref<64x128xf32, #tpu.memory_space<vmem>>, vector<64x128xf32>
    %get3A_13 = arith.constant 0 : index
    %get3A_14 = arith.constant 0 : index
    %get3A_15 = vector.load %arg1[%get3A_13, %get3A_14] : memref<1024x128xf32, #tpu.memory_space<vmem>>, vector<1024x128xf32>
    %dot_general3A = arith.constant dense<0.000000e+00> : vector<64x128xf32>
    %dot_general3A_16 = tpu.matmul %convert_element_type3A_9, %get3A_15, %dot_general3A {dimension_numbers = #tpu.dot_dimension_numbers<[1], [0], [0], [1], [0, 0, 1, 1], [], []>, transpose_lhs_hint = false} : vector<64x1024xf32>, vector<1024x128xf32>, vector<64x128xf32> -> vector<64x128xf32>
    %add3A = arith.addf %get3A_12, %dot_general3A_16 : vector<64x128xf32>
    %swap3A = arith.constant 0 : index
    %swap3A_17 = arith.constant 0 : index
    %swap3A_18 = vector.load %arg19[%swap3A, %swap3A_17] : memref<64x128xf32, #tpu.memory_space<vmem>>, vector<64x128xf32>
    tpu.vector_store %arg19[%swap3A, %swap3A_17], %add3A {strides = array<i32>} : memref<64x128xf32, #tpu.memory_space<vmem>>, vector<64x128xf32>,
    %get3A_19 = arith.constant 0 : index
    %get3A_20 = arith.constant 0 : index
    %get3A_21 = vector.load %arg20[%get3A_19, %get3A_20] : memref<64x128xf32, #tpu.memory_space<vmem>>, vector<64x128xf32>
    %reduce_sum3A = arith.constant dense<0.000000e+00> : vector<64xf32>
    %reduce_sum3A_22 = vector.multi_reduction <add>, %convert_element_type3A_9, %reduce_sum3A [1] : vector<64x1024xf32> to vector<64xf32>
    %broadcast_in_dim3A = vector.shape_cast %reduce_sum3A_22 : vector<64xf32> to vector<64x1xf32>
    %add3A_23 = vector.broadcast %broadcast_in_dim3A : vector<64x1xf32> to vector<64x128xf32>
    %add3A_24 = arith.addf %get3A_21, %add3A_23 : vector<64x128xf32>
    %swap3A_25 = arith.constant 0 : index
    %swap3A_26 = arith.constant 0 : index
    %swap3A_27 = vector.load %arg20[%swap3A_25, %swap3A_26] : memref<64x128xf32, #tpu.memory_space<vmem>>, vector<64x128xf32>
    tpu.vector_store %arg20[%swap3A_25, %swap3A_26], %add3A_24 {strides = array<i32>} : memref<64x128xf32, #tpu.memory_space<vmem>>, vector<64x128xf32>,
    %eq3A_28 = arith.constant 9 : i32
    %eq3A_29 = arith.cmpi eq, %arg0, %eq3A_28 : i32
    %convert_element_type3A_30 = arith.extui %eq3A_29 : i1 to i32
    %cond3A_31 = arith.constant 0 : i32
    %cond3A_32 = arith.cmpi ne, %convert_element_type3A_30, %cond3A_31 : i32
    scf.if %cond3A_32 {
      %get3A_33 = arith.constant 0 : index
      %get3A_34 = arith.constant 0 : index
      %get3A_35 = vector.load %arg19[%get3A_33, %get3A_34] : memref<64x128xf32, #tpu.memory_space<vmem>>, vector<64x128xf32>
      %get3A_36 = arith.constant 0 : index
      %get3A_37 = arith.constant 0 : index
      %get3A_38 = vector.load %arg20[%get3A_36, %get3A_37] : memref<64x128xf32, #tpu.memory_space<vmem>>, vector<64x128xf32>
      %max3A = arith.constant 1.000000e+00 : f32
      %max3A_39 = vector.broadcast %max3A : f32 to vector<64x128xf32>
      %max3A_40 = arith.maximumf %get3A_38, %max3A_39 : vector<64x128xf32>
      %div3A = arith.divf %get3A_35, %max3A_40 : vector<64x128xf32>
      %get3A_41 = arith.constant 0 : index
      %get3A_42 = arith.constant 0 : index
      %get3A_43 = vector.load %arg3[%get3A_41, %get3A_42] : memref<64x128xf32, #tpu.memory_space<vmem>>, vector<64x128xf32>
      %get3A_44 = arith.constant 0 : index
      %get3A_45 = arith.constant 0 : index
      %get3A_46 = vector.load %arg4[%get3A_44, %get3A_45] : memref<64x1xf32, #tpu.memory_space<vmem>>, vector<64x1xf32>
      %get3A_47 = arith.constant 0 : index
      %get3A_48 = arith.constant 0 : index
      %get3A_49 = vector.load %arg6[%get3A_47, %get3A_48] : memref<1x128xf32, #tpu.memory_space<vmem>>, vector<1x128xf32>
      %dot_general3A_50 = arith.constant dense<0.000000e+00> : vector<64x128xf32>
      %dot_general3A_51 = tpu.matmul %get3A_46, %get3A_49, %dot_general3A_50 {dimension_numbers = #tpu.dot_dimension_numbers<[1], [0], [0], [1], [0, 0, 1, 1], [], []>, transpose_lhs_hint = false} : vector<64x1xf32>, vector<1x128xf32>, vector<64x128xf32> -> vector<64x128xf32>
      %max3A_52 = arith.constant 0.000000e+00 : f32
      %max3A_53 = vector.broadcast %max3A_52 : f32 to vector<64x128xf32>
      %max3A_54 = arith.maximumf %dot_general3A_51, %max3A_53 : vector<64x128xf32>
      %get3A_55 = arith.constant 0 : index
      %get3A_56 = arith.constant 0 : index
      %get3A_57 = vector.load %arg5[%get3A_55, %get3A_56] : memref<64x8xf32, #tpu.memory_space<vmem>>, vector<64x8xf32>
      %concatenate3A = tpu.concatenate %get3A_57, %get3A_46 in 1 : vector<64x8xf32>, vector<64x1xf32> -> vector<64x9xf32>
      %get3A_58 = arith.constant 0 : index
      %get3A_59 = arith.constant 0 : index
      %get3A_60 = vector.load %arg7[%get3A_58, %get3A_59] : memref<9x128xf32, #tpu.memory_space<vmem>>, vector<9x128xf32>
      %dot_general3A_61 = arith.constant dense<0.000000e+00> : vector<64x128xf32>
      %dot_general3A_62 = tpu.matmul %concatenate3A, %get3A_60, %dot_general3A_61 {dimension_numbers = #tpu.dot_dimension_numbers<[1], [0], [0], [1], [0, 0, 1, 1], [], []>, transpose_lhs_hint = false} : vector<64x9xf32>, vector<9x128xf32>, vector<64x128xf32> -> vector<64x128xf32>
      %max3A_63 = arith.constant 0.000000e+00 : f32
      %max3A_64 = vector.broadcast %max3A_63 : f32 to vector<64x128xf32>
      %max3A_65 = arith.maximumf %dot_general3A_62, %max3A_64 : vector<64x128xf32>
      %mul3A = arith.mulf %div3A, %div3A : vector<64x128xf32>
      %reduce_sum3A_66 = arith.constant dense<0.000000e+00> : vector<64xf32>
      %reduce_sum3A_67 = vector.multi_reduction <add>, %mul3A, %reduce_sum3A_66 [1] : vector<64x128xf32> to vector<64xf32>
      %broadcast_in_dim3A_68 = vector.shape_cast %reduce_sum3A_67 : vector<64xf32> to vector<64x1xf32>
      %sqrt3A = math.sqrt %broadcast_in_dim3A_68 : vector<64x1xf32>
      %max3A_69 = arith.constant 9.99999996E-13 : f32
      %max3A_70 = vector.broadcast %max3A_69 : f32 to vector<64x1xf32>
      %max3A_71 = arith.maximumf %sqrt3A, %max3A_70 : vector<64x1xf32>
      %div3A_72 = vector.broadcast %max3A_71 : vector<64x1xf32> to vector<64x128xf32>
      %div3A_73 = arith.divf %div3A, %div3A_72 : vector<64x128xf32>
      %mul3A_74 = arith.mulf %get3A_43, %get3A_43 : vector<64x128xf32>
      %reduce_sum3A_75 = arith.constant dense<0.000000e+00> : vector<64xf32>
      %reduce_sum3A_76 = vector.multi_reduction <add>, %mul3A_74, %reduce_sum3A_75 [1] : vector<64x128xf32> to vector<64xf32>
      %broadcast_in_dim3A_77 = vector.shape_cast %reduce_sum3A_76 : vector<64xf32> to vector<64x1xf32>
      %sqrt3A_78 = math.sqrt %broadcast_in_dim3A_77 : vector<64x1xf32>
      %max3A_79 = arith.constant 9.99999996E-13 : f32
      %max3A_80 = vector.broadcast %max3A_79 : f32 to vector<64x1xf32>
      %max3A_81 = arith.maximumf %sqrt3A_78, %max3A_80 : vector<64x1xf32>
      %div3A_82 = vector.broadcast %max3A_81 : vector<64x1xf32> to vector<64x128xf32>
      %div3A_83 = arith.divf %get3A_43, %div3A_82 : vector<64x128xf32>
      %concatenate3A_84 = tpu.concatenate %div3A_73, %div3A_83, %max3A_54, %max3A_65 in 1 : vector<64x128xf32>, vector<64x128xf32>, vector<64x128xf32>, vector<64x128xf32> -> vector<64x512xf32>
      %get3A_85 = arith.constant 0 : index
      %get3A_86 = arith.constant 0 : index
      %get3A_87 = vector.load %arg8[%get3A_85, %get3A_86] : memref<512x128xf32, #tpu.memory_space<vmem>>, vector<512x128xf32>
      %dot_general3A_88 = arith.constant dense<0.000000e+00> : vector<64x128xf32>
      %dot_general3A_89 = tpu.matmul %concatenate3A_84, %get3A_87, %dot_general3A_88 {dimension_numbers = #tpu.dot_dimension_numbers<[1], [0], [0], [1], [0, 0, 1, 1], [], []>, transpose_lhs_hint = false} : vector<64x512xf32>, vector<512x128xf32>, vector<64x128xf32> -> vector<64x128xf32>
      %get3A_90 = arith.constant 0 : index
      %get3A_91 = arith.constant 0 : index
      %get3A_92 = vector.load %arg9[%get3A_90, %get3A_91] : memref<1x128xf32, #tpu.memory_space<vmem>>, vector<1x128xf32>
      %add3A_93 = vector.broadcast %get3A_92 : vector<1x128xf32> to vector<64x128xf32>
      %add3A_94 = arith.addf %dot_general3A_89, %add3A_93 : vector<64x128xf32>
      %get3A_95 = arith.constant 0 : index
      %get3A_96 = arith.constant 0 : index
      %get3A_97 = vector.load %arg10[%get3A_95, %get3A_96] : memref<1x128xf32, #tpu.memory_space<vmem>>, vector<1x128xf32>
      %get3A_98 = arith.constant 0 : index
      %get3A_99 = arith.constant 0 : index
      %get3A_100 = vector.load %arg11[%get3A_98, %get3A_99] : memref<1x128xf32, #tpu.memory_space<vmem>>, vector<1x128xf32>
      %reduce_sum3A_101 = arith.constant dense<0.000000e+00> : vector<64xf32>
      %reduce_sum3A_102 = vector.multi_reduction <add>, %add3A_94, %reduce_sum3A_101 [1] : vector<64x128xf32> to vector<64xf32>
      %broadcast_in_dim3A_103 = vector.shape_cast %reduce_sum3A_102 : vector<64xf32> to vector<64x1xf32>
      %div3A_104 = arith.constant 1.280000e+02 : f32
      %div3A_105 = vector.broadcast %div3A_104 : f32 to vector<64x1xf32>
      %div3A_106 = arith.divf %broadcast_in_dim3A_103, %div3A_105 : vector<64x1xf32>
      %sub3A = vector.broadcast %div3A_106 : vector<64x1xf32> to vector<64x128xf32>
      %sub3A_107 = arith.subf %add3A_94, %sub3A : vector<64x128xf32>
      %mul3A_108 = arith.mulf %sub3A_107, %sub3A_107 : vector<64x128xf32>
      %reduce_sum3A_109 = arith.constant dense<0.000000e+00> : vector<64xf32>
      %reduce_sum3A_110 = vector.multi_reduction <add>, %mul3A_108, %reduce_sum3A_109 [1] : vector<64x128xf32> to vector<64xf32>
      %broadcast_in_dim3A_111 = vector.shape_cast %reduce_sum3A_110 : vector<64xf32> to vector<64x1xf32>
      %div3A_112 = arith.constant 1.280000e+02 : f32
      %div3A_113 = vector.broadcast %div3A_112 : f32 to vector<64x1xf32>
      %div3A_114 = arith.divf %broadcast_in_dim3A_111, %div3A_113 : vector<64x1xf32>
      %add3A_115 = arith.constant 9.99999974E-6 : f32
      %add3A_116 = vector.broadcast %add3A_115 : f32 to vector<64x1xf32>
      %add3A_117 = arith.addf %div3A_114, %add3A_116 : vector<64x1xf32>
      %rsqrt3A = math.rsqrt %add3A_117 : vector<64x1xf32>
      %mul3A_118 = vector.broadcast %rsqrt3A : vector<64x1xf32> to vector<64x128xf32>
      %mul3A_119 = arith.mulf %sub3A_107, %mul3A_118 : vector<64x128xf32>
      %mul3A_120 = vector.broadcast %get3A_97 : vector<1x128xf32> to vector<64x128xf32>
      %mul3A_121 = arith.mulf %mul3A_119, %mul3A_120 : vector<64x128xf32>
      %add3A_122 = vector.broadcast %get3A_100 : vector<1x128xf32> to vector<64x128xf32>
      %add3A_123 = arith.addf %mul3A_121, %add3A_122 : vector<64x128xf32>
      %max3A_124 = arith.constant 0.000000e+00 : f32
      %max3A_125 = vector.broadcast %max3A_124 : f32 to vector<64x128xf32>
      %max3A_126 = arith.maximumf %add3A_123, %max3A_125 : vector<64x128xf32>
      %get3A_127 = arith.constant 0 : index
      %get3A_128 = arith.constant 0 : index
      %get3A_129 = vector.load %arg12[%get3A_127, %get3A_128] : memref<128x128xf32, #tpu.memory_space<vmem>>, vector<128x128xf32>
      %dot_general3A_130 = arith.constant dense<0.000000e+00> : vector<64x128xf32>
      %dot_general3A_131 = tpu.matmul %max3A_126, %get3A_129, %dot_general3A_130 {dimension_numbers = #tpu.dot_dimension_numbers<[1], [0], [0], [1], [0, 0, 1, 1], [], []>, transpose_lhs_hint = false} : vector<64x128xf32>, vector<128x128xf32>, vector<64x128xf32> -> vector<64x128xf32>
      %get3A_132 = arith.constant 0 : index
      %get3A_133 = arith.constant 0 : index
      %get3A_134 = vector.load %arg13[%get3A_132, %get3A_133] : memref<1x128xf32, #tpu.memory_space<vmem>>, vector<1x128xf32>
      %add3A_135 = vector.broadcast %get3A_134 : vector<1x128xf32> to vector<64x128xf32>
      %add3A_136 = arith.addf %dot_general3A_131, %add3A_135 : vector<64x128xf32>
      %get3A_137 = arith.constant 0 : index
      %get3A_138 = arith.constant 0 : index
      %get3A_139 = vector.load %arg14[%get3A_137, %get3A_138] : memref<1x128xf32, #tpu.memory_space<vmem>>, vector<1x128xf32>
      %get3A_140 = arith.constant 0 : index
      %get3A_141 = arith.constant 0 : index
      %get3A_142 = vector.load %arg15[%get3A_140, %get3A_141] : memref<1x128xf32, #tpu.memory_space<vmem>>, vector<1x128xf32>
      %reduce_sum3A_143 = arith.constant dense<0.000000e+00> : vector<64xf32>
      %reduce_sum3A_144 = vector.multi_reduction <add>, %add3A_136, %reduce_sum3A_143 [1] : vector<64x128xf32> to vector<64xf32>
      %broadcast_in_dim3A_145 = vector.shape_cast %reduce_sum3A_144 : vector<64xf32> to vector<64x1xf32>
      %div3A_146 = arith.constant 1.280000e+02 : f32
      %div3A_147 = vector.broadcast %div3A_146 : f32 to vector<64x1xf32>
      %div3A_148 = arith.divf %broadcast_in_dim3A_145, %div3A_147 : vector<64x1xf32>
      %sub3A_149 = vector.broadcast %div3A_148 : vector<64x1xf32> to vector<64x128xf32>
      %sub3A_150 = arith.subf %add3A_136, %sub3A_149 : vector<64x128xf32>
      %mul3A_151 = arith.mulf %sub3A_150, %sub3A_150 : vector<64x128xf32>
      %reduce_sum3A_152 = arith.constant dense<0.000000e+00> : vector<64xf32>
      %reduce_sum3A_153 = vector.multi_reduction <add>, %mul3A_151, %reduce_sum3A_152 [1] : vector<64x128xf32> to vector<64xf32>
      %broadcast_in_dim3A_154 = vector.shape_cast %reduce_sum3A_153 : vector<64xf32> to vector<64x1xf32>
      %div3A_155 = arith.constant 1.280000e+02 : f32
      %div3A_156 = vector.broadcast %div3A_155 : f32 to vector<64x1xf32>
      %div3A_157 = arith.divf %broadcast_in_dim3A_154, %div3A_156 : vector<64x1xf32>
      %add3A_158 = arith.constant 9.99999974E-6 : f32
      %add3A_159 = vector.broadcast %add3A_158 : f32 to vector<64x1xf32>
      %add3A_160 = arith.addf %div3A_157, %add3A_159 : vector<64x1xf32>
      %rsqrt3A_161 = math.rsqrt %add3A_160 : vector<64x1xf32>
      %mul3A_162 = vector.broadcast %rsqrt3A_161 : vector<64x1xf32> to vector<64x128xf32>
      %mul3A_163 = arith.mulf %sub3A_150, %mul3A_162 : vector<64x128xf32>
      %mul3A_164 = vector.broadcast %get3A_139 : vector<1x128xf32> to vector<64x128xf32>
      %mul3A_165 = arith.mulf %mul3A_163, %mul3A_164 : vector<64x128xf32>
      %add3A_166 = vector.broadcast %get3A_142 : vector<1x128xf32> to vector<64x128xf32>
      %add3A_167 = arith.addf %mul3A_165, %add3A_166 : vector<64x128xf32>
      %max3A_168 = arith.constant 0.000000e+00 : f32
      %max3A_169 = vector.broadcast %max3A_168 : f32 to vector<64x128xf32>
      %max3A_170 = arith.maximumf %add3A_167, %max3A_169 : vector<64x128xf32>
      %get3A_171 = arith.constant 0 : index
      %get3A_172 = arith.constant 0 : index
      %get3A_173 = vector.load %arg16[%get3A_171, %get3A_172] : memref<128x16xf32, #tpu.memory_space<vmem>>, vector<128x16xf32>
      %dot_general3A_174 = arith.constant dense<0.000000e+00> : vector<64x16xf32>
      %dot_general3A_175 = tpu.matmul %max3A_170, %get3A_173, %dot_general3A_174 {dimension_numbers = #tpu.dot_dimension_numbers<[1], [0], [0], [1], [0, 0, 1, 1], [], []>, transpose_lhs_hint = false} : vector<64x128xf32>, vector<128x16xf32>, vector<64x16xf32> -> vector<64x16xf32>
      %get3A_176 = arith.constant 0 : index
      %get3A_177 = arith.constant 0 : index
      %get3A_178 = vector.load %arg17[%get3A_176, %get3A_177] : memref<1x16xf32, #tpu.memory_space<vmem>>, vector<1x16xf32>
      %add3A_179 = vector.broadcast %get3A_178 : vector<1x16xf32> to vector<64x16xf32>
      %add3A_180 = arith.addf %dot_general3A_175, %add3A_179 : vector<64x16xf32>
      %swap3A_181 = arith.constant 0 : index
      %swap3A_182 = arith.constant 0 : index
      %swap3A_183 = vector.load %arg18[%swap3A_181, %swap3A_182] : memref<64x16xf32, #tpu.memory_space<vmem>>, vector<64x16xf32>
      tpu.vector_store %arg18[%swap3A_181, %swap3A_182], %add3A_180 {strides = array<i32>} : memref<64x16xf32, #tpu.memory_space<vmem>>, vector<64x16xf32>,
    } else {
    }
    return
  }
  func.func @transform_0(%arg0: i32) -> (i32, i32) {
    %c0_i32 = arith.constant 0 : i32
    %c0_i32_0 = arith.constant 0 : i32
    return %arg0, %c0_i32 : i32, i32
  }
  func.func @transform_1(%arg0: i32) -> (i32, i32, i32) {
    %c0_i32 = arith.constant 0 : i32
    %c0_i32_0 = arith.constant 0 : i32
    %c0_i32_1 = arith.constant 0 : i32
    return %arg0, %c0_i32, %c0_i32_0 : i32, i32, i32
  }
  func.func @transform_2(%arg0: i32) -> (i32, i32) {
    %c0_i32 = arith.constant 0 : i32
    %c0_i32_0 = arith.constant 0 : i32
    %c0_i32_1 = arith.constant 0 : i32
    return %c0_i32, %c0_i32_0 : i32, i32
  }
  func.func @transform_3(%arg0: i32) -> (i32, i32) {
    %c0_i32 = arith.constant 0 : i32
    %c0_i32_0 = arith.constant 0 : i32
    %c0_i32_1 = arith.constant 0 : i32
    return %c0_i32, %c0_i32_0 : i32, i32
  }
  func.func @transform_4(%arg0: i32) -> (i32, i32) {
    %c0_i32 = arith.constant 0 : i32
    %c0_i32_0 = arith.constant 0 : i32
    %c0_i32_1 = arith.constant 0 : i32
    return %c0_i32, %c0_i32_0 : i32, i32
  }
  func.func @transform_5(%arg0: i32) -> (i32, i32) {
    %c0_i32 = arith.constant 0 : i32
    %c0_i32_0 = arith.constant 0 : i32
    %c0_i32_1 = arith.constant 0 : i32
    return %c0_i32, %c0_i32_0 : i32, i32
  }
  func.func @transform_6(%arg0: i32) -> (i32, i32) {
    %c0_i32 = arith.constant 0 : i32
    %c0_i32_0 = arith.constant 0 : i32
    %c0_i32_1 = arith.constant 0 : i32
    return %c0_i32, %c0_i32_0 : i32, i32
  }
  func.func @transform_7(%arg0: i32) -> (i32, i32) {
    %c0_i32 = arith.constant 0 : i32
    %c0_i32_0 = arith.constant 0 : i32
    %c0_i32_1 = arith.constant 0 : i32
    return %c0_i32, %c0_i32_0 : i32, i32
  }
  func.func @transform_8(%arg0: i32) -> (i32, i32) {
    %c0_i32 = arith.constant 0 : i32
    %c0_i32_0 = arith.constant 0 : i32
    %c0_i32_1 = arith.constant 0 : i32
    return %c0_i32, %c0_i32_0 : i32, i32
  }
  func.func @transform_9(%arg0: i32) -> (i32, i32) {
    %c0_i32 = arith.constant 0 : i32
    %c0_i32_0 = arith.constant 0 : i32
    %c0_i32_1 = arith.constant 0 : i32
    return %c0_i32, %c0_i32_0 : i32, i32
  }
  func.func @transform_10(%arg0: i32) -> (i32, i32) {
    %c0_i32 = arith.constant 0 : i32
    %c0_i32_0 = arith.constant 0 : i32
    %c0_i32_1 = arith.constant 0 : i32
    return %c0_i32, %c0_i32_0 : i32, i32
  }
  func.func @transform_11(%arg0: i32) -> (i32, i32) {
    %c0_i32 = arith.constant 0 : i32
    %c0_i32_0 = arith.constant 0 : i32
    %c0_i32_1 = arith.constant 0 : i32
    return %c0_i32, %c0_i32_0 : i32, i32
  }
  func.func @transform_12(%arg0: i32) -> (i32, i32) {
    %c0_i32 = arith.constant 0 : i32
    %c0_i32_0 = arith.constant 0 : i32
    %c0_i32_1 = arith.constant 0 : i32
    return %c0_i32, %c0_i32_0 : i32, i32
  }
  func.func @transform_13(%arg0: i32) -> (i32, i32) {
    %c0_i32 = arith.constant 0 : i32
    %c0_i32_0 = arith.constant 0 : i32
    %c0_i32_1 = arith.constant 0 : i32
    return %c0_i32, %c0_i32_0 : i32, i32
  }
  func.func @transform_14(%arg0: i32) -> (i32, i32) {
    %c0_i32 = arith.constant 0 : i32
    %c0_i32_0 = arith.constant 0 : i32
    %c0_i32_1 = arith.constant 0 : i32
    return %c0_i32, %c0_i32_0 : i32, i32
  }
  func.func @transform_15(%arg0: i32) -> (i32, i32) {
    %c0_i32 = arith.constant 0 : i32
    %c0_i32_0 = arith.constant 0 : i32
    %c0_i32_1 = arith.constant 0 : i32
    return %c0_i32, %c0_i32_0 : i32, i32
  }
  func.func @transform_16(%arg0: i32) -> (i32, i32) {
    %c0_i32 = arith.constant 0 : i32
    %c0_i32_0 = arith.constant 0 : i32
    %c0_i32_1 = arith.constant 0 : i32
    return %c0_i32, %c0_i32_0 : i32, i32
  }
  func.func @transform_17(%arg0: i32) -> (i32, i32) {
    %c0_i32 = arith.constant 0 : i32
    %c0_i32_0 = arith.constant 0 : i32
    %c0_i32_1 = arith.constant 0 : i32
    return %c0_i32, %c0_i32_0 : i32, i32
  }
}

</mosaic_0001>

<sc_bundles>
// kernel: scatter_offload_async_start.1
scs
__scs_entry_jumppad:
0x0: {  	(pc) =	sbr.rel $0x88, $3  }
0x1: {  	(tag) =	ssettag $0x0;
	lr =	simm.s32 $0x1  }
0x2: {  	[smem:$0x3F88] =	sst lr;
	_ =	strace $0xD0000000  }
0x3: {  	_ = 	snop  }
0x4: {  	_ = 	snop  }
0x5: {  	_ = 	snop  }
0x6: {  	_ = 	snop  }
0x7: {  	_ = 	snop  }
__scs_overlays_trampoline_lowered:
0x8: {  	[smem:$0x3F97] =	sst s0  }
0x9: {  	[smem:$0x3F98] =	sst s1  }
0xa: {  	[smem:$0x3F99] =	sst s2  }
0xb: {  	[smem:$0x3F9A] =	sst s3  }
0xc: {  	[smem:$0x3F9B] =	sst s4  }
0xd: {  	[smem:$0x3F9C] =	sst s5  }
0xe: {  	[smem:$0x3F9D] =	sst s6  }
0xf: {  	[smem:$0x3F9E] =	sst s7  }
0x10: {  	[smem:$0x3F9F] =	sst s8  }
0x11: {  	[smem:$0x3FA0] =	sst s9;
	s0 =	simm.s32 @!p0 $0x0  }
0x12: {  	s1 =	sld [smem:$0x3F86];
	s0 =	simm.s32 @p0 $0x1  }
0x13: {  	[smem:$0x3FA1] =	sst s0;
	s0 =	simm.s32 @!p1 $0x0  }
0x14: {  	s2 =	sld [smem:$0x3F85];
	s0 =	simm.s32 @p1 $0x1  }
0x15: {  	[smem:$0x3FA2] =	sst s0;
	s0 =	simm.s32 @!p2 $0x0  }
0x16: {  	s3 =	sld [smem:$0x3FDB];
	s0 =	simm.s32 @p2 $0x1  }
0x17: {  	s4 =	simm.s32 $0x1BF5;
	[smem:$0x3FA4] =	sst s0  }
0x18: {  	s0 =	sld [smem:$0x3F87];
	_ =	swait.ge [sflag:s4], $0x0  }
0x19: {  	s7 =	sld [smem:$0x3F88]  }
0x1a: {  	s8 =	sadd.s32 $0xFFFFE003, lr  }
0x1b: {  	s9 =	sadd.s32 $0xFFFFFEF7, lr;
	s5 =	simm.s32 $0xFFFFFFFF;
	p2 =	slt.u32 s8, $0xFFFFF086  }
0x1c: {  	p1 =	slt.u32 s9, $0xF7A;
	s5 =	simm.s32 @!p2 $0x0  }
0x1d: {  	s5 =	simm.s32 @p1 $0x1;
	p0 =	seq.s32 s7, s2  }
0x1e: {  	s7 =	smul.u32 @!p0 $0xF7A, s2;
	p2 =	seq.s32 @!p0 s5, $0x0  }
0x1f: {  	s9 =	smul.u32 $0xF7A, s1;
	s8 =	simm.s32 @!p0 $0x1BF5;
	p2 =	por !p2, p0  }
0x20: {  	[sflag:s8] =	ssyncset.s32 @!p0 $0xFFFFF086;
	s6 =	sadd.s32 @!p0 s3, s7;
	s7 =	simm.s32 @!p0 $0x108  }
0x21: {  	s3 =	sadd.s32 s3, s9;
	s6 =	sadd.s32 @!p0 $0x88, s6;
	s7 =	simm.s32 @p2 $0x1082  }
0x22: {  	[simem:s7], [sflag:s8] =	dma.local @!p0 [hbm:s6], $0xF7A  }
0x23: {  	s9 =	sor.u32 $0xD0000000, s2;
	s6 =	simm.s32 $0x108;
	_ =	swait.ge @!p0 [sflag:s8], $0x0  }
0x24: {  	s3 =	sadd.s32 $0x88, s3;
	s6 =	simm.s32 @!p1 $0x1082;
	[sflag:s4] =	ssyncset.s32 $0xFFFFF086  }
0x25: {  	[simem:s6], [sflag:s4] =	dma.local [hbm:s3], $0xF7A  }
0x26: {  	[smem:$0x3F88] =	sst s1;
	(tag) =	ssettag s2;
	_ =	strace s9  }
0x27: {  	s1 =	sld [smem:$0x3F98]  }
0x28: {  	s2 =	sld [smem:$0x3F99]  }
0x29: {  	s4 =	sld [smem:$0x3F9B]  }
0x2a: {  	p0 =	seq.s32 s5, $0x0;
	s5 =	sld [smem:$0x3F9C]  }
0x2b: {  	s6 =	sld [smem:$0x3F9D]  }
0x2c: {  	s7 =	sld [smem:$0x3F9E]  }
0x2d: {  	s3 =	simm.s32 $0x108;
	s8 =	sld [smem:$0x3F9F]  }
0x2e: {  	s3 =	simm.s32 @!p0 $0x1082;
	s9 =	sld [smem:$0x3FA0]  }
0x2f: {  	lr =	sadd.s32 s0, s3;
	s0 =	sld [smem:$0x3F97]  }
0x30: {  	s3 =	sld [smem:$0x3F9A]  }
0x31: {  	[smem:$0x3FA3] =	sst s10  }
0x32: {  	s10 =	sld [smem:$0x3FA1];
	_ =	sdelay $0x3  }
0x33: {  	p0 =	seq.s32 s10, $0x1;
	s10 =	sld [smem:$0x3FA3];
	_ =	sdelay $0x3  }
0x34: {  	[smem:$0x3FA3] =	sst s10  }
0x35: {  	s10 =	sld [smem:$0x3FA2];
	_ =	sdelay $0x3  }
0x36: {  	p1 =	seq.s32 s10, $0x1;
	s10 =	sld [smem:$0x3FA3];
	_ =	sdelay $0x3  }
0x37: {  	[smem:$0x3FA3] =	sst s10  }
0x38: {  	s10 =	sld [smem:$0x3FA4]  }
0x39: {  	_ = 	snop;
	(pc) =	sbr.ind lr, $3  }
0x3a: {  	_ = 	snop  }
0x3b: {  	_ = 	snop  }
0x3c: {  	p2 =	seq.s32 s10, $0x1;
	s10 =	sld [smem:$0x3FA3]  }
0x3d: {  	_ =	shalt  }
0x3e: {  	_ =	shalt  }
0x3f: {  	_ =	shalt  }
0x40: {  	_ =	shalt  }
0x41: {  	_ =	shalt  }
0x42: {  	_ =	shalt  }
0x43: {  	_ =	shalt  }
0x44: {  	_ =	shalt  }
0x45: {  	_ =	shalt  }
0x46: {  	_ =	shalt  }
0x47: {  	_ =	shalt  }
0x48: {  	_ =	shalt  }
0x49: {  	_ =	shalt  }
0x4a: {  	_ =	shalt  }
0x4b: {  	_ =	shalt  }
0x4c: {  	_ =	shalt  }
0x4d: {  	_ =	shalt  }
0x4e: {  	_ =	shalt  }
0x4f: {  	_ =	shalt  }
0x50: {  	_ =	shalt  }
0x51: {  	_ =	shalt  }
0x52: {  	_ =	shalt  }
0x53: {  	_ =	shalt  }
0x54: {  	_ =	shalt  }
0x55: {  	_ =	shalt  }
0x56: {  	_ =	shalt  }
0x57: {  	_ =	shalt  }
0x58: {  	_ =	shalt  }
0x59: {  	_ =	shalt  }
0x5a: {  	_ =	shalt  }
0x5b: {  	_ =	shalt  }
0x5c: {  	_ =	shalt  }
0x5d: {  	_ =	shalt  }
0x5e: {  	_ =	shalt  }
0x5f: {  	_ =	shalt  }
0x60: {  	_ =	shalt  }
0x61: {  	_ =	shalt  }
0x62: {  	_ =	shalt  }
0x63: {  	_ =	shalt  }
0x64: {  	_ =	shalt  }
0x65: {  	_ =	shalt  }
0x66: {  	_ =	shalt  }
0x67: {  	_ =	shalt  }
0x68: {  	_ =	shalt  }
0x69: {  	_ =	shalt  }
0x6a: {  	_ =	shalt  }
0x6b: {  	_ =	shalt  }
0x6c: {  	_ =	shalt  }
0x6d: {  	_ =	shalt  }
0x6e: {  	_ =	shalt  }
0x6f: {  	_ =	shalt  }
0x70: {  	_ =	shalt  }
0x71: {  	_ =	shalt  }
0x72: {  	_ =	shalt  }
0x73: {  	_ =	shalt  }
0x74: {  	_ =	shalt  }
0x75: {  	_ =	shalt  }
0x76: {  	_ =	shalt  }
0x77: {  	_ =	shalt  }
0x78: {  	_ =	shalt  }
0x79: {  	_ =	shalt  }
0x7a: {  	_ =	shalt  }
0x7b: {  	_ =	shalt  }
0x7c: {  	_ =	shalt  }
0x7d: {  	_ =	shalt  }
0x7e: {  	_ =	shalt  }
0x7f: {  	_ =	shalt  }
0x80: {  	_ =	shalt  }
0x81: {  	_ =	shalt  }
0x82: {  	_ =	shalt  }
0x83: {  	_ =	shalt  }
0x84: {  	_ =	shalt  }
0x85: {  	_ =	shalt  }
0x86: {  	_ =	shalt  }
0x87: {  	_ =	shalt  }
.Lfunc_end0:
.L_simem_size_0:
called_computation.1_lowered:
.L_overlay_start_0:
0x88: {  	s2 =	sld [smem:$0x3FD9]  }
0x89: {  	s3 =	sld [smem:$0x3FFE];
	_ =	sdelay $0x1  }
0x8a: {  	s1 =	srdreg.scid  }
0x8b: {  	s0 =	sand.u32 $0x1, s1  }
0x8c: {  	s15 =	sshll.u32 s0, $0xA;
	s2 =	sadd.s32 s3, s2  }
0x8d: {  	s2 =	sadd.s32 s2, s15  }
0x8e: {  	[smem:$0x3FAF] =	sst s2  }
0x8f: {  	_ = 	snop  }
0x90: {  	(tm) =	ssettm $0x1  }
0x91: {  	s16 =	sld [smem:$0x3FFB];
	_ =	sdelay $0x3  }
0x92: {  	_ =	strace s16  }
0x93: {  	s2 =	sld [smem:$0x3FFC];
	_ =	sdelay $0x3  }
0x94: {  	_ =	strace s2  }
0x95: {  	s2 =	sld [smem:$0x3FFD];
	_ =	sdelay $0x3  }
0x96: {  	_ =	strace s2  }
0x97: {  	_ =	strace $0x8FFFFFFF  }
0x98: {  	s17 =	sld [smem:$0x3FDB];
	_ =	sdelay $0x1  }
0x99: {  	s18 =	simm.s32 $_scs_section_size  }
0x9a: {  	s4 =	simm.s32 $_size__tile_overlayer_lowered;
	s5 =	simm.s32 $_tile_overlayer_lowered  }
0x9b: {  	s21 =	simm.s32 $0x1BFF;
	s20 =	sshll.u32 s5, $0x1;
	s2 =	sadd.s32 s18, s17  }
0x9c: {  	s6 =	simm.s32 $0x0;
	s19 =	sshll.u32 s4, $0x1;
	s4 =	sadd.s32 s20, s2  }
0x9d: {  	[timem:s6], [sflag:s21] =	dma.local [hbm:s4], s19  }
0x9e: {  	_ =	swait.ge [sflag:s21], s19  }
0x9f: {  	s3 =	ssub.s32 $0x0, s19;
	[sflag:s21] =	ssyncset.done $0x0  }
0xa0: {  	[sflag:s21] =	ssyncadd.s32 s3;
	_ =	sdelay $0x1  }
0xa1: {  	s22 =	simm.s32 $0x1B8B  }
0xa2: {  	_ =	swait.ge [sflag:s22], $0x1  }
0xa3: {  	[sflag:s22] =	ssyncset.done $0x0  }
0xa4: {  	s23 =	sld [smem:$0x3FFE];
	[sflag:s22] =	ssyncadd.s32 $0xFFFFFFFF  }
0xa5: {  	s25 =	simm.s32 $0x1B8E;
	s24 =	sld [smem:$0x0]  }
0xa6: {  	s26 =	simm.s32 $execute0_lowered;
	[smem:$0x3FD2] =	sst s25  }
0xa7: {  	s5 =	sshll.u32 s26, $0x1;
	_ =	strace $0x8000004C;
	[dreg:$0x1] =	wrdreg $0xFFFFFFFF  }
0xa8: {  	s28 =	simm.s32 $_size_execute0_lowered;
	s2 =	sadd.s32 s2, s5;
	[dreg:$0x0] =	wrdreg $0x0  }
0xa9: {  	s5 =	sshll.u32 s28, $0x1;
	[dreg:$0x2] =	wrdreg s2  }
0xaa: {  	[dreg:$0x3] =	wrdreg s5  }
0xab: {  	[dreg:$0x4] =	wrdreg $0xC0  }
0xac: {  	_ =	task [dreg:s6], $0x5FFFF  }
0xad: {  	[dreg:$0x1] =	wrdreg $0xFFFFFFFF  }
0xae: {  	[dreg:$0x0] =	wrdreg $0x60  }
0xaf: {  	[dreg:$0x2] =	wrdreg s23  }
0xb0: {  	[dreg:$0x3] =	wrdreg s1  }
0xb1: {  	[dreg:$0x4] =	wrdreg s24  }
0xb2: {  	[dreg:$0x5] =	wrdreg $0x9  }
0xb3: {  	_ =	task.clear_ibuf [dreg:s6], $0x6FFFF;
	_ =	strace $0x9000004C  }
0xb4: {  	s29 =	simm.s32 $0x9;
	_ =	strace $0x8000004E  }
0xb5: {  	_ =	swait.ge [sflag:s29], $0x1  }
0xb6: {  	[sflag:s29] =	ssyncadd.s32 $0xFFFFFFFF  }
0xb7: {  	_ =	strace $0x9000004E  }
0xb8: {  	_ =	sfence  }
0xb9: {  	s30 =	sld [smem:$0x0];
	_ =	sdelay $0x2  }
0xba: {  	s31 =	sshll.u32 s1, $0xD;
	s1 =	sshrl.u32 s1, $0x2  }
0xbb: {  	s3 =	sand.u32 $0x4000, s31;
	s1 =	sadd.s32 s1, s30  }
0xbc: {  	s0 =	sor.u32 s3, s0;
	s1 =	sshll.u32 s1, $0x11  }
0xbd: {  	s0 =	sor.u32 s1, s0  }
0xbe: {  	s0 =	sadd.s32 $0x8F2B, s0  }
0xbf: {  	[sflag:s0] =	ssyncadd.remote.s32 $0x1  }
0xc0: {  	_ =	sfence.sel $0xFFFF  }
0xc1: {  	[dreg:$0x0] =	wrdreg $0xFFFFFFFF;
	(pc) =	sbr.abs _section_cstart, $3  }
0xc2: {  	[dreg:$0x1] =	wrdreg $0xFFFFFFFF  }
0xc3: {  	_ =	task.clear_ibuf [dreg:s6], $0x2FFFF;
	_ =	strace $0x9FFFFFFF  }
0xc4: {  	(tm) =	ssettm $0x7FFFFFFF  }
0xc5: {  	_ =	shalt  }
tec
execute0_lowered:
.L_overlay_start_1:
0x0: {  	(tag) =	ssettag $0x1  }
0x1: {  	s2 =	rddreg [dreg:$0x0]  }
0x2: {  	s3 =	rddreg [dreg:$0x1];
	_ =	strace $0x8000004D;
	s0 =	simm.s32 $0x1  }
0x3: {  	v0 =	vimm.s32 $0x0;
	[sflag:s0] =	ssyncpa.u1 $0x0;
	s0 =	simm.s32 $0x108  }
0x4: {  	[tilespmem:s0+$0x70] =	vst v0  }
0x5: {  	[tilespmem:s0+$0x60] =	vst v0  }
0x6: {  	[tilespmem:s0+$0x50] =	vst v0  }
0x7: {  	[tilespmem:s0+$0x40] =	vst v0  }
0x8: {  	[tilespmem:s0+$0x30] =	vst v0  }
0x9: {  	s1 =	sadd.s32 $0x52B200, s2;
	s15 =	sadd.s32 $0x35600, s2;
	s6 =	sadd.s32 $0x49200, s2;
	[tilespmem:s0+$0x20] =	vst v0  }
0xa: {  	s14 =	sadd.s32 $0x3F400, s2;
	s5 =	sand.u32 $0x1, s3;
	s3 =	simm.s32 $0x40;
	[tilespmem:s0+$0x10] =	vst v0  }
.LBB2_1:
0xb: {  	s3 =	sadd.s32 $0x40, s3;
	[tilespmem:s0+$0x0] =	vst v0;
	s0 =	sadd.s32 $0x80, s0  }
0xc: {  	p0 =	slt.u32 s3, $0x3C40;
	[tilespmem:s0+$0x70] =	vst v0  }
0xd: {  	[tilespmem:s0+$0x60] =	vst v0  }
.Ltmp0:
0xe: {  	[tilespmem:s0+$0x50] =	vst v0;
	(pc) =	sbr.rel @p0 .LBB2_1-.Ltmp0, $4  }
0xf: {  	[tilespmem:s0+$0x40] =	vst v0  }
0x10: {  	[tilespmem:s0+$0x30] =	vst v0  }
0x11: {  	[tilespmem:s0+$0x20] =	vst v0  }
0x12: {  	[tilespmem:s0+$0x10] =	vst v0  }
0x13: {  	s9 =	stileid.u32  }
0x14: {  	s2 =	smul.u32 $0x29, s9  }
0x15: {  	s3 =	smin.u32 s9, $0xB  }
0x16: {  	s2 =	sadd.s32 s3, s2  }
0x17: {  	p0 =	slt.u32 s9, $0xB;
	s7 =	smul.u32 $0xF0, s2;
	s2 =	simm.s32 $0x2760  }
0x18: {  	s2 =	simm.s32 @!p0 $0x2670  }
0x19: {  	s2 =	sadd.s32 s2, s7  }
0x1a: {  	s8 =	smin.u32 s2, $0x27100  }
0x1b: {  	s2 =	ssub.s32 s8, s7  }
0x1c: {  	p0 =	sgt.s32 s2, $0x0  }
0x1d: {  	s29 =	simm.s32 $0x2;
	s10 =	simm.s32 $0x9;
	s2 =	simm.s32 @!p0 $0x0  }
0x1e: {  	s4 =	simm.s32 $0xA;
	s11 =	simm.s32 $0xB;
	s28 =	smulhi.u32 $0x88888889, s2  }
0x1f: {  	[dreg:$0x4] =	wrdreg s5;
	s31 =	smul.u32 $0x4E20, s5;
	s12 =	simm.s32 $0x1  }
0x20: {  	s22 =	simm.s32 $0x0;
	s18 =	simm.s32 $0xC;
	s30 =	sshrl.u32 s28, $0x7  }
0x21: {  	s20 =	simm.s32 $0x0;
	s21 =	simm.s32 $0x0;
	s3 =	smul.u32 $0xF0, s30  }
.Ltmp1:
0x22: {  	[tilespmem:s0+$0x0] =	vst v0;
	v0 =	vimm.s32 $0xFFFFFFFF;
	[sflag:s29] =	ssyncpa.u1 $0x0;
	s16 =	sshll.u32 s9, $0x8;
	(pc) =	sbr.rel .LBB2_3-.Ltmp1, $4  }
0x23: {  	[tilespmem:$0xF208] =	vst v0;
	[sflag:s10] =	ssyncpa.u1 $0x0;
	p0 =	sne.s32 s2, s3;
	s2 =	simm.s32 $0x1  }
0x24: {  	s14 =	sadd.s32 s31, s14;
	[sflag:s4] =	ssyncpa.u1 $0x0;
	s2 =	simm.s32 @!p0 $0x0  }
0x25: {  	s15 =	sadd.s32 s31, s15;
	[sflag:s11] =	ssyncpa.u1 $0x0;
	s13 =	sadd.s32 s2, s30  }
0x26: {  	v0 =	vlaneseq.u32;
	s19 =	smov.u32 s7;
	p0 =	por $0x0, $0x0;
	s17 =	sadd.s32 $0x1, s13  }
.LBB2_18:
0x27: {  	s0 =	sshrl.u32 s31, $0x2  }
.LBB2_20:
0x28: {  	_ =	swait.ge [sflag:s18], s0  }
0x29: {  	s31 =	ssub.s32 $0x0, s0;
	v1 =	vmov s24;
	vm0 =	veq.s32 v0, $0x0;
	[sflag:s18] =	ssyncset.done $0x0  }
0x2a: {  	vm15 =	veq.s32 v0, $0x2;
	v1 =	vsel vm0, s30, v1;
	[sflag:s18] =	ssyncadd.s32 s31  }
0x2b: {  	v1 =	vsel vm15, s22, v1;
	[sflag:s18] =	ssyncpa.u1 $0x1  }
0x2c: {  	[tilespmem:$0xF208] =	vst v1  }
.LBB2_21:
0x2d: {  	s0 =	sadd.s32 $0xF0, s19  }
0x2e: {  	s2 =	smov.u32 s7;
	p1 =	slt.s32 s0, s8  }
0x2f: {  	s2 =	smov.u32 @p1 s0;
	p1 =	sne.s32 s21, s17  }
.Ltmp2:
0x30: {  	_ = 	snop;
	(pc) =	sbr.rel @!p1 .LBB2_22-.Ltmp2, $3  }
0x31: {  	_ =	sdelay $0x1  }
0x32: {  	s22 =	smov.u32 s20;
	s31 =	sadd.s32 $0x1, s21;
	s20 =	smov.u32 s19  }
0x33: {  	p0 =	por !p0, !p0;
	s21 =	smov.u32 s31;
	s19 =	smov.u32 s2  }
.LBB2_3:
0x34: {  	p1 =	sge.u32 s21, s13  }
0x35: {  	s0 =	smulhi.u32 @!p1 $0xAAAAAAAB, s21  }
0x36: {  	s2 =	smov.u32 s19;
	p2 =	sgt.s32 @!p1 s19, $0x27010  }
0x37: {  	s3 =	sshra.s32 @!p1 s19, $0x1F;
	p2 =	por !p2, p1;
	s0 =	sshrl.u32 @!p1 s0, $0x1  }
0x38: {  	s3 =	sand.u32 @!p1 s3, s19;
	s2 =	simm.s32 @p2 $0x27010;
	s0 =	smul.u32 @!p1 $0x3, s0  }
0x39: {  	s2 =	ssub.s32 @!p1 s2, s3  }
0x3a: {  	s2 =	sadd.s32 @!p1 $0xFFFD8FF0, s2;
	s0 =	ssub.s32 @!p1 s21, s0  }
0x3b: {  	s3 =	sshll.u32 @!p1 s2, $0x2;
	p2 =	sgt.s32 @!p1 s2, $0xEF;
	s0 =	smul.u32 @!p1 $0x3C0, s0  }
0x3c: {  	s4 =	sand.u32 @!p1 $0x7, s19;
	s2 =	ssub.s32 @!p1 $0x3C0, s3;
	p2 =	por !p2, p1  }
0x3d: {  	s3 =	sshrl.u32 @!p1 s19, $0x3;
	s2 =	sshrl.u32 @!p1 s2, $0x2;
	s0 =	sshrl.u32 @!p1 s0, $0x2  }
0x3e: {  	s3 =	sadd.s32 @!p1 s3, s14;
	s2 =	simm.s32 @!p2 $0x0;
	s0 =	sadd.s32 @!p1 $0x10248, s0  }
0x3f: {  	[tilespmem:s0], [sflag:$0xA] =	stream.linear.gather @!p1 [hbm4b:s3+s4], s2, $0x38;
	[tilespmem:$0x1F6F8] =	vst v63  }
0x40: {  	s0 =	sadd.s32 $0xFFFFFFFF, s21  }
0x41: {  	p1 =	sge.u32 s0, s13  }
0x42: {  	p2 =	sgt.s32 @!p1 s20, $0x27010  }
0x43: {  	s2 =	smov.u32 s20;
	s3 =	sshra.s32 @!p1 s20, $0x1F;
	p2 =	por !p2, p1  }
0x44: {  	s3 =	sand.u32 @!p1 s3, s20;
	s2 =	simm.s32 @p2 $0x27010  }
0x45: {  	s2 =	ssub.s32 @!p1 s2, s3  }
0x46: {  	s2 =	sadd.s32 @!p1 $0xFFFD8FF0, s2  }
0x47: {  	s4 =	sand.u32 @!p1 $0x1, s0;
	s3 =	sshll.u32 @!p1 s2, $0x2  }
0x48: {  	p2 =	sgt.s32 @!p1 s2, $0xEF;
	s2 =	ssub.s32 @!p1 $0x3C0, s3;
	s3 =	smulhi.u32 @!p1 $0xAAAAAAAB, s0  }
0x49: {  	s23 =	smul.u32 @!p1 $0x3C0, s4;
	p2 =	por !p2, p1;
	s2 =	sshrl.u32 @!p1 s2, $0x2  }
0x4a: {  	s5 =	simm.s32 @!p1 $0xA;
	s2 =	simm.s32 @!p2 $0x0;
	s3 =	sshrl.u32 @!p1 s3, $0x1  }
0x4b: {  	s23 =	sshrl.u32 @!p1 s23, $0x2;
	_ =	swait.ge @!p1 [sflag:s5], s2;
	s3 =	smul.u32 @!p1 $0x3, s3  }
0x4c: {  	s23 =	sadd.s32 @!p1 $0x10518, s23;
	s24 =	ssub.s32 @!p1 $0x0, s2;
	[sflag:s5] =	ssyncset.done @!p1 $0x0  }
0x4d: {  	[sflag:s5] =	ssyncadd.s32 @!p1 s24;
	s5 =	sshrl.u32 @!p1 s20, $0x3;
	s0 =	ssub.s32 @!p1 s0, s3  }
0x4e: {  	s24 =	sand.u32 @!p1 $0x7, s20;
	s5 =	sadd.s32 @!p1 s5, s15;
	s0 =	smul.u32 @!p1 $0x3C0, s0  }
0x4f: {  	[tilespmem:s23], [sflag:$0xB] =	stream.linear.gather @!p1 [hbm4b:s5+s24], s2, $0x38;
	[tilespmem:$0x1F6F8] =	vst v63  }
0x50: {  	s3 =	ssub.s32 @!p1 $0x27100, s20;
	s2 =	smul.u32 @!p1 $0x1E000, s4  }
0x51: {  	p2 =	slt.s32 @!p1 s3, $0xF0  }
0x52: {  	p2 =	por !p2, p1;
	s0 =	sshrl.u32 @!p1 s0, $0x2;
	s2 =	sshrl.u32 @!p1 s2, $0x2  }
0x53: {  	s3 =	simm.s32 @p2 $0xF0;
	s0 =	sadd.s32 @!p1 $0x10248, s0;
	s2 =	sor.u32 @!p1 $0x106F8, s2  }
0x54: {  	[tilespmem:s2], [sflag:$0x9] =	stream.indirect.gather @!p1 [hbm4b:s6+s3], $0x80, s0, s3, $0xb8;
	[tilespmem:$0x1F6F8] =	vst v63  }
0x55: {  	p1 =	slt.u32 s21, $0x2  }
.Ltmp3:
0x56: {  	_ = 	snop;
	(pc) =	sbr.rel @p1 .LBB2_21-.Ltmp3, $1  }
0x57: {  	_ =	sdelay $0x3  }
0x58: {  	p1 =	sgt.s32 s22, $0x27010  }
0x59: {  	s0 =	smov.u32 s22;
	s2 =	sshra.s32 s22, $0x1F;
	s3 =	ssub.s32 $0x27100, s22  }
0x5a: {  	s0 =	simm.s32 @!p1 $0x27010;
	s2 =	sand.u32 s2, s22;
	p1 =	slt.s32 s3, $0xF0  }
0x5b: {  	s0 =	ssub.s32 s0, s2;
	s3 =	simm.s32 @!p1 $0xF0  }
0x5c: {  	s0 =	sadd.s32 $0xFFFD8FF0, s0;
	s25 =	sshll.u32 s3, $0x7  }
0x5d: {  	s26 =	sshll.u32 s0, $0x2;
	s2 =	sand.u32 $0x3FFFFF80, s25  }
0x5e: {  	p1 =	sgt.s32 s0, $0xEF;
	s29 =	ssub.s32 $0x3C0, s26;
	_ =	swait.ge [sflag:s10], s2  }
0x5f: {  	s2 =	ssub.s32 $0x0, s2;
	[sflag:s10] =	ssyncset.done $0x0;
	s0 =	sshrl.u32 s29, $0x2  }
0x60: {  	[sflag:s10] =	ssyncadd.s32 s2;
	s0 =	simm.s32 @p1 $0x0  }
0x61: {  	_ =	swait.ge [sflag:s11], s0  }
0x62: {  	s0 =	ssub.s32 $0x0, s0;
	[sflag:s11] =	ssyncset.done $0x0  }
0x63: {  	[sflag:s11] =	ssyncadd.s32 s0  }
0x64: {  	v1 =	vld [tilespmem:$0xF208];
	_ =	sdelay $0x4  }
0x65: {  	(v2sf) =	vpush v1, $0x0  }
0x66: {  	(v2sf) =	vpush v1, $0x1  }
0x67: {  	(v2sf) =	vpush v1, $0x2;
	_ =	sdelay $0x3  }
0x68: {  	s0 =	sadd.s32 $0xF0, s22  }
0x69: {  	s2 =	ssub.s32 $0x4E200, s22;
	p1 =	slt.s32 s8, s0  }
0x6a: {  	s0 =	smov.u32 @p1 s8;
	p1 =	sgt.s32 s2, $0x0  }
0x6b: {  	s26 =	ssub.s32 s0, s22;
	s2 =	simm.s32 @!p1 $0x0  }
0x6c: {  	p1 =	slt.s32 s2, s26  }
0x6d: {  	s26 =	smov.u32 @p1 s2  }
0x6e: {  	s25 =	simm.s32 $0x1;
	p1 =	slt.s32 s26, $0x1  }
.Ltmp4:
0x6f: {  	s25 =	simm.s32 @!p0 $0x0;
	(pc) =	sbr.rel @p1 .LBB2_8-.Ltmp4, $4  }
0x70: {  	s31 =	smul.u32 $0x3C0, s25  }
0x71: {  	s28 =	spop (v2sf)  }
0x72: {  	s0 =	sshrl.u32 s31, $0x2;
	s30 =	spop (v2sf)  }
0x73: {  	s23 =	sadd.s32 $0x10518, s0;
	s22 =	spop (v2sf)  }
0x74: {  	s0 =	smin.u32 s26, $0x10  }
0x75: {  	v1 =	vmov s0  }
0x76: {  	p2 =	sgt.s32 s26, $0x10;
	vm1 =	vgt.u32 v1, v0  }
.Ltmp5:
0x77: {  	_ = 	snop;
	(pc) =	sbr.rel @!p2 .LBB2_7-.Ltmp5, $2  }
0x78: {  	_ =	sdelay $0x2  }
0x79: {  	s4 =	simm.s32 $0x10;
	s24 =	sadd.s32 $0xFFFFFFF0, s26;
	s0 =	smov.u32 s23;
	vm0 =	vmmov vm1  }
.LBB2_6:
0x7a: {  	s2 =	smin.u32 s24, $0x10;
	s4 =	sadd.s32 $0x10, s4;
	v1 =	vld.msk [tilespmem:s0+$0x0 ss:$0x1], vm1  }
0x7b: {  	v2 =	vmov s2;
	p2 =	slt.s32 s4, s26  }
0x7c: {  	vm1 =	vgt.u32 v2, v0  }
.Ltmp6:
0x7d: {  	(pc) =	sbr.rel @p2 .LBB2_6-.Ltmp6, $3  }
0x7e: {  	_ =	sdelay $0x1  }
0x7f: {  	v1 =	vshll.u32 v1, $0x4  }
0x80: {  	s24 =	sadd.s32 $0xFFFFFFF0, s24;
	[tilespmem:s0+$0x0] =	vst.msk vm0, v1;
	s0 =	sadd.s32 $0x10, s0;
	vm0 =	vmmov vm1  }
.LBB2_7:
0x81: {  	_ =	sdelay $0x4  }
0x82: {  	v1 =	vld.msk [tilespmem:s0+$0x0 ss:$0x1], vm1;
	_ =	sdelay $0x4  }
0x83: {  	v1 =	vshll.u32 v1, $0x4  }
0x84: {  	[tilespmem:s0+$0x0] =	vst.msk vm0, v1  }
.LBB2_8:
0x85: {  	s0 =	sand.u32 $0x1, s21  }
0x86: {  	s0 =	smul.u32 $0xF0, s0  }
0x87: {  	p2 =	sne.s32 s30, $0xFFFFFFFF  }
0x88: {  	v1 =	vld.msk @!p2 [tilespmem:s0+$0x10518], $0x1;
	_ =	sdelay $0x4  }
0x89: {  	(v2sf) =	vpush @!p2 v1, $0x0;
	_ =	sdelay $0xc  }
.Ltmp7:
0x8a: {  	_ = 	snop;
	(pc) =	sbr.rel @p1 .LBB2_19-.Ltmp7, $4  }
0x8b: {  	_ = 	snop  }
0x8c: {  	s29 =	spop @!p2 (v2sf)  }
0x8d: {  	s22 =	simm.s32 @!p2 $0x0;
	s24 =	smov.u32 s29  }
0x8e: {  	[sflag:s18] =	ssyncpa.u1 $0x0;
	s29 =	smov.u32 @p2 s28;
	s24 =	smov.u32 @p2 s30  }
0x8f: {  	v1 =	vld.msk [tilespmem:s23+$0x0], $0x1;
	_ =	sdelay $0x4  }
0x90: {  	(v2sf) =	vpush v1, $0x0;
	_ =	sdelay $0xe  }
0x91: {  	s2 =	smul.u32 $0x1E000, s25;
	s0 =	spop (v2sf)  }
0x92: {  	s26 =	ssub.s32 $0x0, s26;
	p1 =	seq.s32 s29, s0  }
0x93: {  	s30 =	sadd.s32 $0x1, s26;
	s2 =	sshrl.u32 s2, $0x2;
	p2 =	sgt.s32 @!p1 s29, $0x0  }
0x94: {  	s25 =	sor.u32 $0x10738, s2;
	s2 =	smov.u32 s29;
	p2 =	por !p2, p1  }
0x95: {  	s2 =	simm.s32 @p2 $0x0;
	p2 =	seq.s32 s30, $0x0  }
.Ltmp8:
0x96: {  	_ = 	snop;
	(pc) =	sbr.rel @p2 .LBB2_11-.Ltmp8, $4  }
0x97: {  	_ = 	snop  }
0x98: {  	s28 =	simm.s32 $0x0;
	s31 =	sadd.s32 $0x1, s23;
	s2 =	smin.u32 @!p1 s2, $0x27FF0  }
0x99: {  	s4 =	simm.s32 @!p1 $0x1;
	s5 =	simm.s32 @!p1 $0x7988;
	s3 =	sand.u32 @!p1 $0x3FFF8, s2  }
0x9a: {  	s4 =	smov.u32 @p1 s28;
	s2 =	sand.u32 @!p1 $0x7, s2;
	s3 =	sadd.s32 @!p1 s1, s3  }
.LBB2_10:
0x9b: {  	s9 =	smov.u32 s4  }
0x9c: {  	[tilespmem:s5], [sflag:$0x2] =	stream.linear.gather @!p1 [hbm4b:s3+s2], $0x80, $0x38;
	[tilespmem:$0x1F6F8] =	vst v63  }
0x9d: {  	s30 =	sadd.s32 $0x1, s30;
	s2 =	smov.u32 s0;
	v1 =	vld.msk [tilespmem:s31+$0x0], $0x1  }
0x9e: {  	p2 =	seq.s32 s30, $0x0;
	_ =	sdelay $0x3  }
0x9f: {  	(v2sf) =	vpush v1, $0x0;
	_ =	sdelay $0xe  }
0xa0: {  	s0 =	spop (v2sf)  }
0xa1: {  	p1 =	seq.s32 s2, s0  }
0xa2: {  	p3 =	sgt.s32 @!p1 s2, $0x0;
	s3 =	sshll.u32 @!p1 s4, $0x9;
	s4 =	sadd.s32 @!p1 $0x1, s4  }
.Ltmp9:
0xa3: {  	p3 =	por !p3, p1;
	s3 =	sshra.s32 @!p1 s3, $0x2;
	(pc) =	sbr.rel @!p2 .LBB2_10-.Ltmp9, $4  }
0xa4: {  	s4 =	smov.u32 @p1 s9;
	s2 =	simm.s32 @p3 $0x0;
	s5 =	sadd.s32 @!p1 $0x7988, s3  }
0xa5: {  	s2 =	smin.u32 @!p1 s2, $0x27FF0  }
0xa6: {  	s3 =	sand.u32 @!p1 $0x3FFF8, s2;
	s2 =	sand.u32 @!p1 $0x7, s2  }
0xa7: {  	s31 =	sadd.s32 $0x1, s31;
	s3 =	sadd.s32 @!p1 s1, s3  }
.LBB2_11:
0xa8: {  	[tilespmem:s5], [sflag:$0x2] =	stream.linear.gather @!p1 [hbm4b:s3+s2], $0x80, $0x38;
	[tilespmem:$0x1F6F8] =	vst v63  }
.Ltmp10:
0xa9: {  	s0 =	sshll.u32 s4, $0x7;
	(pc) =	sbr.rel .LBB2_12-.Ltmp10, $4  }
0xaa: {  	s30 =	simm.s32 $0x2;
	s0 =	sand.u32 $0x3FFFFF80, s0  }
0xab: {  	_ =	swait.ge [sflag:s30], s0  }
0xac: {  	s0 =	ssub.s32 $0x0, s0;
	[sflag:s30] =	ssyncset.done $0x0  }
0xad: {  	s31 =	simm.s32 $0x0;
	[sflag:s30] =	ssyncadd.s32 s0  }
.LBB2_13:
0xae: {  	v1 =	vld [tilespmem:s25+$0xFFFFFFC0];
	_ =	sdelay $0x3  }
0xaf: {  	s0 =	sshra.s32 s0, $0x2  }
0xb0: {  	[tilespmem:s0+$0x108] =	vst.add.f32.msk $0xffff, v1  }
0xb1: {  	v1 =	vld [tilespmem:s25+$0xFFFFFFD0];
	_ =	sdelay $0x4  }
0xb2: {  	[tilespmem:s0+$0x118] =	vst.add.f32.msk $0xffff, v1  }
0xb3: {  	v1 =	vld [tilespmem:s25+$0xFFFFFFE0];
	_ =	sdelay $0x4  }
0xb4: {  	[tilespmem:s0+$0x128] =	vst.add.f32.msk $0xffff, v1  }
0xb5: {  	v1 =	vld [tilespmem:s25+$0xFFFFFFF0];
	_ =	sdelay $0x4  }
0xb6: {  	[tilespmem:s0+$0x138] =	vst.add.f32.msk $0xffff, v1  }
0xb7: {  	v1 =	vld [tilespmem:s25+$0x0];
	_ =	sdelay $0x4  }
0xb8: {  	[tilespmem:s0+$0x148] =	vst.add.f32.msk $0xffff, v1  }
0xb9: {  	v1 =	vld [tilespmem:s25+$0x10];
	_ =	sdelay $0x4  }
0xba: {  	[tilespmem:s0+$0x158] =	vst.add.f32.msk $0xffff, v1  }
0xbb: {  	v1 =	vld [tilespmem:s25+$0x20];
	_ =	sdelay $0x4  }
0xbc: {  	[tilespmem:s0+$0x168] =	vst.add.f32.msk $0xffff, v1  }
0xbd: {  	v1 =	vld [tilespmem:s25+$0x30];
	_ =	sdelay $0x4  }
0xbe: {  	[tilespmem:s0+$0x178] =	vst.add.f32.msk $0xffff, v1  }
.LBB2_17:
0xbf: {  	s26 =	sadd.s32 $0x1, s26  }
0xc0: {  	p1 =	seq.s32 s26, $0x0  }
.Ltmp11:
0xc1: {  	_ = 	snop;
	(pc) =	sbr.rel @p1 .LBB2_18-.Ltmp11, $2  }
0xc2: {  	_ =	sdelay $0x2  }
0xc3: {  	s23 =	sadd.s32 $0x1, s23;
	s25 =	sadd.s32 $0x80, s25;
	s29 =	smov.u32 s30  }
.LBB2_12:
0xc4: {  	v1 =	vld.msk [tilespmem:s23+$0x0], $0x1;
	_ =	sdelay $0x4  }
0xc5: {  	(v2sf) =	vpush v1, $0x0;
	_ =	sdelay $0xe  }
0xc6: {  	s30 =	spop (v2sf)  }
0xc7: {  	p1 =	sne.s32 s29, s30  }
.Ltmp12:
0xc8: {  	_ = 	snop;
	(pc) =	sbr.rel @!p1 .LBB2_13-.Ltmp12, $2  }
0xc9: {  	_ =	sdelay $0x2  }
0xca: {  	s0 =	sshll.u32 s22, $0x9  }
0xcb: {  	p1 =	seq.s32 s29, s24  }
.Ltmp13:
0xcc: {  	_ = 	snop;
	(pc) =	sbr.rel @!p1 .LBB2_15-.Ltmp13, $1  }
0xcd: {  	_ =	sdelay $0x3  }
0xce: {  	s0 =	sshra.s32 s0, $0x2  }
.Ltmp14:
0xcf: {  	s0 =	sadd.s32 $0x108, s0;
	(pc) =	sbr.rel .LBB2_16-.Ltmp14, $4  }
0xd0: {  	[spmem:s16] =	stream.linear.scatter [tilespmem:s0], [sflag:$0x1], $0x80, $0x38;
	[tilespmem:$0x1F6F8] =	vst v63  }
0xd1: {  	_ =	swait.ge [sflag:s12], $0x80  }
0xd2: {  	[sflag:s12] =	ssyncset.done $0x0  }
0xd3: {  	[sflag:s12] =	ssyncadd.s32 $0xFFFFFF80  }
.LBB2_15:
0xd4: {  	s2 =	sshll.u32 s28, $0x9  }
0xd5: {  	s2 =	sshra.s32 s2, $0x2  }
0xd6: {  	v1 =	vld [tilespmem:s2+$0x7988];
	_ =	sdelay $0x3  }
0xd7: {  	s0 =	sshra.s32 s0, $0x2  }
0xd8: {  	[tilespmem:s0+$0x108] =	vst.add.f32.msk $0xffff, v1  }
0xd9: {  	v1 =	vld [tilespmem:s2+$0x7998];
	_ =	sdelay $0x4  }
0xda: {  	[tilespmem:s0+$0x118] =	vst.add.f32.msk $0xffff, v1  }
0xdb: {  	v1 =	vld [tilespmem:s2+$0x79A8];
	_ =	sdelay $0x4  }
0xdc: {  	[tilespmem:s0+$0x128] =	vst.add.f32.msk $0xffff, v1  }
0xdd: {  	v1 =	vld [tilespmem:s2+$0x79B8];
	_ =	sdelay $0x4  }
0xde: {  	[tilespmem:s0+$0x138] =	vst.add.f32.msk $0xffff, v1  }
0xdf: {  	v1 =	vld [tilespmem:s2+$0x79C8];
	_ =	sdelay $0x4  }
0xe0: {  	[tilespmem:s0+$0x148] =	vst.add.f32.msk $0xffff, v1  }
0xe1: {  	v1 =	vld [tilespmem:s2+$0x79D8];
	_ =	sdelay $0x4  }
0xe2: {  	[tilespmem:s0+$0x158] =	vst.add.f32.msk $0xffff, v1  }
0xe3: {  	v1 =	vld [tilespmem:s2+$0x79E8];
	_ =	sdelay $0x4  }
0xe4: {  	[tilespmem:s0+$0x168] =	vst.add.f32.msk $0xffff, v1  }
0xe5: {  	v1 =	vld [tilespmem:s2+$0x79F8];
	_ =	sdelay $0x2  }
0xe6: {  	p1 =	sgt.u32 s29, $0x27FF0  }
0xe7: {  	s2 =	sand.u32 @!p1 $0x3FFF8, s29  }
0xe8: {  	s3 =	sadd.s32 $0x108, s0;
	[tilespmem:s0+$0x178] =	vst.add.f32.msk $0xffff, v1;
	s0 =	sadd.s32 @!p1 s1, s2;
	s2 =	sand.u32 @!p1 $0x7, s29  }
0xe9: {  	[hbm4b:s0+s2] =	stream.linear.scatter @!p1 [tilespmem:s3], [sflag:$0xC], $0x80, $0x38;
	[tilespmem:$0x1F6F8] =	vst v63  }
0xea: {  	s0 =	simm.s32 $0x0  }
0xeb: {  	s0 =	simm.s32 @!p1 $0x200  }
0xec: {  	s31 =	sadd.s32 s0, s31  }
.LBB2_16:
0xed: {  	s0 =	sadd.s32 $0x1, s22  }
0xee: {  	s2 =	smulhi.u32 $0x88888889, s0;
	_ =	sdelay $0x1  }
0xef: {  	v1 =	vld [tilespmem:s25+$0xFFFFFFC0];
	s2 =	sshrl.u32 s2, $0x7  }
0xf0: {  	s2 =	smul.u32 $0xF0, s2;
	_ =	sdelay $0x1  }
0xf1: {  	s22 =	ssub.s32 s0, s2  }
0xf2: {  	s0 =	sshll.u32 s22, $0x7  }
0xf3: {  	[tilespmem:s0+$0x108] =	vst v1  }
0xf4: {  	v1 =	vld [tilespmem:s25+$0xFFFFFFD0];
	_ =	sdelay $0x4  }
0xf5: {  	[tilespmem:s0+$0x118] =	vst v1  }
0xf6: {  	v1 =	vld [tilespmem:s25+$0xFFFFFFE0];
	_ =	sdelay $0x4  }
0xf7: {  	[tilespmem:s0+$0x128] =	vst v1  }
0xf8: {  	v1 =	vld [tilespmem:s25+$0xFFFFFFF0];
	_ =	sdelay $0x4  }
0xf9: {  	[tilespmem:s0+$0x138] =	vst v1  }
0xfa: {  	v1 =	vld [tilespmem:s25+$0x0];
	_ =	sdelay $0x4  }
0xfb: {  	[tilespmem:s0+$0x148] =	vst v1  }
0xfc: {  	v1 =	vld [tilespmem:s25+$0x10];
	_ =	sdelay $0x4  }
0xfd: {  	[tilespmem:s0+$0x158] =	vst v1  }
0xfe: {  	v1 =	vld [tilespmem:s25+$0x20];
	_ =	sdelay $0x4  }
0xff: {  	[tilespmem:s0+$0x168] =	vst v1  }
0x100: {  	v1 =	vld [tilespmem:s25+$0x30]  }
.Ltmp15:
0x101: {  	_ = 	snop;
	(pc) =	sbr.rel .LBB2_17-.Ltmp15, $2  }
0x102: {  	_ =	sdelay $0x2  }
0x103: {  	s28 =	sadd.s32 $0x1, s28;
	[tilespmem:s0+$0x178] =	vst v1  }
.LBB2_19:
.Ltmp16:
0x104: {  	(pc) =	sbr.rel .LBB2_20-.Ltmp16, $4  }
0x105: {  	_ = 	snop  }
0x106: {  	s0 =	simm.s32 $0x2  }
0x107: {  	_ =	swait.ge [sflag:s0], $0x0  }
0x108: {  	s30 =	smov.u32 s29;
	[sflag:s0] =	ssyncset.done $0x0;
	s0 =	simm.s32 $0x0  }
.LBB2_22:
0x109: {  	_ =	sfence.sel $0x180000  }
0x10a: {  	s0 =	simm.s32 $0x9;
	[bflag:$0x0] =	sbarrier.arrive $0xFFFF  }
0x10b: {  	s24 =	simm.s32 $0xA;
	[sflag:s0] =	ssyncpa.u1 $0x1  }
0x10c: {  	s25 =	simm.s32 $0xB;
	[sflag:s24] =	ssyncpa.u1 $0x1  }
0x10d: {  	s26 =	simm.s32 $0x2;
	[sflag:s25] =	ssyncpa.u1 $0x1  }
0x10e: {  	[sflag:s26] =	ssyncpa.u1 $0x1  }
0x10f: {  	v0 =	vld [tilespmem:$0xF208];
	_ =	sdelay $0x4  }
0x110: {  	(v2sf) =	vpush v0, $0x0  }
0x111: {  	(v2sf) =	vpush v0, $0x1;
	_ =	sdelay $0x1  }
0x112: {  	(v2sf) =	vpush v0, $0x2;
	_ =	sdelay $0xb  }
0x113: {  	s0 =	spop (v2sf)  }
0x114: {  	s2 =	spop (v2sf)  }
0x115: {  	s3 =	smov.u32 s0;
	p0 =	sne.s32 s0, s2  }
0x116: {  	s4 =	spop (v2sf);
	s3 =	simm.s32 @!p0 $0xFFFFFFFF  }
0x117: {  	v2 =	vimm.s32 $0x1;
	v3 =	vlaneseq.u32;
	p0 =	seq.s32 s4, $0xFFFFFFFF;
	v1 =	vmov s3  }
0x118: {  	s16 =	stileid.u32;
	v0 =	vperm.xlane v0, v2;
	p1 =	sne.s32 @!p0 s0, s2;
	v1 =	vperm.xlane v1, v3  }
0x119: {  	vm0 =	vcmask $0x3F04;
	s6 =	simm.s32 $0xF208;
	s0 =	simm.s32 @!p0 $0x1;
	p1 =	por !p1, p0  }
0x11a: {  	s3 =	sshll.u32 s16, $0x1;
	s2 =	sshll.u32 @!p0 s4, $0x9;
	s0 =	simm.s32 @p1 $0x0;
	v0 =	vsel vm0, v1, v0  }
0x11b: {  	s5 =	sor.u32 $0x1000, s3;
	s2 =	sshra.s32 @!p0 s2, $0x2;
	s0 =	sor.u32 @!p0 s0, s3;
	[tilespmem:$0xF208] =	vst v0  }
0x11c: {  	[spmem:s5] =	stream.linear.scatter [tilespmem:s6], [sflag:$0x1], $0x2, $0x38;
	[tilespmem:$0x1F6F8] =	vst v63  }
0x11d: {  	s2 =	sadd.s32 @!p0 $0x108, s2;
	s0 =	sshll.u32 @!p0 s0, $0x7  }
0x11e: {  	[spmem:s0] =	stream.linear.scatter @!p0 [tilespmem:s2], [sflag:$0x1], $0x80, $0x38;
	[tilespmem:$0x1F6F8] =	vst v63  }
0x11f: {  	s0 =	simm.s32 @!p0 $0x82  }
0x120: {  	s28 =	simm.s32 $0x1;
	s0 =	simm.s32 @p0 $0x2  }
0x121: {  	_ =	swait.ge [sflag:s28], s0  }
0x122: {  	s0 =	ssub.s32 $0x0, s0;
	[sflag:s28] =	ssyncset.done $0x0  }
0x123: {  	p0 =	sne.s32 s16, $0x0;
	[sflag:s28] =	ssyncadd.s32 s0  }
.Ltmp17:
0x124: {  	_ =	sfence.stream.spmem;
	(pc) =	sbr.rel @p0 .LBB2_39-.Ltmp17, $4  }
0x125: {  	s29 =	simm.s32 $0x3;
	[bflag:$0x0] =	sbarrier.arrive $0xFFFF  }
0x126: {  	s30 =	simm.s32 $0x4;
	[sflag:s29] =	ssyncpa.u1 $0x1  }
0x127: {  	s31 =	simm.s32 $0x3C;
	[sflag:s30] =	ssyncpa.u1 $0x1  }
0x128: {  	s15 =	rddreg [dreg:$0x4];
	[sflag:s31] =	ssyncpa.u1 $0x1  }
0x129: {  	_ =	sfence.stream.spmem;
	s0 =	simm.s32 $0x5  }
0x12a: {  	s2 =	simm.s32 $0x1000;
	s3 =	simm.s32 $0xF218;
	[sflag:s0] =	ssyncpa.u1 $0x0  }
0x12b: {  	[tilespmem:s3], [sflag:$0x5] =	stream.linear.gather [spmem:s2], $0x20, $0x38;
	[tilespmem:$0x1F6F8] =	vst v63  }
0x12c: {  	s26 =	simm.s32 $0x0;
	s28 =	simm.s32 $0xF238  }
0x12d: {  	[tilespmem:s28], [sflag:$0x5] =	stream.linear.gather [spmem:s26], $0x1000, $0x38;
	[tilespmem:$0x1F6F8] =	vst v63  }
0x12e: {  	_ =	swait.ge [sflag:s0], $0x1020  }
0x12f: {  	[sflag:s0] =	ssyncset.done $0x0  }
0x130: {  	s29 =	simm.s32 $0x0;
	[sflag:s0] =	ssyncadd.s32 $0xFFFFEFE0  }
0x131: {  	v0 =	vld.msk [tilespmem:s29+$0xF218], $0x1;
	_ =	sdelay $0x1  }
0x132: {  	s30 =	simm.s32 $0x1  }
0x133: {  	v1 =	vld.msk [tilespmem:s30+$0xF218], $0x1;
	_ =	sdelay $0x1  }
0x134: {  	(v2sf) =	vpush v0, $0x0;
	_ =	sdelay $0x2  }
0x135: {  	(v2sf) =	vpush v1, $0x0;
	_ =	sdelay $0x2  }
0x136: {  	s31 =	simm.s32 $0x2  }
0x137: {  	v0 =	vld.msk [tilespmem:s31+$0xF218], $0x1;
	_ =	sdelay $0x2  }
0x138: {  	s4 =	simm.s32 $0xFFFFFFFF;
	s5 =	simm.s32 $0xFFFFFFFF;
	s0 =	simm.s32 $0xC  }
.LBB2_24:
0x139: {  	s2 =	smov.u32 s5;
	s3 =	smov.u32 s4  }
0x13a: {  	s4 =	sshra.s32 s0, $0x2;
	p1 =	sne.s32 s0, $0x7C;
	s0 =	sadd.s32 $0x4, s0;
	(v2sf) =	vpush v0, $0x0  }
0x13b: {  	v0 =	vld.msk [tilespmem:s4+$0xF218], $0x1  }
.Ltmp18:
0x13c: {  	(pc) =	sbr.rel @p1 .LBB2_24-.Ltmp18, $4  }
0x13d: {  	s5 =	spop (v2sf)  }
0x13e: {  	p2 =	sne.s32 s3, $0xFFFFFFFF;
	s4 =	smov.u32 s5  }
0x13f: {  	p3 =	seq.s32 s5, $0xFFFFFFFF;
	s4 =	smov.u32 @p2 s3  }
0x140: {  	s5 =	smov.u32 @p3 s2;
	s4 =	smov.u32 @p3 s3  }
0x141: {  	(v2sf) =	vpush v0, $0x0;
	_ =	sdelay $0x8  }
0x142: {  	s0 =	spop (v2sf)  }
0x143: {  	p1 =	sne.s32 s4, $0xFFFFFFFF;
	s2 =	smov.u32 s0  }
0x144: {  	s9 =	simm.s32 $0x6;
	p2 =	seq.s32 s0, $0xFFFFFFFF;
	s2 =	smov.u32 @p1 s4  }
0x145: {  	s6 =	simm.s32 $0x0;
	s2 =	smov.u32 @p2 s4;
	s3 =	spop (v2sf)  }
0x146: {  	s0 =	smov.u32 @p2 s5;
	p1 =	sne.s32 s2, $0xFFFFFFFF;
	s4 =	smov.u32 s3  }
.Ltmp19:
0x147: {  	p2 =	seq.s32 s3, $0xFFFFFFFF;
	s4 =	smov.u32 @p1 s2;
	(pc) =	sbr.rel .LBB2_26-.Ltmp19, $4  }
0x148: {  	s10 =	simm.s32 $0xF188;
	s4 =	smov.u32 @p2 s2;
	s7 =	spop (v2sf)  }
0x149: {  	s11 =	simm.s32 $0x0;
	p1 =	sne.s32 s4, $0xFFFFFFFF;
	s8 =	smov.u32 s7  }
0x14a: {  	s3 =	smov.u32 @p2 s0;
	p2 =	seq.s32 s7, $0xFFFFFFFF;
	s8 =	smov.u32 @p1 s4  }
0x14b: {  	[sflag:s9] =	ssyncpa.u1 $0x0;
	s7 =	smov.u32 @p2 s3;
	s8 =	smov.u32 @p2 s4  }
.LBB2_32:
0x14c: {  	p1 =	sgt.u32 s12, $0x27FF0  }
0x14d: {  	p2 =	seq.s32 @!p1 s12, s8  }
0x14e: {  	p1 =	por p1, p2  }
0x14f: {  	p2 =	sne.s32 @!p1 s12, s7  }
0x150: {  	p1 =	por p1, !p2  }
0x151: {  	s0 =	sshll.u32 @p1 s11, $0x9  }
0x152: {  	s0 =	sand.u32 @!p1 $0x3FFF8, s12  }
0x153: {  	s2 =	sand.u32 @!p1 $0x7, s12;
	s0 =	sadd.s32 @!p1 s1, s0  }
0x154: {  	[tilespmem:s10], [sflag:$0x6] =	stream.linear.gather @!p1 [hbm4b:s0+s2], $0x80, $0x38;
	[tilespmem:$0x1F6F8] =	vst v63  }
0x155: {  	_ =	swait.ge @!p1 [sflag:s9], $0x80  }
0x156: {  	[sflag:s9] =	ssyncset.done @!p1 $0x0  }
0x157: {  	[sflag:s9] =	ssyncadd.s32 @!p1 $0xFFFFFF80  }
0x158: {  	v1 =	vld @!p1 [tilespmem:$0xF188];
	_ =	sdelay $0x2  }
0x159: {  	s0 =	sshll.u32 @!p1 s11, $0x9  }
0x15a: {  	s2 =	sshrl.u32 @!p1 s0, $0x2  }
0x15b: {  	[tilespmem:s2+$0xF238] =	vst.add.f32.msk @!p1 $0xffff, v1  }
0x15c: {  	v1 =	vld @!p1 [tilespmem:$0xF198];
	_ =	sdelay $0x4  }
0x15d: {  	[tilespmem:s2+$0xF248] =	vst.add.f32.msk @!p1 $0xffff, v1  }
0x15e: {  	v1 =	vld @!p1 [tilespmem:$0xF1A8];
	_ =	sdelay $0x4  }
0x15f: {  	[tilespmem:s2+$0xF258] =	vst.add.f32.msk @!p1 $0xffff, v1  }
0x160: {  	v1 =	vld @!p1 [tilespmem:$0xF1B8];
	_ =	sdelay $0x4  }
0x161: {  	[tilespmem:s2+$0xF268] =	vst.add.f32.msk @!p1 $0xffff, v1  }
0x162: {  	v1 =	vld @!p1 [tilespmem:$0xF1C8];
	_ =	sdelay $0x4  }
0x163: {  	[tilespmem:s2+$0xF278] =	vst.add.f32.msk @!p1 $0xffff, v1  }
0x164: {  	v1 =	vld @!p1 [tilespmem:$0xF1D8];
	_ =	sdelay $0x4  }
0x165: {  	[tilespmem:s2+$0xF288] =	vst.add.f32.msk @!p1 $0xffff, v1  }
0x166: {  	v1 =	vld @!p1 [tilespmem:$0xF1E8];
	_ =	sdelay $0x4  }
0x167: {  	[tilespmem:s2+$0xF298] =	vst.add.f32.msk @!p1 $0xffff, v1  }
0x168: {  	v1 =	vld @!p1 [tilespmem:$0xF1F8];
	_ =	sdelay $0x4  }
0x169: {  	[tilespmem:s2+$0xF2A8] =	vst.add.f32.msk @!p1 $0xffff, v1  }
0x16a: {  	s0 =	sshrl.u32 s0, $0x2;
	[tilespmem:s6+$0xF218] =	vst.msk $0x1, v0  }
0x16b: {  	v0 =	vld [tilespmem:s0+$0xF238];
	_ =	sdelay $0x2  }
0x16c: {  	s31 =	sshll.u32 s6, $0x9  }
0x16d: {  	s2 =	sshra.s32 s31, $0x2  }
0x16e: {  	[tilespmem:s2+$0xF238] =	vst v0  }
0x16f: {  	v0 =	vld [tilespmem:s0+$0xF248];
	_ =	sdelay $0x4  }
0x170: {  	[tilespmem:s2+$0xF248] =	vst v0  }
0x171: {  	v0 =	vld [tilespmem:s0+$0xF258];
	_ =	sdelay $0x4  }
0x172: {  	[tilespmem:s2+$0xF258] =	vst v0  }
0x173: {  	v0 =	vld [tilespmem:s0+$0xF268];
	_ =	sdelay $0x4  }
0x174: {  	[tilespmem:s2+$0xF268] =	vst v0  }
0x175: {  	v0 =	vld [tilespmem:s0+$0xF278];
	_ =	sdelay $0x4  }
0x176: {  	[tilespmem:s2+$0xF278] =	vst v0  }
0x177: {  	v0 =	vld [tilespmem:s0+$0xF288];
	_ =	sdelay $0x4  }
0x178: {  	[tilespmem:s2+$0xF288] =	vst v0  }
0x179: {  	v0 =	vld [tilespmem:s0+$0xF298];
	_ =	sdelay $0x4  }
0x17a: {  	[tilespmem:s2+$0xF298] =	vst v0  }
0x17b: {  	v0 =	vld [tilespmem:s0+$0xF2A8];
	_ =	sdelay $0x4  }
0x17c: {  	s6 =	sadd.s32 $0x1, s6;
	[tilespmem:s2+$0xF2A8] =	vst v0  }
.LBB2_33:
0x17d: {  	s11 =	sadd.s32 $0x1, s11  }
0x17e: {  	p1 =	sne.s32 s11, $0x20  }
.Ltmp20:
0x17f: {  	_ = 	snop;
	(pc) =	sbr.rel @!p1 .LBB2_34-.Ltmp20, $1  }
0x180: {  	_ =	sdelay $0x3  }
.LBB2_26:
0x181: {  	v0 =	vld.msk [tilespmem:s11+$0xF218], $0x1;
	_ =	sdelay $0x4  }
0x182: {  	(v2sf) =	vpush v0, $0x0;
	_ =	sdelay $0xe  }
0x183: {  	s12 =	spop (v2sf)  }
0x184: {  	p1 =	seq.s32 s12, $0xFFFFFFFF  }
.Ltmp21:
0x185: {  	_ = 	snop;
	(pc) =	sbr.rel @p1 .LBB2_33-.Ltmp21, $1  }
0x186: {  	_ =	sdelay $0x3  }
0x187: {  	p1 =	slt.s32 s6, $0x1  }
.Ltmp22:
0x188: {  	_ = 	snop;
	(pc) =	sbr.rel @p1 .LBB2_32-.Ltmp22, $1  }
0x189: {  	_ =	sdelay $0x3  }
0x18a: {  	s13 =	simm.s32 $0xF218;
	p1 =	por $0x0, $0x0  }
0x18b: {  	v1 =	vld.msk @!p1 [tilespmem:s13+$0x0], $0x1;
	_ =	sdelay $0x4  }
0x18c: {  	(v2sf) =	vpush @!p1 v1, $0x0;
	_ =	sdelay $0xd  }
0x18d: {  	p3 =	sne.s32 s6, $0x1  }
.Ltmp23:
0x18e: {  	s0 =	spop @!p1 (v2sf);
	(pc) =	sbr.rel @!p3 .LBB2_30-.Ltmp23, $4  }
0x18f: {  	p2 =	seq.s32 @!p1 s12, s0  }
0x190: {  	s14 =	simm.s32 $0x0;
	p2 =	por !p2, p1  }
0x191: {  	s2 =	simm.s32 $0xFFFFFFFF;
	s14 =	simm.s32 @p2 $0xFFFFFFFF  }
0x192: {  	s0 =	simm.s32 $0x1;
	s14 =	smov.u32 @p1 s2  }
.LBB2_29:
0x193: {  	s2 =	smov.u32 s14;
	p1 =	sne.s32 s14, $0xFFFFFFFF  }
0x194: {  	s13 =	sadd.s32 $0x1, s13;
	s14 =	smov.u32 s0;
	s0 =	sadd.s32 $0x1, s0  }
0x195: {  	p2 =	sne.s32 s6, s0;
	v1 =	vld.msk @!p1 [tilespmem:s13+$0x0], $0x1;
	_ =	sdelay $0x4  }
0x196: {  	(v2sf) =	vpush @!p1 v1, $0x0;
	_ =	sdelay $0xe  }
.Ltmp24:
0x197: {  	s3 =	spop @!p1 (v2sf);
	(pc) =	sbr.rel @p2 .LBB2_29-.Ltmp24, $4  }
0x198: {  	p3 =	seq.s32 @!p1 s12, s3  }
0x199: {  	p3 =	por !p3, p1  }
0x19a: {  	s14 =	simm.s32 @p3 $0xFFFFFFFF  }
0x19b: {  	s14 =	smov.u32 @p1 s2  }
.LBB2_30:
0x19c: {  	p1 =	seq.s32 s14, $0xFFFFFFFF  }
.Ltmp25:
0x19d: {  	_ = 	snop;
	(pc) =	sbr.rel @p1 .LBB2_32-.Ltmp25, $1  }
0x19e: {  	_ =	sdelay $0x3  }
0x19f: {  	s0 =	sshll.u32 s11, $0x7  }
0x1a0: {  	s0 =	sand.u32 $0x3FFFFF80, s0  }
0x1a1: {  	v0 =	vld [tilespmem:s0+$0xF238];
	_ =	sdelay $0x2  }
0x1a2: {  	s2 =	sshll.u32 s14, $0x9  }
0x1a3: {  	s2 =	sshra.s32 s2, $0x2  }
0x1a4: {  	[tilespmem:s2+$0xF238] =	vst.add.f32.msk $0xffff, v0  }
0x1a5: {  	v0 =	vld [tilespmem:s0+$0xF248];
	_ =	sdelay $0x4  }
0x1a6: {  	[tilespmem:s2+$0xF248] =	vst.add.f32.msk $0xffff, v0  }
0x1a7: {  	v0 =	vld [tilespmem:s0+$0xF258];
	_ =	sdelay $0x4  }
0x1a8: {  	[tilespmem:s2+$0xF258] =	vst.add.f32.msk $0xffff, v0  }
0x1a9: {  	v0 =	vld [tilespmem:s0+$0xF268];
	_ =	sdelay $0x4  }
0x1aa: {  	[tilespmem:s2+$0xF268] =	vst.add.f32.msk $0xffff, v0  }
0x1ab: {  	v0 =	vld [tilespmem:s0+$0xF278];
	_ =	sdelay $0x4  }
0x1ac: {  	[tilespmem:s2+$0xF278] =	vst.add.f32.msk $0xffff, v0  }
0x1ad: {  	v0 =	vld [tilespmem:s0+$0xF288];
	_ =	sdelay $0x4  }
0x1ae: {  	[tilespmem:s2+$0xF288] =	vst.add.f32.msk $0xffff, v0  }
0x1af: {  	v0 =	vld [tilespmem:s0+$0xF298];
	_ =	sdelay $0x4  }
0x1b0: {  	[tilespmem:s2+$0xF298] =	vst.add.f32.msk $0xffff, v0  }
0x1b1: {  	v0 =	vld [tilespmem:s0+$0xF2A8]  }
.Ltmp26:
0x1b2: {  	_ = 	snop;
	(pc) =	sbr.rel .LBB2_33-.Ltmp26, $2  }
0x1b3: {  	_ =	sdelay $0x2  }
0x1b4: {  	[tilespmem:s2+$0xF2A8] =	vst.add.f32.msk $0xffff, v0  }
.LBB2_34:
0x1b5: {  	s0 =	simm.s32 $0x6;
	p1 =	seq.s32 s6, $0x0  }
0x1b6: {  	[sflag:s0] =	ssyncpa.u1 $0x1;
	v0 =	vimm.s32 @p1 $0xFFFFFFFF  }
0x1b7: {  	s9 =	sadd.s32 $0xFFFFFFFF, s6;
	[tilespmem:$0x10238] =	vst @p1 v0  }
0x1b8: {  	v0 =	vld.msk @!p1 [tilespmem:s9+$0xF218], $0x1;
	_ =	sdelay $0x1  }
0x1b9: {  	v1 =	vld.msk @!p1 [tilespmem:$0xF218], $0x1;
	_ =	sdelay $0x2  }
0x1ba: {  	p2 =	seq.s32 @!p1 s9, $0x0;
	v0 =	vbroadcast @!p1 v0, $0x0  }
0x1bb: {  	vm0 =	vmmov @!p1 $0x1;
	p2 =	por !p2, p1  }
0x1bc: {  	v1 =	vnsel @!p1 vm0, $0xFFFFFFFF, v1;
	vm0 =	vcmask @!p1 $0x308;
	v0 =	vpsel !p2, $0xFFFFFFFF, v0  }
0x1bd: {  	p2 =	sne.s32 @!p1 s8, s7;
	v0 =	vsel @!p1 vm0, v1, v0  }
0x1be: {  	s0 =	simm.s32 @!p1 $0xF238;
	s2 =	simm.s32 @!p1 $0x0;
	p3 =	por !p2, p1;
	[tilespmem:$0x10238] =	vst @!p1 v0  }
0x1bf: {  	[spmem:s2] =	stream.linear.scatter @!p1 [tilespmem:s0], [sflag:$0x1], $0x80, $0x38;
	[tilespmem:$0x1F6F8] =	vst v63  }
0x1c0: {  	s0 =	sshll.u32 @!p3 s9, $0x9  }
0x1c1: {  	s0 =	sshra.s32 @!p3 s0, $0x2  }
0x1c2: {  	s2 =	simm.s32 @!p3 $0x80;
	s0 =	sadd.s32 @!p3 $0xF238, s0  }
0x1c3: {  	[spmem:s2] =	stream.linear.scatter @!p3 [tilespmem:s0], [sflag:$0x1], $0x80, $0x38;
	[tilespmem:$0x1F6F8] =	vst v63  }
0x1c4: {  	s0 =	simm.s32 @!p3 $0x1  }
0x1c5: {  	_ =	swait.ge @!p3 [sflag:s0], $0x100  }
0x1c6: {  	p1 =	por p2, p1;
	[sflag:s0] =	ssyncset.done @!p3 $0x0  }
0x1c7: {  	[sflag:s0] =	ssyncadd.s32 @!p3 $0xFFFFFF00;
	s0 =	simm.s32 @!p1 $0x1  }
0x1c8: {  	_ =	swait.ge @!p1 [sflag:s0], $0x80  }
0x1c9: {  	s29 =	simm.s32 $0x10238;
	[sflag:s0] =	ssyncset.done @!p1 $0x0  }
0x1ca: {  	s30 =	simm.s32 $0x1000;
	s31 =	simm.s32 $0x1;
	[sflag:s0] =	ssyncadd.s32 @!p1 $0xFFFFFF80  }
0x1cb: {  	[spmem:s30] =	stream.linear.scatter [tilespmem:s29], [sflag:$0x1], $0x10, $0x38;
	[tilespmem:$0x1F6F8] =	vst v63  }
0x1cc: {  	_ =	swait.ge [sflag:s31], $0x10  }
0x1cd: {  	[sflag:s31] =	ssyncset.done $0x0  }
0x1ce: {  	p1 =	seq.s32 s15, $0x0;
	s8 =	rddreg [dreg:$0x1];
	[sflag:s31] =	ssyncadd.s32 $0xFFFFFFF0  }
0x1cf: {  	s2 =	sshll.u32 @p1 s8, $0xE;
	s7 =	rddreg [dreg:$0x2]  }
0x1d0: {  	s0 =	sadd.s32 @p1 $0x15C3C, s2;
	s2 =	sshll.u32 @p1 s7, $0x11  }
0x1d1: {  	_ =	sfence.stream.spmem;
	s0 =	sor.u32 @p1 s2, s0  }
0x1d2: {  	[sflag:s0] =	ssyncadd.remote.s32 @p1 $0x1;
	s0 =	simm.s32 @p1 $0x4  }
0x1d3: {  	s3 =	simm.s32 @!p1 $0x3C;
	s2 =	sand.u32 $0xFFFFFFFE, s8;
	_ =	swait.ge @p1 [sflag:s0], $0x22  }
0x1d4: {  	s4 =	simm.s32 @!p1 $0x0;
	s2 =	sadd.s32 @!p1 $0x4, s2;
	[sflag:s0] =	ssyncset.done @p1 $0x0  }
0x1d5: {  	s5 =	simm.s32 @!p1 $0x100;
	[sflag:s0] =	ssyncadd.s32 @p1 $0xFFFFFFDE;
	s0 =	sshll.u32 @!p1 s2, $0x1A  }
0x1d6: {  	s2 =	sshll.u32 @!p1 s2, $0xD;
	s0 =	sor.u32 @!p1 s0, s7;
	_ =	swait.eq @!p1 [sflag:s3], $0x1  }
0x1d7: {  	s2 =	sor.u32 @!p1 $0x1C04, s2;
	s3 =	simm.s32 @!p1 $0x1C03;
	s0 =	sor.u32 @!p1 $0x80004000, s0  }
0x1d8: {  	[spmem:s5], [sflag:s2] =	dma.general @!p1 [spmem:s4], [sflag:s3], length:$0x20, [dreg:$0x0], stride_count:$0x0, ici_dest:s0, dma_misc:DstOpCode:WRITE  }
0x1d9: {  	p2 =	slt.s32 s9, $0x2;
	s4 =	simm.s32 @!p1 $0x200;
	s5 =	simm.s32 @!p1 $0x202  }
0x1da: {  	[spmem:s5], [sflag:s2] =	dma.general @!p1 [spmem:s4], [sflag:s3], length:$0x2, [dreg:$0x0], stride_count:$0x0, ici_dest:s0, dma_misc:DstOpCode:WRITE  }
.Ltmp27:
0x1db: {  	s0 =	simm.s32 @!p1 $0x3;
	(pc) =	sbr.rel @p2 .LBB2_38-.Ltmp27, $4  }
0x1dc: {  	s2 =	sshll.u32 @!p1 s8, $0xE;
	_ =	swait.ge @!p1 [sflag:s0], $0x22  }
0x1dd: {  	s3 =	sshll.u32 @!p1 s7, $0x11;
	s2 =	sadd.s32 @!p1 $0x11C3C, s2;
	[sflag:s0] =	ssyncset.done @!p1 $0x0  }
0x1de: {  	[sflag:s0] =	ssyncadd.s32 @!p1 $0xFFFFFFDE;
	s0 =	sor.u32 @!p1 s3, s2  }
0x1df: {  	[sflag:s0] =	ssyncadd.remote.s32 @!p1 $0xFFFFFFFF;
	s0 =	simm.s32 $0x0  }
0x1e0: {  	s0 =	simm.s32 $0xF219  }
0x1e1: {  	v0 =	vld.msk [tilespmem:s0+$0x0], $0x1;
	_ =	sdelay $0x4  }
0x1e2: {  	(v2sf) =	vpush v0, $0x0;
	_ =	sdelay $0xb  }
0x1e3: {  	s31 =	sadd.s32 $0xFFFFFFFE, s6  }
0x1e4: {  	s0 =	sadd.s32 $0xFFFFFFFF, s31  }
0x1e5: {  	p2 =	sne.s32 s0, $0x0  }
.Ltmp28:
0x1e6: {  	s2 =	spop (v2sf);
	(pc) =	sbr.rel @!p2 .LBB2_37-.Ltmp28, $4  }
0x1e7: {  	s4 =	simm.s32 $0xF2B8;
	s7 =	simm.s32 $0x0;
	p1 =	sgt.u32 s2, $0x27FF0  }
0x1e8: {  	s5 =	simm.s32 $0x0;
	s6 =	simm.s32 $0xF21A;
	s3 =	sand.u32 @!p1 $0x3FFF8, s2  }
0x1e9: {  	s2 =	sand.u32 @!p1 $0x7, s2;
	s7 =	simm.s32 @!p1 $0x200;
	s3 =	sadd.s32 @!p1 s1, s3  }
0x1ea: {  	[hbm4b:s3+s2] =	stream.linear.scatter @!p1 [tilespmem:s4], [sflag:$0x5], $0x80, $0x38;
	[tilespmem:$0x1F6F8] =	vst v63  }
.LBB2_36:
0x1eb: {  	v0 =	vld.msk [tilespmem:s6+$0x0], $0x1;
	s0 =	sadd.s32 $0xFFFFFFFF, s0;
	s5 =	sadd.s32 s5, s7  }
0x1ec: {  	p1 =	sne.s32 s0, $0x0;
	_ =	sdelay $0x3  }
0x1ed: {  	(v2sf) =	vpush v0, $0x0;
	_ =	sdelay $0xe  }
.Ltmp29:
0x1ee: {  	s2 =	spop (v2sf);
	(pc) =	sbr.rel @p1 .LBB2_36-.Ltmp29, $4  }
0x1ef: {  	s7 =	simm.s32 $0x0;
	p2 =	sgt.u32 s2, $0x27FF0  }
0x1f0: {  	s4 =	sadd.s32 $0x80, s4;
	s7 =	simm.s32 @!p2 $0x200;
	s3 =	sand.u32 @!p2 $0x3FFF8, s2  }
0x1f1: {  	s6 =	sadd.s32 $0x1, s6;
	s2 =	sand.u32 @!p2 $0x7, s2;
	s3 =	sadd.s32 @!p2 s1, s3  }
0x1f2: {  	[hbm4b:s3+s2] =	stream.linear.scatter @!p2 [tilespmem:s4], [sflag:$0x5], $0x80, $0x38;
	[tilespmem:$0x1F6F8] =	vst v63  }
.LBB2_37:
0x1f3: {  	s0 =	sadd.s32 s5, s7  }
0x1f4: {  	s0 =	sshrl.u32 s0, $0x2  }
.LBB2_38:
0x1f5: {  	s2 =	simm.s32 $0x5  }
0x1f6: {  	_ =	swait.ge [sflag:s2], s0  }
0x1f7: {  	s31 =	ssub.s32 $0x0, s0;
	[sflag:s2] =	ssyncset.done $0x0  }
0x1f8: {  	[sflag:s2] =	ssyncadd.s32 s31  }
0x1f9: {  	[sflag:s2] =	ssyncpa.u1 $0x1  }
.LBB2_39:
0x1fa: {  	s0 =	sor.u32 s15, s16  }
0x1fb: {  	p1 =	sne.s32 s0, $0x0  }
.Ltmp30:
0x1fc: {  	_ = 	snop;
	(pc) =	sbr.rel @p1 .LBB2_54-.Ltmp30, $3  }
0x1fd: {  	_ =	sdelay $0x1  }
0x1fe: {  	[bflag:$0x0] =	sbarrier.arrive $0xFFFF  }
0x1ff: {  	_ =	sfence  }
0x200: {  	s0 =	simm.s32 $0x7  }
0x201: {  	s2 =	simm.s32 $0x1000;
	s3 =	simm.s32 $0xF218;
	[sflag:s0] =	ssyncpa.u1 $0x0  }
0x202: {  	[tilespmem:s3], [sflag:$0x7] =	stream.linear.gather [spmem:s2], $0x20, $0x38;
	[tilespmem:$0x1F6F8] =	vst v63  }
0x203: {  	s30 =	simm.s32 $0xF238;
	s2 =	simm.s32 $0x0  }
0x204: {  	[tilespmem:s30], [sflag:$0x7] =	stream.linear.gather [spmem:s2], $0x1000, $0x38;
	[tilespmem:$0x1F6F8] =	vst v63  }
.Ltmp31:
0x205: {  	_ = 	snop;
	(pc) =	sbr.rel .LBB2_41-.Ltmp31, $4  }
0x206: {  	_ =	swait.ge [sflag:s0], $0x1020  }
0x207: {  	[sflag:s0] =	ssyncset.done $0x0  }
0x208: {  	s31 =	simm.s32 $0x8;
	[sflag:s0] =	ssyncadd.s32 $0xFFFFEFE0  }
0x209: {  	s3 =	simm.s32 $0x0;
	[sflag:s31] =	ssyncpa.u1 $0x0  }
.LBB2_47:
0x20a: {  	p1 =	slt.u32 s4, $0x27FF1  }
0x20b: {  	s0 =	sand.u32 @p1 $0x3FFF8, s4  }
0x20c: {  	s4 =	sand.u32 @p1 $0x7, s4;
	s5 =	simm.s32 @p1 $0xF188;
	s0 =	sadd.s32 @p1 s1, s0  }
0x20d: {  	[tilespmem:s5], [sflag:$0x8] =	stream.linear.gather @p1 [hbm4b:s0+s4], $0x80, $0x38;
	[tilespmem:$0x1F6F8] =	vst v63  }
0x20e: {  	s0 =	simm.s32 @p1 $0x8  }
0x20f: {  	_ =	swait.ge @p1 [sflag:s0], $0x80  }
0x210: {  	[sflag:s0] =	ssyncset.done @p1 $0x0  }
0x211: {  	[sflag:s0] =	ssyncadd.s32 @p1 $0xFFFFFF80  }
0x212: {  	v1 =	vld @p1 [tilespmem:$0xF188];
	_ =	sdelay $0x2  }
0x213: {  	s0 =	sshll.u32 @p1 s3, $0x9  }
0x214: {  	s4 =	sshrl.u32 @p1 s0, $0x2  }
0x215: {  	[tilespmem:s4+$0xF238] =	vst.add.f32.msk @p1 $0xffff, v1  }
0x216: {  	v1 =	vld @p1 [tilespmem:$0xF198];
	_ =	sdelay $0x4  }
0x217: {  	[tilespmem:s4+$0xF248] =	vst.add.f32.msk @p1 $0xffff, v1  }
0x218: {  	v1 =	vld @p1 [tilespmem:$0xF1A8];
	_ =	sdelay $0x4  }
0x219: {  	[tilespmem:s4+$0xF258] =	vst.add.f32.msk @p1 $0xffff, v1  }
0x21a: {  	v1 =	vld @p1 [tilespmem:$0xF1B8];
	_ =	sdelay $0x4  }
0x21b: {  	[tilespmem:s4+$0xF268] =	vst.add.f32.msk @p1 $0xffff, v1  }
0x21c: {  	v1 =	vld @p1 [tilespmem:$0xF1C8];
	_ =	sdelay $0x4  }
0x21d: {  	[tilespmem:s4+$0xF278] =	vst.add.f32.msk @p1 $0xffff, v1  }
0x21e: {  	v1 =	vld @p1 [tilespmem:$0xF1D8];
	_ =	sdelay $0x4  }
0x21f: {  	[tilespmem:s4+$0xF288] =	vst.add.f32.msk @p1 $0xffff, v1  }
0x220: {  	v1 =	vld @p1 [tilespmem:$0xF1E8];
	_ =	sdelay $0x4  }
0x221: {  	[tilespmem:s4+$0xF298] =	vst.add.f32.msk @p1 $0xffff, v1  }
0x222: {  	v1 =	vld @p1 [tilespmem:$0xF1F8];
	_ =	sdelay $0x3  }
0x223: {  	s5 =	sshll.u32 @!p1 s3, $0x9  }
0x224: {  	s5 =	smov.u32 @p1 s0;
	[tilespmem:s4+$0xF2A8] =	vst.add.f32.msk @p1 $0xffff, v1  }
0x225: {  	s0 =	sshrl.u32 s5, $0x2;
	[tilespmem:s2+$0xF218] =	vst.msk $0x1, v0  }
0x226: {  	v0 =	vld [tilespmem:s0+$0xF238];
	_ =	sdelay $0x2  }
0x227: {  	s31 =	sshll.u32 s2, $0x9  }
0x228: {  	s4 =	sshra.s32 s31, $0x2  }
0x229: {  	[tilespmem:s4+$0xF238] =	vst v0  }
0x22a: {  	v0 =	vld [tilespmem:s0+$0xF248];
	_ =	sdelay $0x4  }
0x22b: {  	[tilespmem:s4+$0xF248] =	vst v0  }
0x22c: {  	v0 =	vld [tilespmem:s0+$0xF258];
	_ =	sdelay $0x4  }
0x22d: {  	[tilespmem:s4+$0xF258] =	vst v0  }
0x22e: {  	v0 =	vld [tilespmem:s0+$0xF268];
	_ =	sdelay $0x4  }
0x22f: {  	[tilespmem:s4+$0xF268] =	vst v0  }
0x230: {  	v0 =	vld [tilespmem:s0+$0xF278];
	_ =	sdelay $0x4  }
0x231: {  	[tilespmem:s4+$0xF278] =	vst v0  }
0x232: {  	v0 =	vld [tilespmem:s0+$0xF288];
	_ =	sdelay $0x4  }
0x233: {  	[tilespmem:s4+$0xF288] =	vst v0  }
0x234: {  	v0 =	vld [tilespmem:s0+$0xF298];
	_ =	sdelay $0x4  }
0x235: {  	[tilespmem:s4+$0xF298] =	vst v0  }
0x236: {  	v0 =	vld [tilespmem:s0+$0xF2A8];
	_ =	sdelay $0x4  }
0x237: {  	s2 =	sadd.s32 $0x1, s2;
	[tilespmem:s4+$0xF2A8] =	vst v0  }
.LBB2_48:
0x238: {  	s3 =	sadd.s32 $0x1, s3  }
0x239: {  	p1 =	sne.s32 s3, $0x20  }
.Ltmp32:
0x23a: {  	_ = 	snop;
	(pc) =	sbr.rel @!p1 .LBB2_49-.Ltmp32, $1  }
0x23b: {  	_ =	sdelay $0x3  }
.LBB2_41:
0x23c: {  	v0 =	vld.msk [tilespmem:s3+$0xF218], $0x1;
	_ =	sdelay $0x4  }
0x23d: {  	(v2sf) =	vpush v0, $0x0;
	_ =	sdelay $0xe  }
0x23e: {  	s4 =	spop (v2sf)  }
0x23f: {  	p1 =	seq.s32 s4, $0xFFFFFFFF  }
.Ltmp33:
0x240: {  	_ = 	snop;
	(pc) =	sbr.rel @p1 .LBB2_48-.Ltmp33, $1  }
0x241: {  	_ =	sdelay $0x3  }
0x242: {  	p1 =	slt.s32 s2, $0x1  }
.Ltmp34:
0x243: {  	_ = 	snop;
	(pc) =	sbr.rel @p1 .LBB2_47-.Ltmp34, $1  }
0x244: {  	_ =	sdelay $0x3  }
0x245: {  	s5 =	simm.s32 $0xF218;
	p1 =	por $0x0, $0x0  }
0x246: {  	v1 =	vld.msk @!p1 [tilespmem:s5+$0x0], $0x1;
	_ =	sdelay $0x4  }
0x247: {  	(v2sf) =	vpush @!p1 v1, $0x0;
	_ =	sdelay $0xd  }
0x248: {  	p3 =	sne.s32 s2, $0x1  }
.Ltmp35:
0x249: {  	s0 =	spop @!p1 (v2sf);
	(pc) =	sbr.rel @!p3 .LBB2_45-.Ltmp35, $4  }
0x24a: {  	p2 =	seq.s32 @!p1 s4, s0  }
0x24b: {  	s6 =	simm.s32 $0x0;
	p2 =	por !p2, p1  }
0x24c: {  	s7 =	simm.s32 $0xFFFFFFFF;
	s6 =	simm.s32 @p2 $0xFFFFFFFF  }
0x24d: {  	s0 =	simm.s32 $0x1;
	s6 =	smov.u32 @p1 s7  }
.LBB2_44:
0x24e: {  	s7 =	smov.u32 s6;
	p1 =	sne.s32 s6, $0xFFFFFFFF  }
0x24f: {  	s5 =	sadd.s32 $0x1, s5;
	s6 =	smov.u32 s0;
	s0 =	sadd.s32 $0x1, s0  }
0x250: {  	p2 =	sne.s32 s2, s0;
	v1 =	vld.msk @!p1 [tilespmem:s5+$0x0], $0x1;
	_ =	sdelay $0x4  }
0x251: {  	(v2sf) =	vpush @!p1 v1, $0x0;
	_ =	sdelay $0xe  }
.Ltmp36:
0x252: {  	s8 =	spop @!p1 (v2sf);
	(pc) =	sbr.rel @p2 .LBB2_44-.Ltmp36, $4  }
0x253: {  	p3 =	seq.s32 @!p1 s4, s8  }
0x254: {  	p3 =	por !p3, p1  }
0x255: {  	s6 =	simm.s32 @p3 $0xFFFFFFFF  }
0x256: {  	s6 =	smov.u32 @p1 s7  }
.LBB2_45:
0x257: {  	p1 =	seq.s32 s6, $0xFFFFFFFF  }
.Ltmp37:
0x258: {  	_ = 	snop;
	(pc) =	sbr.rel @p1 .LBB2_47-.Ltmp37, $1  }
0x259: {  	_ =	sdelay $0x3  }
0x25a: {  	s0 =	sshll.u32 s3, $0x7  }
0x25b: {  	s0 =	sand.u32 $0x3FFFFF80, s0  }
0x25c: {  	v0 =	vld [tilespmem:s0+$0xF238];
	_ =	sdelay $0x2  }
0x25d: {  	s4 =	sshll.u32 s6, $0x9  }
0x25e: {  	s4 =	sshra.s32 s4, $0x2  }
0x25f: {  	[tilespmem:s4+$0xF238] =	vst.add.f32.msk $0xffff, v0  }
0x260: {  	v0 =	vld [tilespmem:s0+$0xF248];
	_ =	sdelay $0x4  }
0x261: {  	[tilespmem:s4+$0xF248] =	vst.add.f32.msk $0xffff, v0  }
0x262: {  	v0 =	vld [tilespmem:s0+$0xF258];
	_ =	sdelay $0x4  }
0x263: {  	[tilespmem:s4+$0xF258] =	vst.add.f32.msk $0xffff, v0  }
0x264: {  	v0 =	vld [tilespmem:s0+$0xF268];
	_ =	sdelay $0x4  }
0x265: {  	[tilespmem:s4+$0xF268] =	vst.add.f32.msk $0xffff, v0  }
0x266: {  	v0 =	vld [tilespmem:s0+$0xF278];
	_ =	sdelay $0x4  }
0x267: {  	[tilespmem:s4+$0xF278] =	vst.add.f32.msk $0xffff, v0  }
0x268: {  	v0 =	vld [tilespmem:s0+$0xF288];
	_ =	sdelay $0x4  }
0x269: {  	[tilespmem:s4+$0xF288] =	vst.add.f32.msk $0xffff, v0  }
0x26a: {  	v0 =	vld [tilespmem:s0+$0xF298];
	_ =	sdelay $0x4  }
0x26b: {  	[tilespmem:s4+$0xF298] =	vst.add.f32.msk $0xffff, v0  }
0x26c: {  	v0 =	vld [tilespmem:s0+$0xF2A8]  }
.Ltmp38:
0x26d: {  	_ = 	snop;
	(pc) =	sbr.rel .LBB2_48-.Ltmp38, $2  }
0x26e: {  	_ =	sdelay $0x2  }
0x26f: {  	[tilespmem:s4+$0xF2A8] =	vst.add.f32.msk $0xffff, v0  }
.LBB2_49:
0x270: {  	p1 =	slt.s32 s2, $0x1  }
.Ltmp39:
0x271: {  	_ = 	snop;
	(pc) =	sbr.rel @p1 .LBB2_53-.Ltmp39, $3  }
0x272: {  	_ =	sdelay $0x1  }
0x273: {  	s0 =	simm.s32 $0x8  }
0x274: {  	s3 =	simm.s32 $0x0;
	[sflag:s0] =	ssyncpa.u1 $0x1  }
0x275: {  	s0 =	simm.s32 $0xF218  }
0x276: {  	v0 =	vld.msk [tilespmem:s0+$0x0], $0x1;
	_ =	sdelay $0x4  }
0x277: {  	(v2sf) =	vpush v0, $0x0;
	_ =	sdelay $0xe  }
0x278: {  	s0 =	sadd.s32 $0xFFFFFFFF, s2;
	s5 =	spop (v2sf)  }
0x279: {  	p2 =	sne.s32 s0, $0x0;
	p1 =	sgt.u32 s5, $0x27FF0  }
.Ltmp40:
0x27a: {  	s6 =	sand.u32 @!p1 $0x3FFF8, s5;
	(pc) =	sbr.rel @!p2 .LBB2_52-.Ltmp40, $4  }
0x27b: {  	s4 =	simm.s32 $0xF238;
	s5 =	sand.u32 @!p1 $0x7, s5;
	s2 =	sadd.s32 @!p1 s1, s6  }
0x27c: {  	[hbm4b:s2+s5] =	stream.linear.scatter @!p1 [tilespmem:s4], [sflag:$0x7], $0x80, $0x38;
	[tilespmem:$0x1F6F8] =	vst v63  }
0x27d: {  	s5 =	simm.s32 $0x0  }
0x27e: {  	s2 =	simm.s32 $0xF219;
	s5 =	simm.s32 @!p1 $0x200  }
.LBB2_51:
0x27f: {  	v0 =	vld.msk [tilespmem:s2+$0x0], $0x1;
	s0 =	sadd.s32 $0xFFFFFFFF, s0;
	s3 =	sadd.s32 s3, s5  }
0x280: {  	p1 =	sne.s32 s0, $0x0;
	_ =	sdelay $0x3  }
0x281: {  	(v2sf) =	vpush v0, $0x0;
	_ =	sdelay $0xe  }
.Ltmp41:
0x282: {  	s6 =	spop (v2sf);
	(pc) =	sbr.rel @p1 .LBB2_51-.Ltmp41, $4  }
0x283: {  	s5 =	simm.s32 $0x0;
	p2 =	sgt.u32 s6, $0x27FF0  }
0x284: {  	s4 =	sadd.s32 $0x80, s4;
	s5 =	simm.s32 @!p2 $0x200;
	s7 =	sand.u32 @!p2 $0x3FFF8, s6  }
0x285: {  	s2 =	sadd.s32 $0x1, s2;
	s6 =	sand.u32 @!p2 $0x7, s6;
	s7 =	sadd.s32 @!p2 s1, s7  }
0x286: {  	[hbm4b:s7+s6] =	stream.linear.scatter @!p2 [tilespmem:s4], [sflag:$0x7], $0x80, $0x38;
	[tilespmem:$0x1F6F8] =	vst v63  }
.LBB2_52:
0x287: {  	s0 =	sadd.s32 s3, s5  }
0x288: {  	s3 =	sshrl.u32 s0, $0x2  }
.LBB2_53:
0x289: {  	s0 =	simm.s32 $0x7  }
0x28a: {  	_ =	swait.ge [sflag:s0], s3  }
0x28b: {  	s1 =	ssub.s32 $0x0, s3;
	[sflag:s0] =	ssyncset.done $0x0  }
0x28c: {  	[sflag:s0] =	ssyncadd.s32 s1  }
0x28d: {  	[sflag:s0] =	ssyncpa.u1 $0x1  }
.LBB2_54:
0x28e: {  	_ =	sfence;
	s0 =	simm.s32 $0x1  }
0x28f: {  	[sflag:s0] =	ssyncpa.u1 $0x1  }
0x290: {  	_ =	strace $0x9000004D  }
0x291: {  	[bflag:$0x2] =	sbarrier.arrive $0xFFFF  }
0x292: {  	s0 =	rddreg [dreg:$0x3]  }
0x293: {  	s0 =	sadd.s32 @!p0 $0x100000, s0  }
0x294: {  	[sflag:s0] =	ssyncadd.tile.s32 @!p0 $0x1;
	_ =	shalt  }
.Lfunc_end2:
_tile_overlayer_lowered:
.L_overlay_start_2:
0x295: {  	(tag) =	ssettag $0x2  }
0x296: {  	s0 =	rddreg [dreg:$0x0];
	s2 =	stileid.u32  }
0x297: {  	s1 =	rddreg [dreg:$0x1];
	p0 =	sne.s32 s2, $0x0  }
0x298: {  	s3 =	rddreg [dreg:$0x2];
	[bflag:$0x3] =	sbarrier.arrive $0xFFFF;
	s2 =	simm.s32 @!p0 $0x1C01  }
0x299: {  	[timem:s3], [sflag:s2] =	dma.local @!p0 [hbm:s0], s1  }
0x29a: {  	s0 =	simm.s32 @!p0 $0x1  }
0x29b: {  	_ =	swait.ge @!p0 [sflag:s0], s1  }
0x29c: {  	s1 =	ssub.s32 @!p0 $0x0, s1;
	[sflag:s0] =	ssyncset.done @!p0 $0x0  }
0x29d: {  	[sflag:s0] =	ssyncadd.s32 @!p0 s1  }
0x29e: {  	[bflag:$0x3] =	sbarrier.arrive $0xFFFF  }
0x29f: {  	_ =	shalt  }

// kernel: scatter_offload_async_start.2
scs
__scs_entry_jumppad:
0x0: {  	(pc) =	sbr.rel $0x88, $3  }
0x1: {  	(tag) =	ssettag $0x0;
	lr =	simm.s32 $0x1  }
0x2: {  	[smem:$0x3F88] =	sst lr;
	_ =	strace $0xD0000000  }
0x3: {  	_ = 	snop  }
0x4: {  	_ = 	snop  }
0x5: {  	_ = 	snop  }
0x6: {  	_ = 	snop  }
0x7: {  	_ = 	snop  }
__scs_overlays_trampoline_lowered:
0x8: {  	[smem:$0x3F97] =	sst s0  }
0x9: {  	[smem:$0x3F98] =	sst s1  }
0xa: {  	[smem:$0x3F99] =	sst s2  }
0xb: {  	[smem:$0x3F9A] =	sst s3  }
0xc: {  	[smem:$0x3F9B] =	sst s4  }
0xd: {  	[smem:$0x3F9C] =	sst s5  }
0xe: {  	[smem:$0x3F9D] =	sst s6  }
0xf: {  	[smem:$0x3F9E] =	sst s7  }
0x10: {  	[smem:$0x3F9F] =	sst s8  }
0x11: {  	[smem:$0x3FA0] =	sst s9;
	s0 =	simm.s32 @!p0 $0x0  }
0x12: {  	s1 =	sld [smem:$0x3F86];
	s0 =	simm.s32 @p0 $0x1  }
0x13: {  	[smem:$0x3FA1] =	sst s0;
	s0 =	simm.s32 @!p1 $0x0  }
0x14: {  	s2 =	sld [smem:$0x3F85];
	s0 =	simm.s32 @p1 $0x1  }
0x15: {  	[smem:$0x3FA2] =	sst s0;
	s0 =	simm.s32 @!p2 $0x0  }
0x16: {  	s3 =	sld [smem:$0x3FDB];
	s0 =	simm.s32 @p2 $0x1  }
0x17: {  	s4 =	simm.s32 $0x1BF5;
	[smem:$0x3FA4] =	sst s0  }
0x18: {  	s0 =	sld [smem:$0x3F87];
	_ =	swait.ge [sflag:s4], $0x0  }
0x19: {  	s7 =	sld [smem:$0x3F88]  }
0x1a: {  	s8 =	sadd.s32 $0xFFFFE003, lr  }
0x1b: {  	s9 =	sadd.s32 $0xFFFFFEF7, lr;
	s5 =	simm.s32 $0xFFFFFFFF;
	p2 =	slt.u32 s8, $0xFFFFF086  }
0x1c: {  	p1 =	slt.u32 s9, $0xF7A;
	s5 =	simm.s32 @!p2 $0x0  }
0x1d: {  	s5 =	simm.s32 @p1 $0x1;
	p0 =	seq.s32 s7, s2  }
0x1e: {  	s7 =	smul.u32 @!p0 $0xF7A, s2;
	p2 =	seq.s32 @!p0 s5, $0x0  }
0x1f: {  	s9 =	smul.u32 $0xF7A, s1;
	s8 =	simm.s32 @!p0 $0x1BF5;
	p2 =	por !p2, p0  }
0x20: {  	[sflag:s8] =	ssyncset.s32 @!p0 $0xFFFFF086;
	s6 =	sadd.s32 @!p0 s3, s7;
	s7 =	simm.s32 @!p0 $0x108  }
0x21: {  	s3 =	sadd.s32 s3, s9;
	s6 =	sadd.s32 @!p0 $0x88, s6;
	s7 =	simm.s32 @p2 $0x1082  }
0x22: {  	[simem:s7], [sflag:s8] =	dma.local @!p0 [hbm:s6], $0xF7A  }
0x23: {  	s9 =	sor.u32 $0xD0000000, s2;
	s6 =	simm.s32 $0x108;
	_ =	swait.ge @!p0 [sflag:s8], $0x0  }
0x24: {  	s3 =	sadd.s32 $0x88, s3;
	s6 =	simm.s32 @!p1 $0x1082;
	[sflag:s4] =	ssyncset.s32 $0xFFFFF086  }
0x25: {  	[simem:s6], [sflag:s4] =	dma.local [hbm:s3], $0xF7A  }
0x26: {  	[smem:$0x3F88] =	sst s1;
	(tag) =	ssettag s2;
	_ =	strace s9  }
0x27: {  	s1 =	sld [smem:$0x3F98]  }
0x28: {  	s2 =	sld [smem:$0x3F99]  }
0x29: {  	s4 =	sld [smem:$0x3F9B]  }
0x2a: {  	p0 =	seq.s32 s5, $0x0;
	s5 =	sld [smem:$0x3F9C]  }
0x2b: {  	s6 =	sld [smem:$0x3F9D]  }
0x2c: {  	s7 =	sld [smem:$0x3F9E]  }
0x2d: {  	s3 =	simm.s32 $0x108;
	s8 =	sld [smem:$0x3F9F]  }
0x2e: {  	s3 =	simm.s32 @!p0 $0x1082;
	s9 =	sld [smem:$0x3FA0]  }
0x2f: {  	lr =	sadd.s32 s0, s3;
	s0 =	sld [smem:$0x3F97]  }
0x30: {  	s3 =	sld [smem:$0x3F9A]  }
0x31: {  	[smem:$0x3FA3] =	sst s10  }
0x32: {  	s10 =	sld [smem:$0x3FA1];
	_ =	sdelay $0x3  }
0x33: {  	p0 =	seq.s32 s10, $0x1;
	s10 =	sld [smem:$0x3FA3];
	_ =	sdelay $0x3  }
0x34: {  	[smem:$0x3FA3] =	sst s10  }
0x35: {  	s10 =	sld [smem:$0x3FA2];
	_ =	sdelay $0x3  }
0x36: {  	p1 =	seq.s32 s10, $0x1;
	s10 =	sld [smem:$0x3FA3];
	_ =	sdelay $0x3  }
0x37: {  	[smem:$0x3FA3] =	sst s10  }
0x38: {  	s10 =	sld [smem:$0x3FA4]  }
0x39: {  	_ = 	snop;
	(pc) =	sbr.ind lr, $3  }
0x3a: {  	_ = 	snop  }
0x3b: {  	_ = 	snop  }
0x3c: {  	p2 =	seq.s32 s10, $0x1;
	s10 =	sld [smem:$0x3FA3]  }
0x3d: {  	_ =	shalt  }
0x3e: {  	_ =	shalt  }
0x3f: {  	_ =	shalt  }
0x40: {  	_ =	shalt  }
0x41: {  	_ =	shalt  }
0x42: {  	_ =	shalt  }
0x43: {  	_ =	shalt  }
0x44: {  	_ =	shalt  }
0x45: {  	_ =	shalt  }
0x46: {  	_ =	shalt  }
0x47: {  	_ =	shalt  }
0x48: {  	_ =	shalt  }
0x49: {  	_ =	shalt  }
0x4a: {  	_ =	shalt  }
0x4b: {  	_ =	shalt  }
0x4c: {  	_ =	shalt  }
0x4d: {  	_ =	shalt  }
0x4e: {  	_ =	shalt  }
0x4f: {  	_ =	shalt  }
0x50: {  	_ =	shalt  }
0x51: {  	_ =	shalt  }
0x52: {  	_ =	shalt  }
0x53: {  	_ =	shalt  }
0x54: {  	_ =	shalt  }
0x55: {  	_ =	shalt  }
0x56: {  	_ =	shalt  }
0x57: {  	_ =	shalt  }
0x58: {  	_ =	shalt  }
0x59: {  	_ =	shalt  }
0x5a: {  	_ =	shalt  }
0x5b: {  	_ =	shalt  }
0x5c: {  	_ =	shalt  }
0x5d: {  	_ =	shalt  }
0x5e: {  	_ =	shalt  }
0x5f: {  	_ =	shalt  }
0x60: {  	_ =	shalt  }
0x61: {  	_ =	shalt  }
0x62: {  	_ =	shalt  }
0x63: {  	_ =	shalt  }
0x64: {  	_ =	shalt  }
0x65: {  	_ =	shalt  }
0x66: {  	_ =	shalt  }
0x67: {  	_ =	shalt  }
0x68: {  	_ =	shalt  }
0x69: {  	_ =	shalt  }
0x6a: {  	_ =	shalt  }
0x6b: {  	_ =	shalt  }
0x6c: {  	_ =	shalt  }
0x6d: {  	_ =	shalt  }
0x6e: {  	_ =	shalt  }
0x6f: {  	_ =	shalt  }
0x70: {  	_ =	shalt  }
0x71: {  	_ =	shalt  }
0x72: {  	_ =	shalt  }
0x73: {  	_ =	shalt  }
0x74: {  	_ =	shalt  }
0x75: {  	_ =	shalt  }
0x76: {  	_ =	shalt  }
0x77: {  	_ =	shalt  }
0x78: {  	_ =	shalt  }
0x79: {  	_ =	shalt  }
0x7a: {  	_ =	shalt  }
0x7b: {  	_ =	shalt  }
0x7c: {  	_ =	shalt  }
0x7d: {  	_ =	shalt  }
0x7e: {  	_ =	shalt  }
0x7f: {  	_ =	shalt  }
0x80: {  	_ =	shalt  }
0x81: {  	_ =	shalt  }
0x82: {  	_ =	shalt  }
0x83: {  	_ =	shalt  }
0x84: {  	_ =	shalt  }
0x85: {  	_ =	shalt  }
0x86: {  	_ =	shalt  }
0x87: {  	_ =	shalt  }
.Lfunc_end0:
.L_simem_size_0:
called_computation.2_lowered:
.L_overlay_start_0:
0x88: {  	s0 =	sld [smem:$0x3FD9]  }
0x89: {  	s1 =	sld [smem:$0x3FFE];
	_ =	sdelay $0x3  }
0x8a: {  	s0 =	sadd.s32 s1, s0  }
0x8b: {  	[smem:$0x3FAF] =	sst s0  }
0x8c: {  	_ = 	snop  }
0x8d: {  	s0 =	sld [smem:$0x3FC7];
	(tm) =	ssettm $0x1  }
0x8e: {  	s16 =	sld [smem:$0x3FFB];
	_ =	sdelay $0x3  }
0x8f: {  	_ =	strace s16  }
0x90: {  	s1 =	sld [smem:$0x3FFC];
	_ =	sdelay $0x3  }
0x91: {  	_ =	strace s1  }
0x92: {  	s1 =	sld [smem:$0x3FFD];
	_ =	sdelay $0x3  }
0x93: {  	_ =	strace s1  }
0x94: {  	_ =	strace $0x8FFFFFFF  }
0x95: {  	s17 =	sld [smem:$0x3FDB];
	_ =	sdelay $0x1  }
0x96: {  	s2 =	simm.s32 $_scs_section_size  }
0x97: {  	s3 =	simm.s32 $_size__tile_overlayer_lowered;
	s4 =	simm.s32 $_tile_overlayer_lowered  }
0x98: {  	s20 =	simm.s32 $0x1BFF;
	s19 =	sshll.u32 s4, $0x1;
	s1 =	sadd.s32 s2, s17  }
0x99: {  	s5 =	simm.s32 $0x0;
	s18 =	sshll.u32 s3, $0x1;
	s3 =	sadd.s32 s19, s1  }
0x9a: {  	[timem:s5], [sflag:s20] =	dma.local [hbm:s3], s18  }
0x9b: {  	_ =	swait.ge [sflag:s20], s18  }
0x9c: {  	s2 =	ssub.s32 $0x0, s18;
	[sflag:s20] =	ssyncset.done $0x0  }
0x9d: {  	[sflag:s20] =	ssyncadd.s32 s2;
	_ =	sdelay $0x1  }
0x9e: {  	s21 =	simm.s32 $0x1B8B  }
0x9f: {  	_ =	swait.ge [sflag:s21], $0x1  }
0xa0: {  	[sflag:s21] =	ssyncset.done $0x0  }
0xa1: {  	s23 =	simm.s32 $0x1B8E;
	s22 =	sld [smem:$0x3FFE];
	[sflag:s21] =	ssyncadd.s32 $0xFFFFFFFF  }
0xa2: {  	s24 =	simm.s32 $execute0_lowered;
	[smem:$0x3FD2] =	sst s23  }
0xa3: {  	s3 =	sshll.u32 s24, $0x1;
	_ =	strace $0x8000004F;
	[dreg:$0x1] =	wrdreg $0xFFFFFFFF  }
0xa4: {  	s25 =	simm.s32 $_size_execute0_lowered;
	s1 =	sadd.s32 s1, s3;
	[dreg:$0x0] =	wrdreg $0x0  }
0xa5: {  	s3 =	sshll.u32 s25, $0x1;
	[dreg:$0x2] =	wrdreg s1  }
0xa6: {  	[dreg:$0x3] =	wrdreg s3  }
0xa7: {  	[dreg:$0x4] =	wrdreg $0xC0  }
0xa8: {  	_ =	task [dreg:s5], $0x5FFFF  }
0xa9: {  	[dreg:$0x1] =	wrdreg $0xFFFFFFFF  }
0xaa: {  	[dreg:$0x0] =	wrdreg $0x60  }
0xab: {  	[dreg:$0x2] =	wrdreg s22  }
0xac: {  	[dreg:$0x3] =	wrdreg s0  }
0xad: {  	[dreg:$0x4] =	wrdreg $0x9  }
0xae: {  	_ =	task.clear_ibuf [dreg:s5], $0x5FFFF;
	_ =	strace $0x9000004F  }
0xaf: {  	s26 =	simm.s32 $0x9;
	_ =	strace $0x80000051  }
0xb0: {  	_ =	swait.ge [sflag:s26], $0x1  }
0xb1: {  	[sflag:s26] =	ssyncadd.s32 $0xFFFFFFFF  }
0xb2: {  	_ =	strace $0x90000051  }
0xb3: {  	_ =	sfence  }
0xb4: {  	s28 =	sld [smem:$0x0];
	_ =	sdelay $0x1  }
0xb5: {  	s29 =	srdreg.scid  }
0xb6: {  	s30 =	sshll.u32 s29, $0xD;
	s31 =	sshrl.u32 s29, $0x2  }
0xb7: {  	s2 =	sand.u32 $0x4000, s30;
	s1 =	sand.u32 $0x1, s29;
	s0 =	sadd.s32 s31, s28  }
0xb8: {  	s1 =	sor.u32 s2, s1;
	s0 =	sshll.u32 s0, $0x11  }
0xb9: {  	s0 =	sor.u32 s0, s1  }
0xba: {  	s0 =	sadd.s32 $0x8F2B, s0  }
0xbb: {  	[sflag:s0] =	ssyncadd.remote.s32 $0x1  }
0xbc: {  	_ =	sfence.sel $0xFFFF  }
0xbd: {  	[dreg:$0x0] =	wrdreg $0xFFFFFFFF;
	(pc) =	sbr.abs _section_cstart, $3  }
0xbe: {  	[dreg:$0x1] =	wrdreg $0xFFFFFFFF  }
0xbf: {  	_ =	task.clear_ibuf [dreg:s5], $0x2FFFF;
	_ =	strace $0x9FFFFFFF  }
0xc0: {  	(tm) =	ssettm $0x7FFFFFFF  }
0xc1: {  	_ =	shalt  }
tec
execute0_lowered:
.L_overlay_start_1:
0x0: {  	(tag) =	ssettag $0x1  }
0x1: {  	s2 =	rddreg [dreg:$0x0]  }
0x2: {  	s3 =	rddreg [dreg:$0x1]  }
0x3: {  	s0 =	rddreg [dreg:$0x2];
	_ =	strace $0x80000050;
	s1 =	simm.s32 $0x1  }
0x4: {  	s8 =	simm.s32 $0x108;
	v0 =	vimm.s32 $0x0;
	[sflag:s1] =	ssyncpa.u1 $0x0  }
0x5: {  	[tilespmem:s8+$0x70] =	vst v0  }
0x6: {  	[tilespmem:s8+$0x60] =	vst v0  }
0x7: {  	[tilespmem:s8+$0x50] =	vst v0  }
0x8: {  	[tilespmem:s8+$0x40] =	vst v0  }
0x9: {  	[tilespmem:s8+$0x30] =	vst v0  }
0xa: {  	[tilespmem:s8+$0x20] =	vst v0  }
0xb: {  	s1 =	sadd.s32 $0x2A400, s2;
	s5 =	sadd.s32 $0x3200, s2;
	s2 =	simm.s32 $0x40;
	[tilespmem:s8+$0x10] =	vst v0  }
.LBB2_1:
0xc: {  	s2 =	sadd.s32 $0x40, s2;
	[tilespmem:s8+$0x0] =	vst v0;
	s8 =	sadd.s32 $0x80, s8  }
0xd: {  	p0 =	slt.u32 s2, $0x3C40;
	[tilespmem:s8+$0x70] =	vst v0  }
0xe: {  	[tilespmem:s8+$0x60] =	vst v0  }
.Ltmp0:
0xf: {  	[tilespmem:s8+$0x50] =	vst v0;
	(pc) =	sbr.rel @p0 .LBB2_1-.Ltmp0, $4  }
0x10: {  	[tilespmem:s8+$0x40] =	vst v0  }
0x11: {  	[tilespmem:s8+$0x30] =	vst v0  }
0x12: {  	[tilespmem:s8+$0x20] =	vst v0  }
0x13: {  	[tilespmem:s8+$0x10] =	vst v0  }
0x14: {  	s2 =	stileid.u32  }
0x15: {  	s4 =	sshll.u32 s2, $0x1;
	s6 =	smin.u32 s2, $0xA  }
0x16: {  	s6 =	sadd.s32 s6, s4  }
0x17: {  	s7 =	simm.s32 $0x2D0;
	p0 =	slt.u32 s2, $0xA;
	s6 =	smul.u32 $0xF0, s6  }
0x18: {  	s7 =	simm.s32 @!p0 $0x1E0  }
0x19: {  	s7 =	sadd.s32 s7, s6  }
0x1a: {  	s7 =	smin.u32 s7, $0x2760  }
0x1b: {  	s10 =	ssub.s32 s7, s6  }
0x1c: {  	p0 =	sgt.s32 s10, $0x0  }
0x1d: {  	s10 =	simm.s32 @!p0 $0x0  }
0x1e: {  	s9 =	smul.u32 $0x8889, s10;
	_ =	sdelay $0x1  }
0x1f: {  	s11 =	sshrl.u32 s9, $0x17  }
0x20: {  	[tilespmem:s8+$0x0] =	vst v0;
	s8 =	simm.s32 $0x2;
	s12 =	smul.u32 $0xF0, s11  }
.Ltmp1:
0x21: {  	s16 =	simm.s32 $0x0;
	s13 =	simm.s32 $0x8;
	(pc) =	sbr.rel .LBB2_3-.Ltmp1, $4  }
0x22: {  	s15 =	simm.s32 $0x0;
	[sflag:s8] =	ssyncpa.u1 $0x0;
	s14 =	smov.u32 s6  }
0x23: {  	v0 =	vimm.s32 $0xFFFFFFFF;
	s9 =	simm.s32 $0x7;
	p0 =	sne.s32 s10, s12;
	s12 =	simm.s32 $0x1  }
0x24: {  	[tilespmem:$0xF208] =	vst v0;
	[sflag:s9] =	ssyncpa.u1 $0x0;
	s10 =	simm.s32 $0x1;
	s12 =	simm.s32 @!p0 $0x0  }
0x25: {  	v0 =	vlaneseq.u32;
	p0 =	por $0x0, $0x0;
	s11 =	sadd.s32 s11, s12;
	s12 =	sshll.u32 s2, $0x8  }
.LBB2_18:
0x26: {  	s17 =	sshrl.u32 s24, $0x2  }
.LBB2_20:
0x27: {  	_ =	swait.ge [sflag:s13], s17  }
0x28: {  	s31 =	ssub.s32 $0x0, s17;
	v1 =	vmov s18;
	vm0 =	veq.s32 v0, $0x0;
	[sflag:s13] =	ssyncset.done $0x0  }
0x29: {  	vm15 =	veq.s32 v0, $0x2;
	v1 =	vsel vm0, s23, v1;
	[sflag:s13] =	ssyncadd.s32 s31  }
0x2a: {  	v1 =	vsel vm15, s16, v1;
	[sflag:s13] =	ssyncpa.u1 $0x1  }
0x2b: {  	[tilespmem:$0xF208] =	vst v1  }
.LBB2_21:
0x2c: {  	s16 =	sadd.s32 $0xF0, s14  }
0x2d: {  	s17 =	smov.u32 s6;
	p1 =	slt.s32 s16, s7  }
0x2e: {  	s17 =	smov.u32 @p1 s16;
	p1 =	sne.s32 s15, s11  }
.Ltmp2:
0x2f: {  	_ = 	snop;
	(pc) =	sbr.rel @!p1 .LBB2_22-.Ltmp2, $3  }
0x30: {  	_ =	sdelay $0x1  }
0x31: {  	s18 =	sadd.s32 $0x1, s15;
	p0 =	por !p0, !p0  }
0x32: {  	s16 =	smov.u32 s14;
	s15 =	smov.u32 s18;
	s14 =	smov.u32 s17  }
.LBB2_3:
0x33: {  	p1 =	sge.u32 s15, s11  }
0x34: {  	p2 =	sgt.s32 @!p1 s14, $0x2670  }
0x35: {  	s17 =	smov.u32 s14;
	s18 =	sshra.s32 @!p1 s14, $0x1F;
	p2 =	por !p2, p1  }
0x36: {  	s18 =	sand.u32 @!p1 s18, s14;
	s17 =	simm.s32 @p2 $0x2670  }
0x37: {  	s17 =	ssub.s32 @!p1 s17, s18  }
0x38: {  	s18 =	sxor.u32 @!p1 $0xFFFFFFFF, s15;
	s17 =	sadd.s32 @!p1 $0xFFFFD990, s17  }
0x39: {  	s18 =	sand.u32 @!p1 $0x1, s18;
	s19 =	sshll.u32 @!p1 s17, $0x2  }
0x3a: {  	p2 =	sgt.s32 @!p1 s17, $0xEF;
	s17 =	ssub.s32 @!p1 $0x3C0, s19;
	s19 =	smul.u32 @!p1 $0x3C0, s18  }
0x3b: {  	s20 =	sshrl.u32 @!p1 s14, $0x3;
	s21 =	sand.u32 @!p1 $0x7, s14  }
0x3c: {  	p2 =	por !p2, p1;
	s17 =	sshrl.u32 @!p1 s17, $0x2;
	s19 =	sshrl.u32 @!p1 s19, $0x2  }
0x3d: {  	s20 =	sadd.s32 @!p1 s3, s20;
	s17 =	simm.s32 @!p2 $0x0;
	s19 =	sadd.s32 @!p1 $0x10238, s19  }
0x3e: {  	[tilespmem:s19], [sflag:$0x7] =	stream.linear.gather @!p1 [hbm4b:s20+s21], s17, $0x38;
	[tilespmem:$0x1F418] =	vst v63  }
0x3f: {  	s17 =	ssub.s32 @!p1 $0x2710, s14  }
0x40: {  	p2 =	sgt.s32 @!p1 s17, $0x0  }
0x41: {  	s18 =	smul.u32 @!p1 $0x1E000, s18;
	p2 =	por !p2, p1  }
0x42: {  	s17 =	simm.s32 @p2 $0x0  }
0x43: {  	s18 =	sshrl.u32 @!p1 s18, $0x2;
	s19 =	sshll.u32 @!p1 s14, $0x4;
	s17 =	smin.u32 @!p1 s17, $0xF0  }
0x44: {  	s18 =	sor.u32 @!p1 $0x10418, s18;
	s19 =	sadd.s32 @!p1 s5, s19;
	s17 =	sshll.u32 @!p1 s17, $0x7  }
0x45: {  	[tilespmem:s18], [sflag:$0x7] =	stream.linear.gather @!p1 [hbm:s19], s17, $0x38;
	[tilespmem:$0x1F418] =	vst v63  }
0x46: {  	p1 =	seq.s32 s15, $0x0  }
.Ltmp3:
0x47: {  	_ = 	snop;
	(pc) =	sbr.rel @p1 .LBB2_21-.Ltmp3, $1  }
0x48: {  	_ =	sdelay $0x3  }
0x49: {  	p1 =	sgt.s32 s16, $0x2670  }
0x4a: {  	s17 =	smov.u32 s16;
	s18 =	sshra.s32 s16, $0x1F;
	s22 =	ssub.s32 $0x2710, s16  }
0x4b: {  	s17 =	simm.s32 @!p1 $0x2670;
	s18 =	sand.u32 s18, s16;
	p1 =	sgt.s32 s22, $0x0  }
0x4c: {  	s17 =	ssub.s32 s17, s18;
	s22 =	simm.s32 @!p1 $0x0  }
0x4d: {  	s17 =	sadd.s32 $0xFFFFD990, s17;
	s29 =	smin.u32 s22, $0xF0  }
0x4e: {  	s19 =	sshll.u32 s17, $0x2;
	s18 =	sshll.u32 s29, $0x7  }
0x4f: {  	p1 =	sgt.s32 s17, $0xEF;
	s30 =	ssub.s32 $0x3C0, s19;
	_ =	swait.ge [sflag:s9], s18  }
0x50: {  	s18 =	ssub.s32 $0x0, s18;
	[sflag:s9] =	ssyncset.done $0x0;
	s17 =	sshrl.u32 s30, $0x2  }
0x51: {  	[sflag:s9] =	ssyncadd.s32 s18;
	s17 =	simm.s32 @p1 $0x0  }
0x52: {  	_ =	swait.ge [sflag:s9], s17  }
0x53: {  	s17 =	ssub.s32 $0x0, s17;
	[sflag:s9] =	ssyncset.done $0x0  }
0x54: {  	[sflag:s9] =	ssyncadd.s32 s17  }
0x55: {  	v1 =	vld [tilespmem:$0xF208];
	_ =	sdelay $0x4  }
0x56: {  	(v2sf) =	vpush v1, $0x0  }
0x57: {  	(v2sf) =	vpush v1, $0x1  }
0x58: {  	(v2sf) =	vpush v1, $0x2;
	_ =	sdelay $0x3  }
0x59: {  	s17 =	sadd.s32 $0xF0, s16  }
0x5a: {  	p1 =	slt.s32 s7, s17  }
0x5b: {  	s17 =	smov.u32 @p1 s7  }
0x5c: {  	s20 =	ssub.s32 s17, s16  }
0x5d: {  	p1 =	slt.s32 s22, s20  }
0x5e: {  	s20 =	smov.u32 @p1 s22  }
0x5f: {  	s19 =	simm.s32 $0x1;
	p1 =	slt.s32 s20, $0x1  }
.Ltmp4:
0x60: {  	s19 =	simm.s32 @!p0 $0x0;
	(pc) =	sbr.rel @p1 .LBB2_8-.Ltmp4, $4  }
0x61: {  	s31 =	smul.u32 $0x3C0, s19  }
0x62: {  	s21 =	spop (v2sf)  }
0x63: {  	s16 =	sshrl.u32 s31, $0x2;
	s23 =	spop (v2sf)  }
0x64: {  	s17 =	sadd.s32 $0x10238, s16;
	s16 =	spop (v2sf)  }
0x65: {  	s18 =	smin.u32 s20, $0x10  }
0x66: {  	v1 =	vmov s18  }
0x67: {  	p2 =	sgt.s32 s20, $0x10;
	vm1 =	vgt.u32 v1, v0  }
.Ltmp5:
0x68: {  	_ = 	snop;
	(pc) =	sbr.rel @!p2 .LBB2_7-.Ltmp5, $2  }
0x69: {  	_ =	sdelay $0x2  }
0x6a: {  	s22 =	simm.s32 $0x10;
	s24 =	sadd.s32 $0xFFFFFFF0, s20;
	s18 =	smov.u32 s17;
	vm0 =	vmmov vm1  }
.LBB2_6:
0x6b: {  	s25 =	smin.u32 s24, $0x10;
	s22 =	sadd.s32 $0x10, s22;
	v1 =	vld.msk [tilespmem:s18+$0x0 ss:$0x1], vm1  }
0x6c: {  	v2 =	vmov s25;
	p2 =	slt.s32 s22, s20  }
0x6d: {  	vm1 =	vgt.u32 v2, v0  }
.Ltmp6:
0x6e: {  	(pc) =	sbr.rel @p2 .LBB2_6-.Ltmp6, $3  }
0x6f: {  	_ =	sdelay $0x1  }
0x70: {  	v1 =	vshll.u32 v1, $0x4  }
0x71: {  	s24 =	sadd.s32 $0xFFFFFFF0, s24;
	[tilespmem:s18+$0x0] =	vst.msk vm0, v1;
	s18 =	sadd.s32 $0x10, s18;
	vm0 =	vmmov vm1  }
.LBB2_7:
0x72: {  	_ =	sdelay $0x4  }
0x73: {  	v1 =	vld.msk [tilespmem:s18+$0x0 ss:$0x1], vm1;
	_ =	sdelay $0x4  }
0x74: {  	v1 =	vshll.u32 v1, $0x4  }
0x75: {  	[tilespmem:s18+$0x0] =	vst.msk vm0, v1  }
.LBB2_8:
0x76: {  	s18 =	sand.u32 $0x1, s15  }
0x77: {  	s22 =	smul.u32 $0x7800, s18  }
0x78: {  	p2 =	sne.s32 s23, $0xFFFFFFFF  }
0x79: {  	v1 =	vld @!p2 [tilespmem:s22+$0x10418];
	_ =	sdelay $0x2  }
0x7a: {  	s18 =	smul.u32 $0xF0, s18;
	_ =	sdelay $0x1  }
0x7b: {  	v2 =	vld.msk @!p2 [tilespmem:s18+$0x10238], $0x1;
	[tilespmem:$0x108] =	vst @!p2 v1  }
0x7c: {  	v1 =	vld @!p2 [tilespmem:s22+$0x10428];
	_ =	sdelay $0x4  }
0x7d: {  	[tilespmem:$0x118] =	vst @!p2 v1  }
0x7e: {  	v1 =	vld @!p2 [tilespmem:s22+$0x10438];
	_ =	sdelay $0x4  }
0x7f: {  	[tilespmem:$0x128] =	vst @!p2 v1  }
0x80: {  	v1 =	vld @!p2 [tilespmem:s22+$0x10448];
	_ =	sdelay $0x4  }
0x81: {  	[tilespmem:$0x138] =	vst @!p2 v1  }
0x82: {  	v1 =	vld @!p2 [tilespmem:s22+$0x10458];
	_ =	sdelay $0x4  }
0x83: {  	[tilespmem:$0x148] =	vst @!p2 v1  }
0x84: {  	(v2sf) =	vpush @!p2 v2, $0x0;
	v1 =	vld @!p2 [tilespmem:s22+$0x10468];
	_ =	sdelay $0x4  }
0x85: {  	[tilespmem:$0x158] =	vst @!p2 v1  }
0x86: {  	v1 =	vld @!p2 [tilespmem:s22+$0x10478];
	_ =	sdelay $0x4  }
0x87: {  	[tilespmem:$0x168] =	vst @!p2 v1  }
0x88: {  	v1 =	vld @!p2 [tilespmem:s22+$0x10488]  }
.Ltmp7:
0x89: {  	_ = 	snop;
	(pc) =	sbr.rel @p1 .LBB2_19-.Ltmp7, $4  }
0x8a: {  	_ = 	snop  }
0x8b: {  	s22 =	spop @!p2 (v2sf)  }
0x8c: {  	s16 =	simm.s32 @!p2 $0x0;
	s18 =	smov.u32 s22  }
0x8d: {  	s22 =	smov.u32 @p2 s21;
	s18 =	smov.u32 @p2 s23;
	[tilespmem:$0x178] =	vst @!p2 v1;
	[sflag:s13] =	ssyncpa.u1 $0x0  }
0x8e: {  	v1 =	vld.msk [tilespmem:s17+$0x0], $0x1;
	_ =	sdelay $0x4  }
0x8f: {  	(v2sf) =	vpush v1, $0x0;
	_ =	sdelay $0xe  }
0x90: {  	s25 =	spop (v2sf)  }
0x91: {  	p1 =	seq.s32 s22, s25  }
0x92: {  	s20 =	ssub.s32 $0x0, s20;
	p2 =	sgt.s32 @!p1 s22, $0x0  }
0x93: {  	s24 =	smov.u32 s22;
	s23 =	sadd.s32 $0x1, s20;
	p2 =	por !p2, p1  }
0x94: {  	s19 =	smul.u32 $0x1E000, s19;
	s24 =	simm.s32 @p2 $0x0;
	p2 =	seq.s32 s23, $0x0  }
.Ltmp8:
0x95: {  	_ = 	snop;
	(pc) =	sbr.rel @p2 .LBB2_11-.Ltmp8, $4  }
0x96: {  	s21 =	simm.s32 $0x0;
	s19 =	sshrl.u32 s19, $0x2  }
0x97: {  	s19 =	sor.u32 $0x10458, s19;
	s26 =	simm.s32 @!p1 $0x1;
	s24 =	smin.u32 @!p1 s24, $0x3F0  }
0x98: {  	s28 =	simm.s32 @!p1 $0x7988;
	s26 =	smov.u32 @p1 s21;
	s30 =	sand.u32 @!p1 $0x3F8, s24  }
0x99: {  	s29 =	sand.u32 @!p1 $0x7, s24;
	s24 =	sadd.s32 $0x1, s17;
	s30 =	sadd.s32 @!p1 s1, s30  }
.LBB2_10:
0x9a: {  	s31 =	smov.u32 s26  }
0x9b: {  	[tilespmem:s28], [sflag:$0x2] =	stream.linear.gather @!p1 [hbm4b:s30+s29], $0x80, $0x38;
	[tilespmem:$0x1F418] =	vst v63  }
0x9c: {  	s23 =	sadd.s32 $0x1, s23;
	s29 =	smov.u32 s25;
	v1 =	vld.msk [tilespmem:s24+$0x0], $0x1  }
0x9d: {  	p2 =	seq.s32 s23, $0x0;
	_ =	sdelay $0x3  }
0x9e: {  	(v2sf) =	vpush v1, $0x0;
	_ =	sdelay $0xe  }
0x9f: {  	s25 =	spop (v2sf)  }
0xa0: {  	p1 =	seq.s32 s29, s25  }
0xa1: {  	p3 =	sgt.s32 @!p1 s29, $0x0;
	s28 =	sshll.u32 @!p1 s26, $0x9;
	s26 =	sadd.s32 @!p1 $0x1, s26  }
.Ltmp9:
0xa2: {  	p3 =	por !p3, p1;
	s28 =	sshra.s32 @!p1 s28, $0x2;
	(pc) =	sbr.rel @!p2 .LBB2_10-.Ltmp9, $4  }
0xa3: {  	s26 =	smov.u32 @p1 s31;
	s29 =	simm.s32 @p3 $0x0;
	s28 =	sadd.s32 @!p1 $0x7988, s28  }
0xa4: {  	s29 =	smin.u32 @!p1 s29, $0x3F0  }
0xa5: {  	s30 =	sand.u32 @!p1 $0x3F8, s29;
	s29 =	sand.u32 @!p1 $0x7, s29  }
0xa6: {  	s24 =	sadd.s32 $0x1, s24;
	s30 =	sadd.s32 @!p1 s1, s30  }
.LBB2_11:
0xa7: {  	[tilespmem:s28], [sflag:$0x2] =	stream.linear.gather @!p1 [hbm4b:s30+s29], $0x80, $0x38;
	[tilespmem:$0x1F418] =	vst v63  }
.Ltmp10:
0xa8: {  	s23 =	sshll.u32 s26, $0x7;
	(pc) =	sbr.rel .LBB2_12-.Ltmp10, $4  }
0xa9: {  	s23 =	sand.u32 $0x3FFFFF80, s23  }
0xaa: {  	_ =	swait.ge [sflag:s8], s23  }
0xab: {  	s23 =	ssub.s32 $0x0, s23;
	[sflag:s8] =	ssyncset.done $0x0  }
0xac: {  	s24 =	simm.s32 $0x0;
	[sflag:s8] =	ssyncadd.s32 s23  }
.LBB2_13:
0xad: {  	s22 =	sshra.s32 s25, $0x2;
	v1 =	vld [tilespmem:s19+$0xFFFFFFC0]  }
0xae: {  	v2 =	vld [tilespmem:s22+$0x108];
	_ =	sdelay $0x4  }
0xaf: {  	v1 =	vmax.f32 v1, v2  }
0xb0: {  	v2 =	vld [tilespmem:s22+$0x118];
	[tilespmem:s22+$0x108] =	vst v1  }
0xb1: {  	v1 =	vld [tilespmem:s19+$0xFFFFFFD0];
	_ =	sdelay $0x4  }
0xb2: {  	v1 =	vmax.f32 v1, v2  }
0xb3: {  	v2 =	vld [tilespmem:s22+$0x128];
	[tilespmem:s22+$0x118] =	vst v1  }
0xb4: {  	v1 =	vld [tilespmem:s19+$0xFFFFFFE0];
	_ =	sdelay $0x4  }
0xb5: {  	v1 =	vmax.f32 v1, v2  }
0xb6: {  	v2 =	vld [tilespmem:s22+$0x138];
	[tilespmem:s22+$0x128] =	vst v1  }
0xb7: {  	v1 =	vld [tilespmem:s19+$0xFFFFFFF0];
	_ =	sdelay $0x4  }
0xb8: {  	v1 =	vmax.f32 v1, v2  }
0xb9: {  	v2 =	vld [tilespmem:s22+$0x148];
	[tilespmem:s22+$0x138] =	vst v1  }
0xba: {  	v1 =	vld [tilespmem:s19+$0x0];
	_ =	sdelay $0x4  }
0xbb: {  	v1 =	vmax.f32 v1, v2  }
0xbc: {  	v2 =	vld [tilespmem:s22+$0x158];
	[tilespmem:s22+$0x148] =	vst v1  }
0xbd: {  	v1 =	vld [tilespmem:s19+$0x10];
	_ =	sdelay $0x4  }
0xbe: {  	v1 =	vmax.f32 v1, v2  }
0xbf: {  	v2 =	vld [tilespmem:s22+$0x168];
	[tilespmem:s22+$0x158] =	vst v1  }
0xc0: {  	v1 =	vld [tilespmem:s19+$0x20];
	_ =	sdelay $0x4  }
0xc1: {  	v1 =	vmax.f32 v1, v2  }
0xc2: {  	v2 =	vld [tilespmem:s22+$0x178];
	[tilespmem:s22+$0x168] =	vst v1  }
0xc3: {  	v1 =	vld [tilespmem:s19+$0x30];
	_ =	sdelay $0x4  }
0xc4: {  	v1 =	vmax.f32 v1, v2  }
0xc5: {  	[tilespmem:s22+$0x178] =	vst v1  }
.LBB2_17:
0xc6: {  	s20 =	sadd.s32 $0x1, s20  }
0xc7: {  	p1 =	seq.s32 s20, $0x0  }
.Ltmp11:
0xc8: {  	_ = 	snop;
	(pc) =	sbr.rel @p1 .LBB2_18-.Ltmp11, $2  }
0xc9: {  	_ =	sdelay $0x2  }
0xca: {  	s17 =	sadd.s32 $0x1, s17;
	s19 =	sadd.s32 $0x80, s19;
	s22 =	smov.u32 s23  }
.LBB2_12:
0xcb: {  	v1 =	vld.msk [tilespmem:s17+$0x0], $0x1;
	_ =	sdelay $0x4  }
0xcc: {  	(v2sf) =	vpush v1, $0x0;
	_ =	sdelay $0xe  }
0xcd: {  	s23 =	spop (v2sf)  }
0xce: {  	p1 =	sne.s32 s22, s23  }
.Ltmp12:
0xcf: {  	_ = 	snop;
	(pc) =	sbr.rel @!p1 .LBB2_13-.Ltmp12, $2  }
0xd0: {  	_ =	sdelay $0x2  }
0xd1: {  	s25 =	sshll.u32 s16, $0x9  }
0xd2: {  	p1 =	seq.s32 s22, s18  }
.Ltmp13:
0xd3: {  	_ = 	snop;
	(pc) =	sbr.rel @!p1 .LBB2_15-.Ltmp13, $1  }
0xd4: {  	_ =	sdelay $0x3  }
0xd5: {  	s22 =	sshra.s32 s25, $0x2  }
.Ltmp14:
0xd6: {  	s22 =	sadd.s32 $0x108, s22;
	(pc) =	sbr.rel .LBB2_16-.Ltmp14, $4  }
0xd7: {  	[spmem:s12] =	stream.linear.scatter [tilespmem:s22], [sflag:$0x1], $0x80, $0x38;
	[tilespmem:$0x1F418] =	vst v63  }
0xd8: {  	_ =	swait.ge [sflag:s10], $0x80  }
0xd9: {  	[sflag:s10] =	ssyncset.done $0x0  }
0xda: {  	[sflag:s10] =	ssyncadd.s32 $0xFFFFFF80  }
.LBB2_15:
0xdb: {  	s26 =	sshll.u32 s21, $0x9;
	s25 =	sshra.s32 s25, $0x2  }
0xdc: {  	s26 =	sshra.s32 s26, $0x2;
	v2 =	vld [tilespmem:s25+$0x108]  }
0xdd: {  	v1 =	vld [tilespmem:s26+$0x7988];
	_ =	sdelay $0x4  }
0xde: {  	v1 =	vmax.f32 v1, v2  }
0xdf: {  	v2 =	vld [tilespmem:s25+$0x118];
	[tilespmem:s25+$0x108] =	vst v1  }
0xe0: {  	v1 =	vld [tilespmem:s26+$0x7998];
	_ =	sdelay $0x4  }
0xe1: {  	v1 =	vmax.f32 v1, v2  }
0xe2: {  	v2 =	vld [tilespmem:s25+$0x128];
	[tilespmem:s25+$0x118] =	vst v1  }
0xe3: {  	v1 =	vld [tilespmem:s26+$0x79A8];
	_ =	sdelay $0x4  }
0xe4: {  	v1 =	vmax.f32 v1, v2  }
0xe5: {  	v2 =	vld [tilespmem:s25+$0x138];
	[tilespmem:s25+$0x128] =	vst v1  }
0xe6: {  	v1 =	vld [tilespmem:s26+$0x79B8];
	_ =	sdelay $0x4  }
0xe7: {  	v1 =	vmax.f32 v1, v2  }
0xe8: {  	v2 =	vld [tilespmem:s25+$0x148];
	[tilespmem:s25+$0x138] =	vst v1  }
0xe9: {  	v1 =	vld [tilespmem:s26+$0x79C8];
	_ =	sdelay $0x4  }
0xea: {  	v1 =	vmax.f32 v1, v2  }
0xeb: {  	v2 =	vld [tilespmem:s25+$0x158];
	[tilespmem:s25+$0x148] =	vst v1  }
0xec: {  	v1 =	vld [tilespmem:s26+$0x79D8];
	_ =	sdelay $0x4  }
0xed: {  	v1 =	vmax.f32 v1, v2  }
0xee: {  	v2 =	vld [tilespmem:s25+$0x168];
	[tilespmem:s25+$0x158] =	vst v1  }
0xef: {  	v1 =	vld [tilespmem:s26+$0x79E8];
	_ =	sdelay $0x4  }
0xf0: {  	v1 =	vmax.f32 v1, v2  }
0xf1: {  	v2 =	vld [tilespmem:s25+$0x178];
	[tilespmem:s25+$0x168] =	vst v1  }
0xf2: {  	v1 =	vld [tilespmem:s26+$0x79F8];
	_ =	sdelay $0x3  }
0xf3: {  	p1 =	sgt.u32 s22, $0x3F0  }
0xf4: {  	s26 =	sand.u32 @!p1 $0x3F8, s22;
	v1 =	vmax.f32 v1, v2  }
0xf5: {  	s28 =	sadd.s32 $0x108, s25;
	s22 =	sand.u32 @!p1 $0x7, s22;
	[tilespmem:s25+$0x178] =	vst v1;
	s25 =	sadd.s32 @!p1 s1, s26  }
0xf6: {  	[hbm4b:s25+s22] =	stream.linear.scatter @!p1 [tilespmem:s28], [sflag:$0x8], $0x80, $0x38;
	[tilespmem:$0x1F418] =	vst v63  }
0xf7: {  	s22 =	simm.s32 $0x0  }
0xf8: {  	s22 =	simm.s32 @!p1 $0x200  }
0xf9: {  	s24 =	sadd.s32 s22, s24  }
.LBB2_16:
0xfa: {  	s16 =	sadd.s32 $0x1, s16  }
0xfb: {  	s22 =	smulhi.u32 $0x88888889, s16;
	_ =	sdelay $0x1  }
0xfc: {  	v1 =	vld [tilespmem:s19+$0xFFFFFFC0];
	s22 =	sshrl.u32 s22, $0x7  }
0xfd: {  	s22 =	smul.u32 $0xF0, s22;
	_ =	sdelay $0x1  }
0xfe: {  	s16 =	ssub.s32 s16, s22  }
0xff: {  	s22 =	sshll.u32 s16, $0x7  }
0x100: {  	[tilespmem:s22+$0x108] =	vst v1  }
0x101: {  	v1 =	vld [tilespmem:s19+$0xFFFFFFD0];
	_ =	sdelay $0x4  }
0x102: {  	[tilespmem:s22+$0x118] =	vst v1  }
0x103: {  	v1 =	vld [tilespmem:s19+$0xFFFFFFE0];
	_ =	sdelay $0x4  }
0x104: {  	[tilespmem:s22+$0x128] =	vst v1  }
0x105: {  	v1 =	vld [tilespmem:s19+$0xFFFFFFF0];
	_ =	sdelay $0x4  }
0x106: {  	[tilespmem:s22+$0x138] =	vst v1  }
0x107: {  	v1 =	vld [tilespmem:s19+$0x0];
	_ =	sdelay $0x4  }
0x108: {  	[tilespmem:s22+$0x148] =	vst v1  }
0x109: {  	v1 =	vld [tilespmem:s19+$0x10];
	_ =	sdelay $0x4  }
0x10a: {  	[tilespmem:s22+$0x158] =	vst v1  }
0x10b: {  	v1 =	vld [tilespmem:s19+$0x20];
	_ =	sdelay $0x4  }
0x10c: {  	[tilespmem:s22+$0x168] =	vst v1  }
0x10d: {  	v1 =	vld [tilespmem:s19+$0x30]  }
.Ltmp15:
0x10e: {  	_ = 	snop;
	(pc) =	sbr.rel .LBB2_17-.Ltmp15, $2  }
0x10f: {  	_ =	sdelay $0x2  }
0x110: {  	s21 =	sadd.s32 $0x1, s21;
	[tilespmem:s22+$0x178] =	vst v1  }
.LBB2_19:
.Ltmp16:
0x111: {  	(pc) =	sbr.rel .LBB2_20-.Ltmp16, $3  }
0x112: {  	_ =	sdelay $0x1  }
0x113: {  	_ =	swait.ge [sflag:s8], $0x0  }
0x114: {  	s17 =	simm.s32 $0x0;
	s23 =	smov.u32 s22;
	[sflag:s8] =	ssyncset.done $0x0  }
.LBB2_22:
0x115: {  	_ =	sfence.sel $0x180000  }
0x116: {  	s3 =	simm.s32 $0x7;
	[bflag:$0x0] =	sbarrier.arrive $0xFFFF  }
0x117: {  	s28 =	simm.s32 $0x2;
	[sflag:s3] =	ssyncpa.u1 $0x1  }
0x118: {  	[sflag:s28] =	ssyncpa.u1 $0x1  }
0x119: {  	v0 =	vld [tilespmem:$0xF208];
	_ =	sdelay $0x4  }
0x11a: {  	(v2sf) =	vpush v0, $0x0  }
0x11b: {  	(v2sf) =	vpush v0, $0x1;
	_ =	sdelay $0x2  }
0x11c: {  	(v2sf) =	vpush v0, $0x2;
	_ =	sdelay $0xa  }
0x11d: {  	s3 =	spop (v2sf)  }
0x11e: {  	s5 =	spop (v2sf)  }
0x11f: {  	s6 =	smov.u32 s3;
	p0 =	sne.s32 s3, s5  }
0x120: {  	s6 =	simm.s32 @!p0 $0xFFFFFFFF  }
0x121: {  	v2 =	vimm.s32 $0x1;
	v3 =	vlaneseq.u32;
	v1 =	vmov s6;
	s6 =	spop (v2sf)  }
0x122: {  	v0 =	vperm.xlane v0, v2;
	v1 =	vperm.xlane v1, v3;
	p0 =	seq.s32 s6, $0xFFFFFFFF  }
0x123: {  	vm0 =	vcmask $0x3F04;
	p1 =	sne.s32 @!p0 s3, s5  }
0x124: {  	s7 =	sor.u32 $0x1000, s4;
	s3 =	simm.s32 @!p0 $0x1;
	v0 =	vsel vm0, v1, v0;
	p1 =	por !p1, p0  }
0x125: {  	s8 =	simm.s32 $0xF208;
	s5 =	sshll.u32 @!p0 s6, $0x9;
	[tilespmem:$0xF208] =	vst v0;
	s3 =	simm.s32 @p1 $0x0  }
0x126: {  	[spmem:s7] =	stream.linear.scatter [tilespmem:s8], [sflag:$0x1], $0x2, $0x38;
	[tilespmem:$0x1F418] =	vst v63  }
0x127: {  	s3 =	sor.u32 @!p0 s3, s4;
	s4 =	sshra.s32 @!p0 s5, $0x2  }
0x128: {  	s4 =	sadd.s32 @!p0 $0x108, s4;
	s3 =	sshll.u32 @!p0 s3, $0x7  }
0x129: {  	[spmem:s3] =	stream.linear.scatter @!p0 [tilespmem:s4], [sflag:$0x1], $0x80, $0x38;
	[tilespmem:$0x1F418] =	vst v63  }
0x12a: {  	s4 =	simm.s32 @!p0 $0x82  }
0x12b: {  	s3 =	simm.s32 $0x1;
	s4 =	simm.s32 @p0 $0x2  }
0x12c: {  	_ =	swait.ge [sflag:s3], s4  }
0x12d: {  	s4 =	ssub.s32 $0x0, s4;
	[sflag:s3] =	ssyncset.done $0x0  }
0x12e: {  	[sflag:s3] =	ssyncadd.s32 s4  }
0x12f: {  	_ =	sfence.stream.spmem  }
0x130: {  	s29 =	simm.s32 $0x3;
	[bflag:$0x0] =	sbarrier.arrive $0xFFFF  }
0x131: {  	s30 =	simm.s32 $0x4;
	[sflag:s29] =	ssyncpa.u1 $0x1  }
0x132: {  	s31 =	simm.s32 $0x3C;
	[sflag:s30] =	ssyncpa.u1 $0x1  }
0x133: {  	p0 =	sne.s32 s2, $0x0;
	[sflag:s31] =	ssyncpa.u1 $0x1  }
0x134: {  	_ =	sfence @p0  }
0x135: {  	[sflag:s3] =	ssyncpa.u1 @p0 $0x1  }
0x136: {  	_ =	strace @p0 $0x90000050  }
0x137: {  	[bflag:$0x2] =	sbarrier.arrive @p0 $0xFFFF  }
0x138: {  	_ =	shalt @p0  }
.LBB2_23:
0x139: {  	_ =	sfence.stream.spmem;
	s3 =	simm.s32 $0x5  }
0x13a: {  	s2 =	simm.s32 $0x1000;
	s4 =	simm.s32 $0xF218;
	[sflag:s3] =	ssyncpa.u1 $0x0  }
0x13b: {  	[tilespmem:s4], [sflag:$0x5] =	stream.linear.gather [spmem:s2], $0x20, $0x38;
	[tilespmem:$0x1F418] =	vst v63  }
0x13c: {  	s30 =	simm.s32 $0xF238;
	s2 =	simm.s32 $0x0  }
0x13d: {  	[tilespmem:s30], [sflag:$0x5] =	stream.linear.gather [spmem:s2], $0x1000, $0x38;
	[tilespmem:$0x1F418] =	vst v63  }
.Ltmp17:
0x13e: {  	_ = 	snop;
	(pc) =	sbr.rel .LBB2_24-.Ltmp17, $4  }
0x13f: {  	_ =	swait.ge [sflag:s3], $0x1020  }
0x140: {  	[sflag:s3] =	ssyncset.done $0x0  }
0x141: {  	s31 =	simm.s32 $0x6;
	[sflag:s3] =	ssyncadd.s32 $0xFFFFEFE0  }
0x142: {  	s3 =	simm.s32 $0x0;
	[sflag:s31] =	ssyncpa.u1 $0x0  }
.LBB2_30:
0x143: {  	p0 =	slt.u32 s4, $0x3F1  }
0x144: {  	s5 =	sand.u32 @p0 $0x3F8, s4  }
0x145: {  	s4 =	sand.u32 @p0 $0x7, s4;
	s6 =	simm.s32 @p0 $0xF188;
	s5 =	sadd.s32 @p0 s1, s5  }
0x146: {  	[tilespmem:s6], [sflag:$0x6] =	stream.linear.gather @p0 [hbm4b:s5+s4], $0x80, $0x38;
	[tilespmem:$0x1F418] =	vst v63  }
0x147: {  	s4 =	simm.s32 @p0 $0x6  }
0x148: {  	_ =	swait.ge @p0 [sflag:s4], $0x80  }
0x149: {  	[sflag:s4] =	ssyncset.done @p0 $0x0  }
0x14a: {  	[sflag:s4] =	ssyncadd.s32 @p0 $0xFFFFFF80;
	s4 =	sshll.u32 @p0 s3, $0x9  }
0x14b: {  	s5 =	sshrl.u32 @p0 s4, $0x2;
	v1 =	vld @p0 [tilespmem:$0xF188]  }
0x14c: {  	v2 =	vld @p0 [tilespmem:s5+$0xF238];
	_ =	sdelay $0x4  }
0x14d: {  	v1 =	vmax.f32 @p0 v1, v2  }
0x14e: {  	v2 =	vld @p0 [tilespmem:s5+$0xF248];
	[tilespmem:s5+$0xF238] =	vst @p0 v1  }
0x14f: {  	v1 =	vld @p0 [tilespmem:$0xF198];
	_ =	sdelay $0x4  }
0x150: {  	v1 =	vmax.f32 @p0 v1, v2  }
0x151: {  	v2 =	vld @p0 [tilespmem:s5+$0xF258];
	[tilespmem:s5+$0xF248] =	vst @p0 v1  }
0x152: {  	v1 =	vld @p0 [tilespmem:$0xF1A8];
	_ =	sdelay $0x4  }
0x153: {  	v1 =	vmax.f32 @p0 v1, v2  }
0x154: {  	v2 =	vld @p0 [tilespmem:s5+$0xF268];
	[tilespmem:s5+$0xF258] =	vst @p0 v1  }
0x155: {  	v1 =	vld @p0 [tilespmem:$0xF1B8];
	_ =	sdelay $0x4  }
0x156: {  	v1 =	vmax.f32 @p0 v1, v2  }
0x157: {  	v2 =	vld @p0 [tilespmem:s5+$0xF278];
	[tilespmem:s5+$0xF268] =	vst @p0 v1  }
0x158: {  	v1 =	vld @p0 [tilespmem:$0xF1C8];
	_ =	sdelay $0x4  }
0x159: {  	v1 =	vmax.f32 @p0 v1, v2  }
0x15a: {  	v2 =	vld @p0 [tilespmem:s5+$0xF288];
	[tilespmem:s5+$0xF278] =	vst @p0 v1  }
0x15b: {  	v1 =	vld @p0 [tilespmem:$0xF1D8];
	_ =	sdelay $0x4  }
0x15c: {  	v1 =	vmax.f32 @p0 v1, v2  }
0x15d: {  	v2 =	vld @p0 [tilespmem:s5+$0xF298];
	[tilespmem:s5+$0xF288] =	vst @p0 v1  }
0x15e: {  	v1 =	vld @p0 [tilespmem:$0xF1E8];
	_ =	sdelay $0x4  }
0x15f: {  	v1 =	vmax.f32 @p0 v1, v2  }
0x160: {  	v2 =	vld @p0 [tilespmem:s5+$0xF2A8];
	[tilespmem:s5+$0xF298] =	vst @p0 v1  }
0x161: {  	v1 =	vld @p0 [tilespmem:$0xF1F8];
	_ =	sdelay $0x4  }
0x162: {  	s6 =	sshll.u32 @!p0 s3, $0x9;
	v1 =	vmax.f32 @p0 v1, v2  }
0x163: {  	s6 =	smov.u32 @p0 s4;
	[tilespmem:s5+$0xF2A8] =	vst @p0 v1  }
0x164: {  	s4 =	sshrl.u32 s6, $0x2;
	[tilespmem:s2+$0xF218] =	vst.msk $0x1, v0  }
0x165: {  	v0 =	vld [tilespmem:s4+$0xF238];
	_ =	sdelay $0x2  }
0x166: {  	s31 =	sshll.u32 s2, $0x9  }
0x167: {  	s5 =	sshra.s32 s31, $0x2  }
0x168: {  	[tilespmem:s5+$0xF238] =	vst v0  }
0x169: {  	v0 =	vld [tilespmem:s4+$0xF248];
	_ =	sdelay $0x4  }
0x16a: {  	[tilespmem:s5+$0xF248] =	vst v0  }
0x16b: {  	v0 =	vld [tilespmem:s4+$0xF258];
	_ =	sdelay $0x4  }
0x16c: {  	[tilespmem:s5+$0xF258] =	vst v0  }
0x16d: {  	v0 =	vld [tilespmem:s4+$0xF268];
	_ =	sdelay $0x4  }
0x16e: {  	[tilespmem:s5+$0xF268] =	vst v0  }
0x16f: {  	v0 =	vld [tilespmem:s4+$0xF278];
	_ =	sdelay $0x4  }
0x170: {  	[tilespmem:s5+$0xF278] =	vst v0  }
0x171: {  	v0 =	vld [tilespmem:s4+$0xF288];
	_ =	sdelay $0x4  }
0x172: {  	[tilespmem:s5+$0xF288] =	vst v0  }
0x173: {  	v0 =	vld [tilespmem:s4+$0xF298];
	_ =	sdelay $0x4  }
0x174: {  	[tilespmem:s5+$0xF298] =	vst v0  }
0x175: {  	v0 =	vld [tilespmem:s4+$0xF2A8];
	_ =	sdelay $0x4  }
0x176: {  	s2 =	sadd.s32 $0x1, s2;
	[tilespmem:s5+$0xF2A8] =	vst v0  }
.LBB2_31:
0x177: {  	s3 =	sadd.s32 $0x1, s3  }
0x178: {  	p0 =	sne.s32 s3, $0x20  }
.Ltmp18:
0x179: {  	_ = 	snop;
	(pc) =	sbr.rel @!p0 .LBB2_32-.Ltmp18, $1  }
0x17a: {  	_ =	sdelay $0x3  }
.LBB2_24:
0x17b: {  	v0 =	vld.msk [tilespmem:s3+$0xF218], $0x1;
	_ =	sdelay $0x4  }
0x17c: {  	(v2sf) =	vpush v0, $0x0;
	_ =	sdelay $0xe  }
0x17d: {  	s4 =	spop (v2sf)  }
0x17e: {  	p0 =	seq.s32 s4, $0xFFFFFFFF  }
.Ltmp19:
0x17f: {  	_ = 	snop;
	(pc) =	sbr.rel @p0 .LBB2_31-.Ltmp19, $1  }
0x180: {  	_ =	sdelay $0x3  }
0x181: {  	p0 =	slt.s32 s2, $0x1  }
.Ltmp20:
0x182: {  	_ = 	snop;
	(pc) =	sbr.rel @p0 .LBB2_30-.Ltmp20, $1  }
0x183: {  	_ =	sdelay $0x3  }
0x184: {  	s5 =	simm.s32 $0xF218;
	p0 =	por $0x0, $0x0  }
0x185: {  	v1 =	vld.msk @!p0 [tilespmem:s5+$0x0], $0x1;
	_ =	sdelay $0x4  }
0x186: {  	(v2sf) =	vpush @!p0 v1, $0x0;
	_ =	sdelay $0xd  }
0x187: {  	p2 =	sne.s32 s2, $0x1  }
.Ltmp21:
0x188: {  	s6 =	spop @!p0 (v2sf);
	(pc) =	sbr.rel @!p2 .LBB2_28-.Ltmp21, $4  }
0x189: {  	p1 =	seq.s32 @!p0 s4, s6  }
0x18a: {  	s6 =	simm.s32 $0x0;
	p1 =	por !p1, p0  }
0x18b: {  	s8 =	simm.s32 $0xFFFFFFFF;
	s6 =	simm.s32 @p1 $0xFFFFFFFF  }
0x18c: {  	s7 =	simm.s32 $0x1;
	s6 =	smov.u32 @p0 s8  }
.LBB2_27:
0x18d: {  	s8 =	smov.u32 s6;
	p0 =	sne.s32 s6, $0xFFFFFFFF  }
0x18e: {  	s5 =	sadd.s32 $0x1, s5;
	s6 =	smov.u32 s7;
	s7 =	sadd.s32 $0x1, s7  }
0x18f: {  	p1 =	sne.s32 s2, s7;
	v1 =	vld.msk @!p0 [tilespmem:s5+$0x0], $0x1;
	_ =	sdelay $0x4  }
0x190: {  	(v2sf) =	vpush @!p0 v1, $0x0;
	_ =	sdelay $0xe  }
.Ltmp22:
0x191: {  	s9 =	spop @!p0 (v2sf);
	(pc) =	sbr.rel @p1 .LBB2_27-.Ltmp22, $4  }
0x192: {  	p2 =	seq.s32 @!p0 s4, s9  }
0x193: {  	p2 =	por !p2, p0  }
0x194: {  	s6 =	simm.s32 @p2 $0xFFFFFFFF  }
0x195: {  	s6 =	smov.u32 @p0 s8  }
.LBB2_28:
0x196: {  	p0 =	seq.s32 s6, $0xFFFFFFFF  }
.Ltmp23:
0x197: {  	_ = 	snop;
	(pc) =	sbr.rel @p0 .LBB2_30-.Ltmp23, $1  }
0x198: {  	_ =	sdelay $0x3  }
0x199: {  	s4 =	sshll.u32 s3, $0x7  }
0x19a: {  	s5 =	sshll.u32 s6, $0x9;
	s4 =	sand.u32 $0x3FFFFF80, s4  }
0x19b: {  	s5 =	sshra.s32 s5, $0x2;
	v0 =	vld [tilespmem:s4+$0xF238]  }
0x19c: {  	v1 =	vld [tilespmem:s5+$0xF238];
	_ =	sdelay $0x4  }
0x19d: {  	v0 =	vmax.f32 v0, v1  }
0x19e: {  	v57 =	vld [tilespmem:s5+$0xF248];
	[tilespmem:s5+$0xF238] =	vst v0  }
0x19f: {  	v0 =	vld [tilespmem:s4+$0xF248];
	_ =	sdelay $0x4  }
0x1a0: {  	v0 =	vmax.f32 v0, v57  }
0x1a1: {  	v58 =	vld [tilespmem:s5+$0xF258];
	[tilespmem:s5+$0xF248] =	vst v0  }
0x1a2: {  	v0 =	vld [tilespmem:s4+$0xF258];
	_ =	sdelay $0x4  }
0x1a3: {  	v0 =	vmax.f32 v0, v58  }
0x1a4: {  	v59 =	vld [tilespmem:s5+$0xF268];
	[tilespmem:s5+$0xF258] =	vst v0  }
0x1a5: {  	v0 =	vld [tilespmem:s4+$0xF268];
	_ =	sdelay $0x4  }
0x1a6: {  	v0 =	vmax.f32 v0, v59  }
0x1a7: {  	v60 =	vld [tilespmem:s5+$0xF278];
	[tilespmem:s5+$0xF268] =	vst v0  }
0x1a8: {  	v0 =	vld [tilespmem:s4+$0xF278];
	_ =	sdelay $0x4  }
0x1a9: {  	v0 =	vmax.f32 v0, v60  }
0x1aa: {  	v61 =	vld [tilespmem:s5+$0xF288];
	[tilespmem:s5+$0xF278] =	vst v0  }
0x1ab: {  	v0 =	vld [tilespmem:s4+$0xF288];
	_ =	sdelay $0x4  }
0x1ac: {  	v0 =	vmax.f32 v0, v61  }
0x1ad: {  	v62 =	vld [tilespmem:s5+$0xF298];
	[tilespmem:s5+$0xF288] =	vst v0  }
0x1ae: {  	v0 =	vld [tilespmem:s4+$0xF298];
	_ =	sdelay $0x4  }
0x1af: {  	v0 =	vmax.f32 v0, v62  }
0x1b0: {  	v63 =	vld [tilespmem:s5+$0xF2A8];
	[tilespmem:s5+$0xF298] =	vst v0  }
0x1b1: {  	v0 =	vld [tilespmem:s4+$0xF2A8];
	_ =	sdelay $0x1  }
.Ltmp24:
0x1b2: {  	_ = 	snop;
	(pc) =	sbr.rel .LBB2_31-.Ltmp24, $3  }
0x1b3: {  	_ =	sdelay $0x1  }
0x1b4: {  	v0 =	vmax.f32 v0, v63  }
0x1b5: {  	[tilespmem:s5+$0xF2A8] =	vst v0  }
.LBB2_32:
0x1b6: {  	p0 =	slt.s32 s2, $0x1  }
.Ltmp25:
0x1b7: {  	_ = 	snop;
	(pc) =	sbr.rel @p0 .LBB2_36-.Ltmp25, $3  }
0x1b8: {  	_ =	sdelay $0x1  }
0x1b9: {  	s3 =	simm.s32 $0x6  }
0x1ba: {  	[sflag:s3] =	ssyncpa.u1 $0x1;
	s3 =	simm.s32 $0x0  }
0x1bb: {  	s4 =	simm.s32 $0xF218  }
0x1bc: {  	v0 =	vld.msk [tilespmem:s4+$0x0], $0x1;
	_ =	sdelay $0x4  }
0x1bd: {  	(v2sf) =	vpush v0, $0x0;
	_ =	sdelay $0xe  }
0x1be: {  	s2 =	sadd.s32 $0xFFFFFFFF, s2;
	s5 =	spop (v2sf)  }
0x1bf: {  	p1 =	sne.s32 s2, $0x0;
	p0 =	sgt.u32 s5, $0x3F0  }
.Ltmp26:
0x1c0: {  	s6 =	sand.u32 @!p0 $0x3F8, s5;
	(pc) =	sbr.rel @!p1 .LBB2_35-.Ltmp26, $4  }
0x1c1: {  	s4 =	simm.s32 $0xF238;
	s5 =	sand.u32 @!p0 $0x7, s5;
	s6 =	sadd.s32 @!p0 s1, s6  }
0x1c2: {  	[hbm4b:s6+s5] =	stream.linear.scatter @!p0 [tilespmem:s4], [sflag:$0x5], $0x80, $0x38;
	[tilespmem:$0x1F418] =	vst v63  }
0x1c3: {  	s6 =	simm.s32 $0x0  }
0x1c4: {  	s5 =	simm.s32 $0xF219;
	s6 =	simm.s32 @!p0 $0x200  }
.LBB2_34:
0x1c5: {  	v0 =	vld.msk [tilespmem:s5+$0x0], $0x1;
	s2 =	sadd.s32 $0xFFFFFFFF, s2;
	s3 =	sadd.s32 s3, s6  }
0x1c6: {  	p0 =	sne.s32 s2, $0x0;
	_ =	sdelay $0x3  }
0x1c7: {  	(v2sf) =	vpush v0, $0x0;
	_ =	sdelay $0xe  }
.Ltmp27:
0x1c8: {  	s7 =	spop (v2sf);
	(pc) =	sbr.rel @p0 .LBB2_34-.Ltmp27, $4  }
0x1c9: {  	s6 =	simm.s32 $0x0;
	p1 =	sgt.u32 s7, $0x3F0  }
0x1ca: {  	s4 =	sadd.s32 $0x80, s4;
	s6 =	simm.s32 @!p1 $0x200;
	s8 =	sand.u32 @!p1 $0x3F8, s7  }
0x1cb: {  	s5 =	sadd.s32 $0x1, s5;
	s7 =	sand.u32 @!p1 $0x7, s7;
	s8 =	sadd.s32 @!p1 s1, s8  }
0x1cc: {  	[hbm4b:s8+s7] =	stream.linear.scatter @!p1 [tilespmem:s4], [sflag:$0x5], $0x80, $0x38;
	[tilespmem:$0x1F418] =	vst v63  }
.LBB2_35:
0x1cd: {  	s1 =	sadd.s32 s3, s6  }
0x1ce: {  	s3 =	sshrl.u32 s1, $0x2  }
.LBB2_36:
0x1cf: {  	s1 =	simm.s32 $0x5  }
0x1d0: {  	_ =	swait.ge [sflag:s1], s3  }
0x1d1: {  	s2 =	ssub.s32 $0x0, s3;
	[sflag:s1] =	ssyncset.done $0x0  }
0x1d2: {  	[sflag:s1] =	ssyncadd.s32 s2  }
0x1d3: {  	[sflag:s1] =	ssyncpa.u1 $0x1  }
0x1d4: {  	s31 =	simm.s32 $0x1;
	_ =	sfence  }
0x1d5: {  	[sflag:s31] =	ssyncpa.u1 $0x1  }
0x1d6: {  	_ =	strace $0x90000050  }
0x1d7: {  	s0 =	sadd.s32 $0x100000, s0;
	[bflag:$0x2] =	sbarrier.arrive $0xFFFF  }
0x1d8: {  	[sflag:s0] =	ssyncadd.tile.s32 $0x1;
	_ =	shalt  }
.Lfunc_end2:
_tile_overlayer_lowered:
.L_overlay_start_2:
0x1d9: {  	(tag) =	ssettag $0x2  }
0x1da: {  	s0 =	rddreg [dreg:$0x0];
	s2 =	stileid.u32  }
0x1db: {  	s1 =	rddreg [dreg:$0x1];
	p0 =	sne.s32 s2, $0x0  }
0x1dc: {  	s3 =	rddreg [dreg:$0x2];
	[bflag:$0x3] =	sbarrier.arrive $0xFFFF;
	s2 =	simm.s32 @!p0 $0x1C01  }
0x1dd: {  	[timem:s3], [sflag:s2] =	dma.local @!p0 [hbm:s0], s1  }
0x1de: {  	s0 =	simm.s32 @!p0 $0x1  }
0x1df: {  	_ =	swait.ge @!p0 [sflag:s0], s1  }
0x1e0: {  	s1 =	ssub.s32 @!p0 $0x0, s1;
	[sflag:s0] =	ssyncset.done @!p0 $0x0  }
0x1e1: {  	[sflag:s0] =	ssyncadd.s32 @!p0 s1  }
0x1e2: {  	[bflag:$0x3] =	sbarrier.arrive $0xFFFF  }
0x1e3: {  	_ =	shalt  }

// kernel: scatter_offload_async_start
scs
__scs_entry_jumppad:
0x0: {  	(pc) =	sbr.rel $0x88, $3  }
0x1: {  	(tag) =	ssettag $0x0;
	lr =	simm.s32 $0x1  }
0x2: {  	[smem:$0x3F88] =	sst lr;
	_ =	strace $0xD0000000  }
0x3: {  	_ = 	snop  }
0x4: {  	_ = 	snop  }
0x5: {  	_ = 	snop  }
0x6: {  	_ = 	snop  }
0x7: {  	_ = 	snop  }
__scs_overlays_trampoline_lowered:
0x8: {  	[smem:$0x3F97] =	sst s0  }
0x9: {  	[smem:$0x3F98] =	sst s1  }
0xa: {  	[smem:$0x3F99] =	sst s2  }
0xb: {  	[smem:$0x3F9A] =	sst s3  }
0xc: {  	[smem:$0x3F9B] =	sst s4  }
0xd: {  	[smem:$0x3F9C] =	sst s5  }
0xe: {  	[smem:$0x3F9D] =	sst s6  }
0xf: {  	[smem:$0x3F9E] =	sst s7  }
0x10: {  	[smem:$0x3F9F] =	sst s8  }
0x11: {  	[smem:$0x3FA0] =	sst s9;
	s0 =	simm.s32 @!p0 $0x0  }
0x12: {  	s1 =	sld [smem:$0x3F86];
	s0 =	simm.s32 @p0 $0x1  }
0x13: {  	[smem:$0x3FA1] =	sst s0;
	s0 =	simm.s32 @!p1 $0x0  }
0x14: {  	s2 =	sld [smem:$0x3F85];
	s0 =	simm.s32 @p1 $0x1  }
0x15: {  	[smem:$0x3FA2] =	sst s0;
	s0 =	simm.s32 @!p2 $0x0  }
0x16: {  	s3 =	sld [smem:$0x3FDB];
	s0 =	simm.s32 @p2 $0x1  }
0x17: {  	s4 =	simm.s32 $0x1BF5;
	[smem:$0x3FA4] =	sst s0  }
0x18: {  	s0 =	sld [smem:$0x3F87];
	_ =	swait.ge [sflag:s4], $0x0  }
0x19: {  	s7 =	sld [smem:$0x3F88]  }
0x1a: {  	s8 =	sadd.s32 $0xFFFFE003, lr  }
0x1b: {  	s9 =	sadd.s32 $0xFFFFFEF7, lr;
	s5 =	simm.s32 $0xFFFFFFFF;
	p2 =	slt.u32 s8, $0xFFFFF086  }
0x1c: {  	p1 =	slt.u32 s9, $0xF7A;
	s5 =	simm.s32 @!p2 $0x0  }
0x1d: {  	s5 =	simm.s32 @p1 $0x1;
	p0 =	seq.s32 s7, s2  }
0x1e: {  	s7 =	smul.u32 @!p0 $0xF7A, s2;
	p2 =	seq.s32 @!p0 s5, $0x0  }
0x1f: {  	s9 =	smul.u32 $0xF7A, s1;
	s8 =	simm.s32 @!p0 $0x1BF5;
	p2 =	por !p2, p0  }
0x20: {  	[sflag:s8] =	ssyncset.s32 @!p0 $0xFFFFF086;
	s6 =	sadd.s32 @!p0 s3, s7;
	s7 =	simm.s32 @!p0 $0x108  }
0x21: {  	s3 =	sadd.s32 s3, s9;
	s6 =	sadd.s32 @!p0 $0x88, s6;
	s7 =	simm.s32 @p2 $0x1082  }
0x22: {  	[simem:s7], [sflag:s8] =	dma.local @!p0 [hbm:s6], $0xF7A  }
0x23: {  	s9 =	sor.u32 $0xD0000000, s2;
	s6 =	simm.s32 $0x108;
	_ =	swait.ge @!p0 [sflag:s8], $0x0  }
0x24: {  	s3 =	sadd.s32 $0x88, s3;
	s6 =	simm.s32 @!p1 $0x1082;
	[sflag:s4] =	ssyncset.s32 $0xFFFFF086  }
0x25: {  	[simem:s6], [sflag:s4] =	dma.local [hbm:s3], $0xF7A  }
0x26: {  	[smem:$0x3F88] =	sst s1;
	(tag) =	ssettag s2;
	_ =	strace s9  }
0x27: {  	s1 =	sld [smem:$0x3F98]  }
0x28: {  	s2 =	sld [smem:$0x3F99]  }
0x29: {  	s4 =	sld [smem:$0x3F9B]  }
0x2a: {  	p0 =	seq.s32 s5, $0x0;
	s5 =	sld [smem:$0x3F9C]  }
0x2b: {  	s6 =	sld [smem:$0x3F9D]  }
0x2c: {  	s7 =	sld [smem:$0x3F9E]  }
0x2d: {  	s3 =	simm.s32 $0x108;
	s8 =	sld [smem:$0x3F9F]  }
0x2e: {  	s3 =	simm.s32 @!p0 $0x1082;
	s9 =	sld [smem:$0x3FA0]  }
0x2f: {  	lr =	sadd.s32 s0, s3;
	s0 =	sld [smem:$0x3F97]  }
0x30: {  	s3 =	sld [smem:$0x3F9A]  }
0x31: {  	[smem:$0x3FA3] =	sst s10  }
0x32: {  	s10 =	sld [smem:$0x3FA1];
	_ =	sdelay $0x3  }
0x33: {  	p0 =	seq.s32 s10, $0x1;
	s10 =	sld [smem:$0x3FA3];
	_ =	sdelay $0x3  }
0x34: {  	[smem:$0x3FA3] =	sst s10  }
0x35: {  	s10 =	sld [smem:$0x3FA2];
	_ =	sdelay $0x3  }
0x36: {  	p1 =	seq.s32 s10, $0x1;
	s10 =	sld [smem:$0x3FA3];
	_ =	sdelay $0x3  }
0x37: {  	[smem:$0x3FA3] =	sst s10  }
0x38: {  	s10 =	sld [smem:$0x3FA4]  }
0x39: {  	_ = 	snop;
	(pc) =	sbr.ind lr, $3  }
0x3a: {  	_ = 	snop  }
0x3b: {  	_ = 	snop  }
0x3c: {  	p2 =	seq.s32 s10, $0x1;
	s10 =	sld [smem:$0x3FA3]  }
0x3d: {  	_ =	shalt  }
0x3e: {  	_ =	shalt  }
0x3f: {  	_ =	shalt  }
0x40: {  	_ =	shalt  }
0x41: {  	_ =	shalt  }
0x42: {  	_ =	shalt  }
0x43: {  	_ =	shalt  }
0x44: {  	_ =	shalt  }
0x45: {  	_ =	shalt  }
0x46: {  	_ =	shalt  }
0x47: {  	_ =	shalt  }
0x48: {  	_ =	shalt  }
0x49: {  	_ =	shalt  }
0x4a: {  	_ =	shalt  }
0x4b: {  	_ =	shalt  }
0x4c: {  	_ =	shalt  }
0x4d: {  	_ =	shalt  }
0x4e: {  	_ =	shalt  }
0x4f: {  	_ =	shalt  }
0x50: {  	_ =	shalt  }
0x51: {  	_ =	shalt  }
0x52: {  	_ =	shalt  }
0x53: {  	_ =	shalt  }
0x54: {  	_ =	shalt  }
0x55: {  	_ =	shalt  }
0x56: {  	_ =	shalt  }
0x57: {  	_ =	shalt  }
0x58: {  	_ =	shalt  }
0x59: {  	_ =	shalt  }
0x5a: {  	_ =	shalt  }
0x5b: {  	_ =	shalt  }
0x5c: {  	_ =	shalt  }
0x5d: {  	_ =	shalt  }
0x5e: {  	_ =	shalt  }
0x5f: {  	_ =	shalt  }
0x60: {  	_ =	shalt  }
0x61: {  	_ =	shalt  }
0x62: {  	_ =	shalt  }
0x63: {  	_ =	shalt  }
0x64: {  	_ =	shalt  }
0x65: {  	_ =	shalt  }
0x66: {  	_ =	shalt  }
0x67: {  	_ =	shalt  }
0x68: {  	_ =	shalt  }
0x69: {  	_ =	shalt  }
0x6a: {  	_ =	shalt  }
0x6b: {  	_ =	shalt  }
0x6c: {  	_ =	shalt  }
0x6d: {  	_ =	shalt  }
0x6e: {  	_ =	shalt  }
0x6f: {  	_ =	shalt  }
0x70: {  	_ =	shalt  }
0x71: {  	_ =	shalt  }
0x72: {  	_ =	shalt  }
0x73: {  	_ =	shalt  }
0x74: {  	_ =	shalt  }
0x75: {  	_ =	shalt  }
0x76: {  	_ =	shalt  }
0x77: {  	_ =	shalt  }
0x78: {  	_ =	shalt  }
0x79: {  	_ =	shalt  }
0x7a: {  	_ =	shalt  }
0x7b: {  	_ =	shalt  }
0x7c: {  	_ =	shalt  }
0x7d: {  	_ =	shalt  }
0x7e: {  	_ =	shalt  }
0x7f: {  	_ =	shalt  }
0x80: {  	_ =	shalt  }
0x81: {  	_ =	shalt  }
0x82: {  	_ =	shalt  }
0x83: {  	_ =	shalt  }
0x84: {  	_ =	shalt  }
0x85: {  	_ =	shalt  }
0x86: {  	_ =	shalt  }
0x87: {  	_ =	shalt  }
.Lfunc_end0:
.L_simem_size_0:
called_computation_lowered:
.L_overlay_start_0:
0x88: {  	s2 =	sld [smem:$0x3FD9]  }
0x89: {  	s3 =	sld [smem:$0x3FFE];
	_ =	sdelay $0x1  }
0x8a: {  	s1 =	srdreg.scid  }
0x8b: {  	s0 =	sand.u32 $0x1, s1  }
0x8c: {  	s15 =	sshll.u32 s0, $0xA;
	s2 =	sadd.s32 s3, s2  }
0x8d: {  	s2 =	sadd.s32 s2, s15  }
0x8e: {  	[smem:$0x3FAF] =	sst s2  }
0x8f: {  	_ = 	snop  }
0x90: {  	(tm) =	ssettm $0x1  }
0x91: {  	s16 =	sld [smem:$0x3FFB];
	_ =	sdelay $0x3  }
0x92: {  	_ =	strace s16  }
0x93: {  	s2 =	sld [smem:$0x3FFC];
	_ =	sdelay $0x3  }
0x94: {  	_ =	strace s2  }
0x95: {  	s2 =	sld [smem:$0x3FFD];
	_ =	sdelay $0x3  }
0x96: {  	_ =	strace s2  }
0x97: {  	_ =	strace $0x8FFFFFFF  }
0x98: {  	s17 =	sld [smem:$0x3FDB];
	_ =	sdelay $0x1  }
0x99: {  	s18 =	simm.s32 $_scs_section_size  }
0x9a: {  	s4 =	simm.s32 $_size__tile_overlayer_lowered;
	s5 =	simm.s32 $_tile_overlayer_lowered  }
0x9b: {  	s6 =	simm.s32 $0x1BFF;
	s19 =	sshll.u32 s5, $0x1;
	s3 =	sadd.s32 s18, s17  }
0x9c: {  	s20 =	simm.s32 $0x0;
	s4 =	sshll.u32 s4, $0x1;
	s5 =	sadd.s32 s19, s3  }
0x9d: {  	[timem:s20], [sflag:s6] =	dma.local [hbm:s5], s4  }
0x9e: {  	_ =	swait.ge [sflag:s6], s4  }
0x9f: {  	s4 =	ssub.s32 $0x0, s4;
	[sflag:s6] =	ssyncset.done $0x0  }
0xa0: {  	[sflag:s6] =	ssyncadd.s32 s4;
	_ =	sdelay $0x1  }
0xa1: {  	s21 =	simm.s32 $0x1B8B  }
0xa2: {  	_ =	swait.ge [sflag:s21], $0x1  }
0xa3: {  	[sflag:s21] =	ssyncset.done $0x0  }
0xa4: {  	s22 =	sld [smem:$0x3FFE];
	[sflag:s21] =	ssyncadd.s32 $0xFFFFFFFF  }
0xa5: {  	s24 =	simm.s32 $0x1B8E;
	s23 =	sld [smem:$0x0]  }
0xa6: {  	s25 =	simm.s32 $execute0_lowered;
	[smem:$0x3FD2] =	sst s24  }
0xa7: {  	s6 =	sshll.u32 s25, $0x1;
	_ =	strace $0x80000046;
	[dreg:$0x1] =	wrdreg $0xFFFFFFFF  }
0xa8: {  	s7 =	simm.s32 $_size_execute0_lowered;
	s6 =	sadd.s32 s3, s6;
	[dreg:$0x0] =	wrdreg $0x0  }
0xa9: {  	s7 =	sshll.u32 s7, $0x1;
	[dreg:$0x2] =	wrdreg s6  }
0xaa: {  	[dreg:$0x3] =	wrdreg s7  }
0xab: {  	[dreg:$0x4] =	wrdreg $0xC0  }
0xac: {  	s26 =	simm.s32 $execute1_lowered;
	_ =	task [dreg:s20], $0x5FFFF  }
0xad: {  	s6 =	sshll.u32 s26, $0x1;
	[dreg:$0x1] =	wrdreg $0xFFFFFFFF  }
0xae: {  	s3 =	sadd.s32 s3, s6;
	[dreg:$0x0] =	wrdreg $0x60  }
0xaf: {  	[dreg:$0x2] =	wrdreg s3  }
0xb0: {  	[dreg:$0x3] =	wrdreg s22  }
0xb1: {  	[dreg:$0x4] =	wrdreg $0x9  }
0xb2: {  	_ =	task.clear_ibuf [dreg:s20], $0x5FFFF;
	_ =	strace $0x90000046  }
0xb3: {  	s28 =	simm.s32 $0x9;
	_ =	strace $0x80000048  }
0xb4: {  	_ =	swait.ge [sflag:s28], $0x1  }
0xb5: {  	[sflag:s28] =	ssyncadd.s32 $0xFFFFFFFF  }
0xb6: {  	_ =	strace $0x90000048  }
0xb7: {  	s3 =	sld [smem:$0x0]  }
0xb8: {  	s6 =	sand.u32 $0xFFFFFFFE, s1  }
0xb9: {  	p0 =	sne.s32 s1, s6  }
0xba: {  	s6 =	sshll.u32 @p0 s6, $0xE  }
0xbb: {  	s6 =	sadd.s32 @p0 $0x11BF3, s6;
	s7 =	sshll.u32 @p0 s3, $0x11  }
0xbc: {  	s6 =	sor.u32 @p0 s7, s6  }
0xbd: {  	[sflag:s6] =	ssyncadd.remote.s32 @p0 $0x1;
	_ =	sdelay $0x1  }
0xbe: {  	s6 =	simm.s32 @p0 $0x1BF3  }
0xbf: {  	_ =	swait.eq @p0 [sflag:s6], $0x1  }
0xc0: {  	[sflag:s6] =	ssyncadd.s32 @p0 $0xFFFFFFFF  }
0xc1: {  	s7 =	sshll.u32 @!p0 s1, $0xE  }
0xc2: {  	s7 =	sor.u32 @!p0 $0x4000, s7;
	s6 =	simm.s32 @!p0 $0x1BF3  }
0xc3: {  	s3 =	sshll.u32 @!p0 s3, $0x11;
	s7 =	sadd.s32 @!p0 $0x11BF3, s7;
	_ =	swait.eq @!p0 [sflag:s6], $0x1  }
0xc4: {  	s3 =	sor.u32 @!p0 s3, s7;
	[sflag:s6] =	ssyncadd.s32 @!p0 $0xFFFFFFFF  }
0xc5: {  	[sflag:s3] =	ssyncadd.remote.s32 @!p0 $0x1  }
0xc6: {  	_ =	strace $0x80000049;
	[dreg:$0x1] =	wrdreg $0xFFFFFFFF  }
0xc7: {  	[dreg:$0x0] =	wrdreg $0x2030  }
0xc8: {  	[dreg:$0x2] =	wrdreg s22  }
0xc9: {  	[dreg:$0x3] =	wrdreg s1  }
0xca: {  	[dreg:$0x4] =	wrdreg s23  }
0xcb: {  	[dreg:$0x5] =	wrdreg $0xA  }
0xcc: {  	_ =	task.clear_ibuf [dreg:s20], $0x6FFFF;
	_ =	strace $0x90000049  }
0xcd: {  	s29 =	simm.s32 $0xA;
	_ =	strace $0x8000004B  }
0xce: {  	_ =	swait.ge [sflag:s29], $0x1  }
0xcf: {  	[sflag:s29] =	ssyncadd.s32 $0xFFFFFFFF  }
0xd0: {  	_ =	strace $0x9000004B  }
0xd1: {  	_ =	sfence  }
0xd2: {  	s30 =	sld [smem:$0x0];
	_ =	sdelay $0x2  }
0xd3: {  	s31 =	sshll.u32 s1, $0xD;
	s1 =	sshrl.u32 s1, $0x2  }
0xd4: {  	s4 =	sand.u32 $0x4000, s31;
	s1 =	sadd.s32 s1, s30  }
0xd5: {  	s0 =	sor.u32 s4, s0;
	s1 =	sshll.u32 s1, $0x11  }
0xd6: {  	s0 =	sor.u32 s1, s0  }
0xd7: {  	s0 =	sadd.s32 $0x8F2B, s0  }
0xd8: {  	[sflag:s0] =	ssyncadd.remote.s32 $0x1  }
0xd9: {  	_ =	sfence.sel $0xFFFF  }
0xda: {  	[dreg:$0x0] =	wrdreg $0xFFFFFFFF;
	(pc) =	sbr.abs _section_cstart, $3  }
0xdb: {  	[dreg:$0x1] =	wrdreg $0xFFFFFFFF  }
0xdc: {  	_ =	task.clear_ibuf [dreg:s20], $0x2FFFF;
	_ =	strace $0x9FFFFFFF  }
0xdd: {  	(tm) =	ssettm $0x7FFFFFFF  }
tec
execute0_lowered:
.L_overlay_start_1:
0x0: {  	(tag) =	ssettag $0x1  }
0x1: {  	s2 =	rddreg [dreg:$0x0]  }
0x2: {  	s4 =	rddreg [dreg:$0x1]  }
0x3: {  	s0 =	rddreg [dreg:$0x2];
	s3 =	stileid.u32;
	[bflag:$0x3] =	sbarrier.arrive $0xFFFF  }
0x4: {  	s1 =	simm.s32 $_size_execute1_lowered;
	s29 =	srdreg.scid;
	p0 =	sne.s32 s3, $0x0  }
0x5: {  	s1 =	sshll.u32 s1, $0x1;
	s5 =	simm.s32 @!p0 $0x1C3F;
	s6 =	simm.s32 @!p0 $0x4060  }
0x6: {  	[timem:s6], [sflag:s5] =	dma.local @!p0 [hbm:s2], s1  }
0x7: {  	s2 =	sshll.u32 s29, $0x7  }
0x8: {  	s7 =	simm.s32 $0x1;
	s3 =	sshll.u32 s3, $0x8;
	s2 =	sand.u32 $0x80, s2  }
0x9: {  	s8 =	simm.s32 $0x2;
	s9 =	simm.s32 $0x0;
	s2 =	sor.u32 s3, s2  }
0xa: {  	s12 =	simm.s32 $0x0;
	s11 =	simm.s32 $0x0;
	s30 =	ssub.s32 $0x2800, s2  }
.Ltmp0:
0xb: {  	s5 =	simm.s32 $0x1;
	s31 =	sand.u32 $0xF80, s30;
	(pc) =	sbr.rel .LBB2_1-.Ltmp0, $4  }
0xc: {  	_ =	strace $0x80000047;
	s3 =	sadd.s32 $0x52B200, s4;
	p1 =	sne.s32 s31, $0x0  }
0xd: {  	[sflag:s5] =	ssyncpa.u1 $0x0;
	s6 =	sshrl.u32 s30, $0xC;
	s7 =	simm.s32 @!p1 $0x0  }
0xe: {  	s4 =	sadd.s32 $0x553200, s4;
	[sflag:s8] =	ssyncpa.u1 $0x0;
	s6 =	sadd.s32 s7, s6  }
0xf: {  	s8 =	simm.s32 $0x0;
	s10 =	smov.u32 s2;
	s7 =	sadd.s32 $0x1, s6  }
.LBB2_4:
0x10: {  	_ =	sdelay $0x3  }
0x11: {  	[tilespmem:v0+s14+$0xFFFFFFA0 ss:$0x1] =	vst.idx.msk $0xffff, v6  }
0x12: {  	v56 =	vld.idx.msk [tilespmem:v1+s15+$0x30 ss:$0x1], $0xffff;
	[tilespmem:v0+s14+$0xFFFFFFB0 ss:$0x1] =	vst.idx.msk $0xffff, v4  }
0x13: {  	v57 =	vld.idx.msk [tilespmem:v1+s15+$0xFFFFFFC0 ss:$0x1], $0xffff;
	[tilespmem:v0+s14+$0xFFFFFFC0 ss:$0x1] =	vst.idx.msk $0xffff, v2  }
0x14: {  	v58 =	vld.idx.msk [tilespmem:v1+s15+$0xFFFFFFD0 ss:$0x1], $0xffff;
	[tilespmem:v0+s14+$0xFFFFFFD0 ss:$0x1] =	vst.idx.msk $0xffff, v3  }
0x15: {  	v59 =	vld.idx.msk [tilespmem:v1+s15+$0xFFFFFFE0 ss:$0x1], $0xffff;
	[tilespmem:v0+s14+$0xFFFFFFE0 ss:$0x1] =	vst.idx.msk $0xffff, v5  }
0x16: {  	v60 =	vld.idx.msk [tilespmem:v1+s15+$0xFFFFFFF0 ss:$0x1], $0xffff;
	[tilespmem:v0+s14+$0xFFFFFFF0 ss:$0x1] =	vst.idx.msk $0xffff, v7;
	s12 =	sand.u32 $0x1FFFFFF, s12  }
0x17: {  	v61 =	vld.idx.msk [tilespmem:v1+s15+$0x0 ss:$0x1], $0xffff;
	s31 =	smulhi.u32 $0xCCCCCD, s12;
	[tilespmem:v0+s15+$0x0 ss:$0x1] =	vst.idx.msk $0xffff, v56  }
0x18: {  	v62 =	vld.idx.msk [tilespmem:v1+s15+$0x10 ss:$0x1], $0xffff;
	[tilespmem:v0+s15+$0xFFFFFF90 ss:$0x1] =	vst.idx.msk $0xffff, v57  }
0x19: {  	v63 =	vld.idx.msk [tilespmem:v1+s15+$0x20 ss:$0x1], $0xffff;
	s14 =	sshrl.u32 s31, $0x5;
	[tilespmem:v0+s15+$0xFFFFFFA0 ss:$0x1] =	vst.idx.msk $0xffff, v58  }
0x1a: {  	s14 =	smul.u32 $0x2800, s14;
	[tilespmem:v0+s15+$0xFFFFFFB0 ss:$0x1] =	vst.idx.msk $0xffff, v59  }
0x1b: {  	[tilespmem:v0+s15+$0xFFFFFFC0 ss:$0x1] =	vst.idx.msk $0xffff, v60  }
0x1c: {  	[tilespmem:v0+s15+$0xFFFFFFD0 ss:$0x1] =	vst.idx.msk $0xffff, v61;
	s12 =	ssub.s32 s12, s14  }
0x1d: {  	[tilespmem:v0+s15+$0xFFFFFFE0 ss:$0x1] =	vst.idx.msk $0xffff, v62;
	s12 =	sshll.u32 s12, $0x4  }
0x1e: {  	[tilespmem:v0+s15+$0xFFFFFFF0 ss:$0x1] =	vst.idx.msk $0xffff, v63;
	s12 =	sadd.s32 s4, s12  }
0x1f: {  	[hbm4b:s12+s8] =	stream.linear.scatter [tilespmem:s13], [sflag:$0x2], $0x4000, $0x38;
	[tilespmem:$0x10000] =	vst v63  }
.LBB2_5:
0x20: {  	s14 =	sadd.s32 $0x1000, s10  }
0x21: {  	p2 =	sgt.s32 s14, $0x27FF  }
0x22: {  	s14 =	smov.u32 @p2 s2;
	p2 =	sne.s32 s11, s7  }
.Ltmp1:
0x23: {  	p1 =	slt.u32 s11, $0x2;
	(pc) =	sbr.rel @!p2 .LBB2_6-.Ltmp1, $4  }
0x24: {  	s13 =	simm.s32 @!p1 $0x2  }
0x25: {  	s15 =	sadd.s32 $0x1, s11;
	_ =	swait.ge @!p1 [sflag:s13], $0x4000  }
0x26: {  	s12 =	smov.u32 s10;
	s9 =	sadd.s32 $0x4000, s9;
	[sflag:s13] =	ssyncset.done @!p1 $0x0  }
0x27: {  	s11 =	smov.u32 s15;
	s10 =	smov.u32 s14;
	[sflag:s13] =	ssyncadd.s32 @!p1 $0xFFFFC000  }
.LBB2_1:
0x28: {  	p1 =	sge.u32 s11, s6  }
0x29: {  	s13 =	sand.u32 @!p1 $0x1FFFFFF, s10  }
0x2a: {  	s14 =	smulhi.u32 @!p1 $0xCCCCCD, s13;
	_ =	sdelay $0x1  }
0x2b: {  	s14 =	sshrl.u32 @!p1 s14, $0x5  }
0x2c: {  	s14 =	smul.u32 @!p1 $0x2800, s14;
	_ =	sdelay $0x1  }
0x2d: {  	s15 =	sxor.u32 @!p1 $0xFFFFFFFF, s11;
	s13 =	ssub.s32 @!p1 s13, s14  }
0x2e: {  	s31 =	sadd.s32 $0xFFFFFFFF, s11;
	s14 =	sshll.u32 @!p1 s15, $0xE;
	s13 =	sshll.u32 @!p1 s13, $0x4  }
0x2f: {  	s15 =	simm.s32 @!p1 $0x0;
	s14 =	sand.u32 @!p1 $0x4000, s14;
	s13 =	sadd.s32 @!p1 s3, s13  }
0x30: {  	[tilespmem:s14], [sflag:$0x1] =	stream.linear.gather @!p1 [hbm4b:s13+s15], $0x4000, $0x38;
	[tilespmem:$0x10000] =	vst v63  }
0x31: {  	p1 =	sge.u32 s31, s6  }
.Ltmp2:
0x32: {  	_ = 	snop;
	(pc) =	sbr.rel @p1 .LBB2_5-.Ltmp2, $1  }
0x33: {  	_ =	sdelay $0x3  }
0x34: {  	s13 =	sand.u32 $0x4000, s9  }
0x35: {  	s14 =	sor.u32 $0x40, s13  }
0x36: {  	v1 =	vmov s14;
	_ =	sdelay $0x1  }
0x37: {  	_ =	swait.ge [sflag:s5], $0x4000  }
0x38: {  	[sflag:s5] =	ssyncset.done $0x0  }
0x39: {  	[sflag:s5] =	ssyncadd.s32 $0xFFFFC000;
	s14 =	simm.s32 $0x0  }
0x3a: {  	s13 =	sor.u32 $0x8070, s13;
	v7 =	vld.idx.msk [tilespmem:v1+s14+$0x30 ss:$0x1], $0xffff  }
0x3b: {  	v0 =	vmov s13;
	v8 =	vld.idx.msk [tilespmem:v1+s14+$0xFFFFFFC0 ss:$0x1], $0xffff  }
0x3c: {  	v6 =	vld.idx.msk [tilespmem:v1+s14+$0xFFFFFFD0 ss:$0x1], $0xffff  }
0x3d: {  	v4 =	vld.idx.msk [tilespmem:v1+s14+$0xFFFFFFE0 ss:$0x1], $0xffff  }
0x3e: {  	v2 =	vld.idx.msk [tilespmem:v1+s14+$0xFFFFFFF0 ss:$0x1], $0xffff  }
0x3f: {  	s31 =	sshll.u32 s11, $0xE;
	v3 =	vld.idx.msk [tilespmem:v1+s14+$0x0 ss:$0x1], $0xffff  }
0x40: {  	s13 =	sand.u32 $0x4000, s31;
	v5 =	vld.idx.msk [tilespmem:v1+s14+$0x10 ss:$0x1], $0xffff;
	[tilespmem:v0+s14+$0x0 ss:$0x1] =	vst.idx.msk $0xffff, v7  }
0x41: {  	s15 =	simm.s32 $0x80;
	s16 =	simm.s32 $0x400;
	s13 =	sor.u32 $0x8000, s13;
	[tilespmem:v0+s14+$0xFFFFFF90 ss:$0x1] =	vst.idx.msk $0xffff, v8;
	v7 =	vld.idx.msk [tilespmem:v1+s14+$0x20 ss:$0x1], $0xffff  }
.LBB2_3:
0x42: {  	p1 =	sne.s32 s16, $0xFE00;
	v8 =	vld.idx.msk [tilespmem:v1+s15+$0x30 ss:$0x1], $0xffff;
	[tilespmem:v0+s14+$0xFFFFFFA0 ss:$0x1] =	vst.idx.msk $0xffff, v6  }
0x43: {  	v9 =	vld.idx.msk [tilespmem:v1+s15+$0xFFFFFFC0 ss:$0x1], $0xffff;
	[tilespmem:v0+s14+$0xFFFFFFB0 ss:$0x1] =	vst.idx.msk $0xffff, v4  }
0x44: {  	v6 =	vld.idx.msk [tilespmem:v1+s15+$0xFFFFFFD0 ss:$0x1], $0xffff;
	[tilespmem:v0+s14+$0xFFFFFFC0 ss:$0x1] =	vst.idx.msk $0xffff, v2  }
.Ltmp3:
0x45: {  	v4 =	vld.idx.msk [tilespmem:v1+s15+$0xFFFFFFE0 ss:$0x1], $0xffff;
	[tilespmem:v0+s14+$0xFFFFFFD0 ss:$0x1] =	vst.idx.msk $0xffff, v3;
	(pc) =	sbr.rel @p1 .LBB2_3-.Ltmp3, $4  }
0x46: {  	v2 =	vld.idx.msk [tilespmem:v1+s15+$0xFFFFFFF0 ss:$0x1], $0xffff;
	[tilespmem:v0+s14+$0xFFFFFFE0 ss:$0x1] =	vst.idx.msk $0xffff, v5  }
0x47: {  	v3 =	vld.idx.msk [tilespmem:v1+s15+$0x0 ss:$0x1], $0xffff;
	[tilespmem:v0+s14+$0xFFFFFFF0 ss:$0x1] =	vst.idx.msk $0xffff, v7;
	s14 =	smov.u32 s15  }
0x48: {  	v5 =	vld.idx.msk [tilespmem:v1+s14+$0x10 ss:$0x1], $0xffff;
	[tilespmem:v0+s14+$0x0 ss:$0x1] =	vst.idx.msk $0xffff, v8  }
0x49: {  	s15 =	sshra.s32 s16, $0x2;
	s16 =	sadd.s32 $0x200, s16;
	[tilespmem:v0+s14+$0xFFFFFF90 ss:$0x1] =	vst.idx.msk $0xffff, v9;
	v7 =	vld.idx.msk [tilespmem:v1+s14+$0x20 ss:$0x1], $0xffff  }
.Ltmp4:
0x4a: {  	_ = 	snop;
	(pc) =	sbr.rel .LBB2_4-.Ltmp4, $1  }
0x4b: {  	_ =	sdelay $0x3  }
.LBB2_6:
0x4c: {  	_ =	sfence.sel $0x180000  }
0x4d: {  	s2 =	simm.s32 $0x1;
	[bflag:$0x0] =	sbarrier.arrive $0xFFFF  }
0x4e: {  	s31 =	simm.s32 $0x2;
	[sflag:s2] =	ssyncpa.u1 $0x1  }
0x4f: {  	[sflag:s31] =	ssyncpa.u1 $0x1  }
0x50: {  	_ =	strace $0x90000047  }
0x51: {  	s0 =	sadd.s32 @!p0 $0x100000, s0;
	[bflag:$0x2] =	sbarrier.arrive $0xFFFF  }
0x52: {  	[sflag:s0] =	ssyncadd.tile.s32 @!p0 $0x1;
	s0 =	simm.s32 @!p0 $0x3F  }
0x53: {  	_ =	swait.ge @!p0 [sflag:s0], s1  }
0x54: {  	s1 =	ssub.s32 @!p0 $0x0, s1;
	[sflag:s0] =	ssyncset.done @!p0 $0x0  }
0x55: {  	[sflag:s0] =	ssyncadd.s32 @!p0 s1  }
0x56: {  	[bflag:$0x3] =	sbarrier.arrive $0xFFFF  }
0x57: {  	_ =	shalt  }
.Lfunc_end2:
execute1_lowered:
.L_overlay_start_2:
0x58: {  	(tag) =	ssettag $0x2  }
0x59: {  	s2 =	rddreg [dreg:$0x0]  }
0x5a: {  	s3 =	rddreg [dreg:$0x1];
	_ =	strace $0x8000004A;
	s0 =	simm.s32 $0x1  }
0x5b: {  	v0 =	vimm.s32 $0x0;
	[sflag:s0] =	ssyncpa.u1 $0x0;
	s0 =	simm.s32 $0x108  }
0x5c: {  	[tilespmem:s0+$0x70] =	vst v0  }
0x5d: {  	[tilespmem:s0+$0x60] =	vst v0  }
0x5e: {  	[tilespmem:s0+$0x50] =	vst v0  }
0x5f: {  	[tilespmem:s0+$0x40] =	vst v0  }
0x60: {  	[tilespmem:s0+$0x30] =	vst v0  }
0x61: {  	s1 =	sadd.s32 $0x553200, s2;
	s15 =	sadd.s32 $0x35600, s2;
	s6 =	sadd.s32 $0x49200, s2;
	[tilespmem:s0+$0x20] =	vst v0  }
0x62: {  	s14 =	sadd.s32 $0x3F400, s2;
	s5 =	sand.u32 $0x1, s3;
	s3 =	simm.s32 $0x40;
	[tilespmem:s0+$0x10] =	vst v0  }
.LBB3_1:
0x63: {  	s3 =	sadd.s32 $0x40, s3;
	[tilespmem:s0+$0x0] =	vst v0;
	s0 =	sadd.s32 $0x80, s0  }
0x64: {  	p0 =	slt.u32 s3, $0x3C40;
	[tilespmem:s0+$0x70] =	vst v0  }
0x65: {  	[tilespmem:s0+$0x60] =	vst v0  }
.Ltmp5:
0x66: {  	[tilespmem:s0+$0x50] =	vst v0;
	(pc) =	sbr.rel @p0 .LBB3_1-.Ltmp5, $4  }
0x67: {  	[tilespmem:s0+$0x40] =	vst v0  }
0x68: {  	[tilespmem:s0+$0x30] =	vst v0  }
0x69: {  	[tilespmem:s0+$0x20] =	vst v0  }
0x6a: {  	[tilespmem:s0+$0x10] =	vst v0  }
0x6b: {  	s9 =	stileid.u32  }
0x6c: {  	s2 =	smul.u32 $0x29, s9  }
0x6d: {  	s3 =	smin.u32 s9, $0xB  }
0x6e: {  	s2 =	sadd.s32 s3, s2  }
0x6f: {  	p0 =	slt.u32 s9, $0xB;
	s7 =	smul.u32 $0xF0, s2;
	s2 =	simm.s32 $0x2760  }
0x70: {  	s2 =	simm.s32 @!p0 $0x2670  }
0x71: {  	s2 =	sadd.s32 s2, s7  }
0x72: {  	s8 =	smin.u32 s2, $0x27100  }
0x73: {  	s2 =	ssub.s32 s8, s7  }
0x74: {  	p0 =	sgt.s32 s2, $0x0  }
0x75: {  	s29 =	simm.s32 $0x2;
	s10 =	simm.s32 $0x9;
	s2 =	simm.s32 @!p0 $0x0  }
0x76: {  	s4 =	simm.s32 $0xA;
	s11 =	simm.s32 $0xB;
	s28 =	smulhi.u32 $0x88888889, s2  }
0x77: {  	[dreg:$0x4] =	wrdreg s5;
	s31 =	smul.u32 $0x4E20, s5;
	s12 =	simm.s32 $0x1  }
0x78: {  	s22 =	simm.s32 $0x0;
	s18 =	simm.s32 $0xC;
	s30 =	sshrl.u32 s28, $0x7  }
0x79: {  	s20 =	simm.s32 $0x0;
	s21 =	simm.s32 $0x0;
	s3 =	smul.u32 $0xF0, s30  }
.Ltmp6:
0x7a: {  	[tilespmem:s0+$0x0] =	vst v0;
	v0 =	vimm.s32 $0xFFFFFFFF;
	[sflag:s29] =	ssyncpa.u1 $0x0;
	s16 =	sshll.u32 s9, $0x8;
	(pc) =	sbr.rel .LBB3_3-.Ltmp6, $4  }
0x7b: {  	[tilespmem:$0xF208] =	vst v0;
	[sflag:s10] =	ssyncpa.u1 $0x0;
	p0 =	sne.s32 s2, s3;
	s2 =	simm.s32 $0x1  }
0x7c: {  	s14 =	sadd.s32 s31, s14;
	[sflag:s4] =	ssyncpa.u1 $0x0;
	s2 =	simm.s32 @!p0 $0x0  }
0x7d: {  	s15 =	sadd.s32 s31, s15;
	[sflag:s11] =	ssyncpa.u1 $0x0;
	s13 =	sadd.s32 s2, s30  }
0x7e: {  	v0 =	vlaneseq.u32;
	s19 =	smov.u32 s7;
	p0 =	por $0x0, $0x0;
	s17 =	sadd.s32 $0x1, s13  }
.LBB3_18:
0x7f: {  	s0 =	sshrl.u32 s31, $0x2  }
.LBB3_20:
0x80: {  	_ =	swait.ge [sflag:s18], s0  }
0x81: {  	s31 =	ssub.s32 $0x0, s0;
	v1 =	vmov s24;
	vm0 =	veq.s32 v0, $0x0;
	[sflag:s18] =	ssyncset.done $0x0  }
0x82: {  	vm15 =	veq.s32 v0, $0x2;
	v1 =	vsel vm0, s30, v1;
	[sflag:s18] =	ssyncadd.s32 s31  }
0x83: {  	v1 =	vsel vm15, s22, v1;
	[sflag:s18] =	ssyncpa.u1 $0x1  }
0x84: {  	[tilespmem:$0xF208] =	vst v1  }
.LBB3_21:
0x85: {  	s0 =	sadd.s32 $0xF0, s19  }
0x86: {  	s2 =	smov.u32 s7;
	p1 =	slt.s32 s0, s8  }
0x87: {  	s2 =	smov.u32 @p1 s0;
	p1 =	sne.s32 s21, s17  }
.Ltmp7:
0x88: {  	_ = 	snop;
	(pc) =	sbr.rel @!p1 .LBB3_22-.Ltmp7, $3  }
0x89: {  	_ =	sdelay $0x1  }
0x8a: {  	s22 =	smov.u32 s20;
	s31 =	sadd.s32 $0x1, s21;
	s20 =	smov.u32 s19  }
0x8b: {  	p0 =	por !p0, !p0;
	s21 =	smov.u32 s31;
	s19 =	smov.u32 s2  }
.LBB3_3:
0x8c: {  	p1 =	sge.u32 s21, s13  }
0x8d: {  	s0 =	smulhi.u32 @!p1 $0xAAAAAAAB, s21  }
0x8e: {  	s2 =	smov.u32 s19;
	p2 =	sgt.s32 @!p1 s19, $0x27010  }
0x8f: {  	s3 =	sshra.s32 @!p1 s19, $0x1F;
	p2 =	por !p2, p1;
	s0 =	sshrl.u32 @!p1 s0, $0x1  }
0x90: {  	s3 =	sand.u32 @!p1 s3, s19;
	s2 =	simm.s32 @p2 $0x27010;
	s0 =	smul.u32 @!p1 $0x3, s0  }
0x91: {  	s2 =	ssub.s32 @!p1 s2, s3  }
0x92: {  	s2 =	sadd.s32 @!p1 $0xFFFD8FF0, s2;
	s0 =	ssub.s32 @!p1 s21, s0  }
0x93: {  	s3 =	sshll.u32 @!p1 s2, $0x2;
	p2 =	sgt.s32 @!p1 s2, $0xEF;
	s0 =	smul.u32 @!p1 $0x3C0, s0  }
0x94: {  	s4 =	sand.u32 @!p1 $0x7, s19;
	s2 =	ssub.s32 @!p1 $0x3C0, s3;
	p2 =	por !p2, p1  }
0x95: {  	s3 =	sshrl.u32 @!p1 s19, $0x3;
	s2 =	sshrl.u32 @!p1 s2, $0x2;
	s0 =	sshrl.u32 @!p1 s0, $0x2  }
0x96: {  	s3 =	sadd.s32 @!p1 s3, s14;
	s2 =	simm.s32 @!p2 $0x0;
	s0 =	sadd.s32 @!p1 $0x10248, s0  }
0x97: {  	[tilespmem:s0], [sflag:$0xA] =	stream.linear.gather @!p1 [hbm4b:s3+s4], s2, $0x38;
	[tilespmem:$0x1F6F8] =	vst v63  }
0x98: {  	s0 =	sadd.s32 $0xFFFFFFFF, s21  }
0x99: {  	p1 =	sge.u32 s0, s13  }
0x9a: {  	p2 =	sgt.s32 @!p1 s20, $0x27010  }
0x9b: {  	s2 =	smov.u32 s20;
	s3 =	sshra.s32 @!p1 s20, $0x1F;
	p2 =	por !p2, p1  }
0x9c: {  	s3 =	sand.u32 @!p1 s3, s20;
	s2 =	simm.s32 @p2 $0x27010  }
0x9d: {  	s2 =	ssub.s32 @!p1 s2, s3  }
0x9e: {  	s2 =	sadd.s32 @!p1 $0xFFFD8FF0, s2  }
0x9f: {  	s4 =	sand.u32 @!p1 $0x1, s0;
	s3 =	sshll.u32 @!p1 s2, $0x2  }
0xa0: {  	p2 =	sgt.s32 @!p1 s2, $0xEF;
	s2 =	ssub.s32 @!p1 $0x3C0, s3;
	s3 =	smulhi.u32 @!p1 $0xAAAAAAAB, s0  }
0xa1: {  	s23 =	smul.u32 @!p1 $0x3C0, s4;
	p2 =	por !p2, p1;
	s2 =	sshrl.u32 @!p1 s2, $0x2  }
0xa2: {  	s5 =	simm.s32 @!p1 $0xA;
	s2 =	simm.s32 @!p2 $0x0;
	s3 =	sshrl.u32 @!p1 s3, $0x1  }
0xa3: {  	s23 =	sshrl.u32 @!p1 s23, $0x2;
	_ =	swait.ge @!p1 [sflag:s5], s2;
	s3 =	smul.u32 @!p1 $0x3, s3  }
0xa4: {  	s23 =	sadd.s32 @!p1 $0x10518, s23;
	s24 =	ssub.s32 @!p1 $0x0, s2;
	[sflag:s5] =	ssyncset.done @!p1 $0x0  }
0xa5: {  	[sflag:s5] =	ssyncadd.s32 @!p1 s24;
	s5 =	sshrl.u32 @!p1 s20, $0x3;
	s0 =	ssub.s32 @!p1 s0, s3  }
0xa6: {  	s24 =	sand.u32 @!p1 $0x7, s20;
	s5 =	sadd.s32 @!p1 s5, s15;
	s0 =	smul.u32 @!p1 $0x3C0, s0  }
0xa7: {  	[tilespmem:s23], [sflag:$0xB] =	stream.linear.gather @!p1 [hbm4b:s5+s24], s2, $0x38;
	[tilespmem:$0x1F6F8] =	vst v63  }
0xa8: {  	s3 =	ssub.s32 @!p1 $0x27100, s20;
	s2 =	smul.u32 @!p1 $0x1E000, s4  }
0xa9: {  	p2 =	slt.s32 @!p1 s3, $0xF0  }
0xaa: {  	p2 =	por !p2, p1;
	s0 =	sshrl.u32 @!p1 s0, $0x2;
	s2 =	sshrl.u32 @!p1 s2, $0x2  }
0xab: {  	s3 =	simm.s32 @p2 $0xF0;
	s0 =	sadd.s32 @!p1 $0x10248, s0;
	s2 =	sor.u32 @!p1 $0x106F8, s2  }
0xac: {  	[tilespmem:s2], [sflag:$0x9] =	stream.indirect.gather @!p1 [hbm4b:s6+s3], $0x80, s0, s3, $0xb8;
	[tilespmem:$0x1F6F8] =	vst v63  }
0xad: {  	p1 =	slt.u32 s21, $0x2  }
.Ltmp8:
0xae: {  	_ = 	snop;
	(pc) =	sbr.rel @p1 .LBB3_21-.Ltmp8, $1  }
0xaf: {  	_ =	sdelay $0x3  }
0xb0: {  	p1 =	sgt.s32 s22, $0x27010  }
0xb1: {  	s0 =	smov.u32 s22;
	s2 =	sshra.s32 s22, $0x1F;
	s3 =	ssub.s32 $0x27100, s22  }
0xb2: {  	s0 =	simm.s32 @!p1 $0x27010;
	s2 =	sand.u32 s2, s22;
	p1 =	slt.s32 s3, $0xF0  }
0xb3: {  	s0 =	ssub.s32 s0, s2;
	s3 =	simm.s32 @!p1 $0xF0  }
0xb4: {  	s0 =	sadd.s32 $0xFFFD8FF0, s0;
	s25 =	sshll.u32 s3, $0x7  }
0xb5: {  	s26 =	sshll.u32 s0, $0x2;
	s2 =	sand.u32 $0x3FFFFF80, s25  }
0xb6: {  	p1 =	sgt.s32 s0, $0xEF;
	s29 =	ssub.s32 $0x3C0, s26;
	_ =	swait.ge [sflag:s10], s2  }
0xb7: {  	s2 =	ssub.s32 $0x0, s2;
	[sflag:s10] =	ssyncset.done $0x0;
	s0 =	sshrl.u32 s29, $0x2  }
0xb8: {  	[sflag:s10] =	ssyncadd.s32 s2;
	s0 =	simm.s32 @p1 $0x0  }
0xb9: {  	_ =	swait.ge [sflag:s11], s0  }
0xba: {  	s0 =	ssub.s32 $0x0, s0;
	[sflag:s11] =	ssyncset.done $0x0  }
0xbb: {  	[sflag:s11] =	ssyncadd.s32 s0  }
0xbc: {  	v1 =	vld [tilespmem:$0xF208];
	_ =	sdelay $0x4  }
0xbd: {  	(v2sf) =	vpush v1, $0x0  }
0xbe: {  	(v2sf) =	vpush v1, $0x1  }
0xbf: {  	(v2sf) =	vpush v1, $0x2;
	_ =	sdelay $0x3  }
0xc0: {  	s0 =	sadd.s32 $0xF0, s22  }
0xc1: {  	s2 =	ssub.s32 $0x4E200, s22;
	p1 =	slt.s32 s8, s0  }
0xc2: {  	s0 =	smov.u32 @p1 s8;
	p1 =	sgt.s32 s2, $0x0  }
0xc3: {  	s26 =	ssub.s32 s0, s22;
	s2 =	simm.s32 @!p1 $0x0  }
0xc4: {  	p1 =	slt.s32 s2, s26  }
0xc5: {  	s26 =	smov.u32 @p1 s2  }
0xc6: {  	s25 =	simm.s32 $0x1;
	p1 =	slt.s32 s26, $0x1  }
.Ltmp9:
0xc7: {  	s25 =	simm.s32 @!p0 $0x0;
	(pc) =	sbr.rel @p1 .LBB3_8-.Ltmp9, $4  }
0xc8: {  	s31 =	smul.u32 $0x3C0, s25  }
0xc9: {  	s28 =	spop (v2sf)  }
0xca: {  	s0 =	sshrl.u32 s31, $0x2;
	s30 =	spop (v2sf)  }
0xcb: {  	s23 =	sadd.s32 $0x10518, s0;
	s22 =	spop (v2sf)  }
0xcc: {  	s0 =	smin.u32 s26, $0x10  }
0xcd: {  	v1 =	vmov s0  }
0xce: {  	p2 =	sgt.s32 s26, $0x10;
	vm1 =	vgt.u32 v1, v0  }
.Ltmp10:
0xcf: {  	_ = 	snop;
	(pc) =	sbr.rel @!p2 .LBB3_7-.Ltmp10, $2  }
0xd0: {  	_ =	sdelay $0x2  }
0xd1: {  	s4 =	simm.s32 $0x10;
	s24 =	sadd.s32 $0xFFFFFFF0, s26;
	s0 =	smov.u32 s23;
	vm0 =	vmmov vm1  }
.LBB3_6:
0xd2: {  	s2 =	smin.u32 s24, $0x10;
	s4 =	sadd.s32 $0x10, s4;
	v1 =	vld.msk [tilespmem:s0+$0x0 ss:$0x1], vm1  }
0xd3: {  	v2 =	vmov s2;
	p2 =	slt.s32 s4, s26  }
0xd4: {  	vm1 =	vgt.u32 v2, v0  }
.Ltmp11:
0xd5: {  	(pc) =	sbr.rel @p2 .LBB3_6-.Ltmp11, $3  }
0xd6: {  	_ =	sdelay $0x1  }
0xd7: {  	v1 =	vshll.u32 v1, $0x4  }
0xd8: {  	s24 =	sadd.s32 $0xFFFFFFF0, s24;
	[tilespmem:s0+$0x0] =	vst.msk vm0, v1;
	s0 =	sadd.s32 $0x10, s0;
	vm0 =	vmmov vm1  }
.LBB3_7:
0xd9: {  	_ =	sdelay $0x4  }
0xda: {  	v1 =	vld.msk [tilespmem:s0+$0x0 ss:$0x1], vm1;
	_ =	sdelay $0x4  }
0xdb: {  	v1 =	vshll.u32 v1, $0x4  }
0xdc: {  	[tilespmem:s0+$0x0] =	vst.msk vm0, v1  }
.LBB3_8:
0xdd: {  	s0 =	sand.u32 $0x1, s21  }
0xde: {  	s0 =	smul.u32 $0xF0, s0  }
0xdf: {  	p2 =	sne.s32 s30, $0xFFFFFFFF  }
0xe0: {  	v1 =	vld.msk @!p2 [tilespmem:s0+$0x10518], $0x1;
	_ =	sdelay $0x4  }
0xe1: {  	(v2sf) =	vpush @!p2 v1, $0x0;
	_ =	sdelay $0xc  }
.Ltmp12:
0xe2: {  	_ = 	snop;
	(pc) =	sbr.rel @p1 .LBB3_19-.Ltmp12, $4  }
0xe3: {  	_ = 	snop  }
0xe4: {  	s29 =	spop @!p2 (v2sf)  }
0xe5: {  	s22 =	simm.s32 @!p2 $0x0;
	s24 =	smov.u32 s29  }
0xe6: {  	[sflag:s18] =	ssyncpa.u1 $0x0;
	s29 =	smov.u32 @p2 s28;
	s24 =	smov.u32 @p2 s30  }
0xe7: {  	v1 =	vld.msk [tilespmem:s23+$0x0], $0x1;
	_ =	sdelay $0x4  }
0xe8: {  	(v2sf) =	vpush v1, $0x0;
	_ =	sdelay $0xe  }
0xe9: {  	s2 =	smul.u32 $0x1E000, s25;
	s0 =	spop (v2sf)  }
0xea: {  	s26 =	ssub.s32 $0x0, s26;
	p1 =	seq.s32 s29, s0  }
0xeb: {  	s30 =	sadd.s32 $0x1, s26;
	s2 =	sshrl.u32 s2, $0x2;
	p2 =	sgt.s32 @!p1 s29, $0x0  }
0xec: {  	s25 =	sor.u32 $0x10738, s2;
	s2 =	smov.u32 s29;
	p2 =	por !p2, p1  }
0xed: {  	s2 =	simm.s32 @p2 $0x0;
	p2 =	seq.s32 s30, $0x0  }
.Ltmp13:
0xee: {  	_ = 	snop;
	(pc) =	sbr.rel @p2 .LBB3_11-.Ltmp13, $4  }
0xef: {  	_ = 	snop  }
0xf0: {  	s28 =	simm.s32 $0x0;
	s31 =	sadd.s32 $0x1, s23;
	s2 =	smin.u32 @!p1 s2, $0x27FF0  }
0xf1: {  	s4 =	simm.s32 @!p1 $0x1;
	s5 =	simm.s32 @!p1 $0x7988;
	s3 =	sand.u32 @!p1 $0x3FFF8, s2  }
0xf2: {  	s4 =	smov.u32 @p1 s28;
	s2 =	sand.u32 @!p1 $0x7, s2;
	s3 =	sadd.s32 @!p1 s1, s3  }
.LBB3_10:
0xf3: {  	s9 =	smov.u32 s4  }
0xf4: {  	[tilespmem:s5], [sflag:$0x2] =	stream.linear.gather @!p1 [hbm4b:s3+s2], $0x80, $0x38;
	[tilespmem:$0x1F6F8] =	vst v63  }
0xf5: {  	s30 =	sadd.s32 $0x1, s30;
	s2 =	smov.u32 s0;
	v1 =	vld.msk [tilespmem:s31+$0x0], $0x1  }
0xf6: {  	p2 =	seq.s32 s30, $0x0;
	_ =	sdelay $0x3  }
0xf7: {  	(v2sf) =	vpush v1, $0x0;
	_ =	sdelay $0xe  }
0xf8: {  	s0 =	spop (v2sf)  }
0xf9: {  	p1 =	seq.s32 s2, s0  }
0xfa: {  	p3 =	sgt.s32 @!p1 s2, $0x0;
	s3 =	sshll.u32 @!p1 s4, $0x9;
	s4 =	sadd.s32 @!p1 $0x1, s4  }
.Ltmp14:
0xfb: {  	p3 =	por !p3, p1;
	s3 =	sshra.s32 @!p1 s3, $0x2;
	(pc) =	sbr.rel @!p2 .LBB3_10-.Ltmp14, $4  }
0xfc: {  	s4 =	smov.u32 @p1 s9;
	s2 =	simm.s32 @p3 $0x0;
	s5 =	sadd.s32 @!p1 $0x7988, s3  }
0xfd: {  	s2 =	smin.u32 @!p1 s2, $0x27FF0  }
0xfe: {  	s3 =	sand.u32 @!p1 $0x3FFF8, s2;
	s2 =	sand.u32 @!p1 $0x7, s2  }
0xff: {  	s31 =	sadd.s32 $0x1, s31;
	s3 =	sadd.s32 @!p1 s1, s3  }
.LBB3_11:
0x100: {  	[tilespmem:s5], [sflag:$0x2] =	stream.linear.gather @!p1 [hbm4b:s3+s2], $0x80, $0x38;
	[tilespmem:$0x1F6F8] =	vst v63  }
.Ltmp15:
0x101: {  	s0 =	sshll.u32 s4, $0x7;
	(pc) =	sbr.rel .LBB3_12-.Ltmp15, $4  }
0x102: {  	s30 =	simm.s32 $0x2;
	s0 =	sand.u32 $0x3FFFFF80, s0  }
0x103: {  	_ =	swait.ge [sflag:s30], s0  }
0x104: {  	s0 =	ssub.s32 $0x0, s0;
	[sflag:s30] =	ssyncset.done $0x0  }
0x105: {  	s31 =	simm.s32 $0x0;
	[sflag:s30] =	ssyncadd.s32 s0  }
.LBB3_13:
0x106: {  	v1 =	vld [tilespmem:s25+$0xFFFFFFC0];
	_ =	sdelay $0x3  }
0x107: {  	s0 =	sshra.s32 s0, $0x2  }
0x108: {  	[tilespmem:s0+$0x108] =	vst.add.f32.msk $0xffff, v1  }
0x109: {  	v1 =	vld [tilespmem:s25+$0xFFFFFFD0];
	_ =	sdelay $0x4  }
0x10a: {  	[tilespmem:s0+$0x118] =	vst.add.f32.msk $0xffff, v1  }
0x10b: {  	v1 =	vld [tilespmem:s25+$0xFFFFFFE0];
	_ =	sdelay $0x4  }
0x10c: {  	[tilespmem:s0+$0x128] =	vst.add.f32.msk $0xffff, v1  }
0x10d: {  	v1 =	vld [tilespmem:s25+$0xFFFFFFF0];
	_ =	sdelay $0x4  }
0x10e: {  	[tilespmem:s0+$0x138] =	vst.add.f32.msk $0xffff, v1  }
0x10f: {  	v1 =	vld [tilespmem:s25+$0x0];
	_ =	sdelay $0x4  }
0x110: {  	[tilespmem:s0+$0x148] =	vst.add.f32.msk $0xffff, v1  }
0x111: {  	v1 =	vld [tilespmem:s25+$0x10];
	_ =	sdelay $0x4  }
0x112: {  	[tilespmem:s0+$0x158] =	vst.add.f32.msk $0xffff, v1  }
0x113: {  	v1 =	vld [tilespmem:s25+$0x20];
	_ =	sdelay $0x4  }
0x114: {  	[tilespmem:s0+$0x168] =	vst.add.f32.msk $0xffff, v1  }
0x115: {  	v1 =	vld [tilespmem:s25+$0x30];
	_ =	sdelay $0x4  }
0x116: {  	[tilespmem:s0+$0x178] =	vst.add.f32.msk $0xffff, v1  }
.LBB3_17:
0x117: {  	s26 =	sadd.s32 $0x1, s26  }
0x118: {  	p1 =	seq.s32 s26, $0x0  }
.Ltmp16:
0x119: {  	_ = 	snop;
	(pc) =	sbr.rel @p1 .LBB3_18-.Ltmp16, $2  }
0x11a: {  	_ =	sdelay $0x2  }
0x11b: {  	s23 =	sadd.s32 $0x1, s23;
	s25 =	sadd.s32 $0x80, s25;
	s29 =	smov.u32 s30  }
.LBB3_12:
0x11c: {  	v1 =	vld.msk [tilespmem:s23+$0x0], $0x1;
	_ =	sdelay $0x4  }
0x11d: {  	(v2sf) =	vpush v1, $0x0;
	_ =	sdelay $0xe  }
0x11e: {  	s30 =	spop (v2sf)  }
0x11f: {  	p1 =	sne.s32 s29, s30  }
.Ltmp17:
0x120: {  	_ = 	snop;
	(pc) =	sbr.rel @!p1 .LBB3_13-.Ltmp17, $2  }
0x121: {  	_ =	sdelay $0x2  }
0x122: {  	s0 =	sshll.u32 s22, $0x9  }
0x123: {  	p1 =	seq.s32 s29, s24  }
.Ltmp18:
0x124: {  	_ = 	snop;
	(pc) =	sbr.rel @!p1 .LBB3_15-.Ltmp18, $1  }
0x125: {  	_ =	sdelay $0x3  }
0x126: {  	s0 =	sshra.s32 s0, $0x2  }
.Ltmp19:
0x127: {  	s0 =	sadd.s32 $0x108, s0;
	(pc) =	sbr.rel .LBB3_16-.Ltmp19, $4  }
0x128: {  	[spmem:s16] =	stream.linear.scatter [tilespmem:s0], [sflag:$0x1], $0x80, $0x38;
	[tilespmem:$0x1F6F8] =	vst v63  }
0x129: {  	_ =	swait.ge [sflag:s12], $0x80  }
0x12a: {  	[sflag:s12] =	ssyncset.done $0x0  }
0x12b: {  	[sflag:s12] =	ssyncadd.s32 $0xFFFFFF80  }
.LBB3_15:
0x12c: {  	s2 =	sshll.u32 s28, $0x9  }
0x12d: {  	s2 =	sshra.s32 s2, $0x2  }
0x12e: {  	v1 =	vld [tilespmem:s2+$0x7988];
	_ =	sdelay $0x3  }
0x12f: {  	s0 =	sshra.s32 s0, $0x2  }
0x130: {  	[tilespmem:s0+$0x108] =	vst.add.f32.msk $0xffff, v1  }
0x131: {  	v1 =	vld [tilespmem:s2+$0x7998];
	_ =	sdelay $0x4  }
0x132: {  	[tilespmem:s0+$0x118] =	vst.add.f32.msk $0xffff, v1  }
0x133: {  	v1 =	vld [tilespmem:s2+$0x79A8];
	_ =	sdelay $0x4  }
0x134: {  	[tilespmem:s0+$0x128] =	vst.add.f32.msk $0xffff, v1  }
0x135: {  	v1 =	vld [tilespmem:s2+$0x79B8];
	_ =	sdelay $0x4  }
0x136: {  	[tilespmem:s0+$0x138] =	vst.add.f32.msk $0xffff, v1  }
0x137: {  	v1 =	vld [tilespmem:s2+$0x79C8];
	_ =	sdelay $0x4  }
0x138: {  	[tilespmem:s0+$0x148] =	vst.add.f32.msk $0xffff, v1  }
0x139: {  	v1 =	vld [tilespmem:s2+$0x79D8];
	_ =	sdelay $0x4  }
0x13a: {  	[tilespmem:s0+$0x158] =	vst.add.f32.msk $0xffff, v1  }
0x13b: {  	v1 =	vld [tilespmem:s2+$0x79E8];
	_ =	sdelay $0x4  }
0x13c: {  	[tilespmem:s0+$0x168] =	vst.add.f32.msk $0xffff, v1  }
0x13d: {  	v1 =	vld [tilespmem:s2+$0x79F8];
	_ =	sdelay $0x2  }
0x13e: {  	p1 =	sgt.u32 s29, $0x27FF0  }
0x13f: {  	s2 =	sand.u32 @!p1 $0x3FFF8, s29  }
0x140: {  	s3 =	sadd.s32 $0x108, s0;
	[tilespmem:s0+$0x178] =	vst.add.f32.msk $0xffff, v1;
	s0 =	sadd.s32 @!p1 s1, s2;
	s2 =	sand.u32 @!p1 $0x7, s29  }
0x141: {  	[hbm4b:s0+s2] =	stream.linear.scatter @!p1 [tilespmem:s3], [sflag:$0xC], $0x80, $0x38;
	[tilespmem:$0x1F6F8] =	vst v63  }
0x142: {  	s0 =	simm.s32 $0x0  }
0x143: {  	s0 =	simm.s32 @!p1 $0x200  }
0x144: {  	s31 =	sadd.s32 s0, s31  }
.LBB3_16:
0x145: {  	s0 =	sadd.s32 $0x1, s22  }
0x146: {  	s2 =	smulhi.u32 $0x88888889, s0;
	_ =	sdelay $0x1  }
0x147: {  	v1 =	vld [tilespmem:s25+$0xFFFFFFC0];
	s2 =	sshrl.u32 s2, $0x7  }
0x148: {  	s2 =	smul.u32 $0xF0, s2;
	_ =	sdelay $0x1  }
0x149: {  	s22 =	ssub.s32 s0, s2  }
0x14a: {  	s0 =	sshll.u32 s22, $0x7  }
0x14b: {  	[tilespmem:s0+$0x108] =	vst v1  }
0x14c: {  	v1 =	vld [tilespmem:s25+$0xFFFFFFD0];
	_ =	sdelay $0x4  }
0x14d: {  	[tilespmem:s0+$0x118] =	vst v1  }
0x14e: {  	v1 =	vld [tilespmem:s25+$0xFFFFFFE0];
	_ =	sdelay $0x4  }
0x14f: {  	[tilespmem:s0+$0x128] =	vst v1  }
0x150: {  	v1 =	vld [tilespmem:s25+$0xFFFFFFF0];
	_ =	sdelay $0x4  }
0x151: {  	[tilespmem:s0+$0x138] =	vst v1  }
0x152: {  	v1 =	vld [tilespmem:s25+$0x0];
	_ =	sdelay $0x4  }
0x153: {  	[tilespmem:s0+$0x148] =	vst v1  }
0x154: {  	v1 =	vld [tilespmem:s25+$0x10];
	_ =	sdelay $0x4  }
0x155: {  	[tilespmem:s0+$0x158] =	vst v1  }
0x156: {  	v1 =	vld [tilespmem:s25+$0x20];
	_ =	sdelay $0x4  }
0x157: {  	[tilespmem:s0+$0x168] =	vst v1  }
0x158: {  	v1 =	vld [tilespmem:s25+$0x30]  }
.Ltmp20:
0x159: {  	_ = 	snop;
	(pc) =	sbr.rel .LBB3_17-.Ltmp20, $2  }
0x15a: {  	_ =	sdelay $0x2  }
0x15b: {  	s28 =	sadd.s32 $0x1, s28;
	[tilespmem:s0+$0x178] =	vst v1  }
.LBB3_19:
.Ltmp21:
0x15c: {  	(pc) =	sbr.rel .LBB3_20-.Ltmp21, $4  }
0x15d: {  	_ = 	snop  }
0x15e: {  	s0 =	simm.s32 $0x2  }
0x15f: {  	_ =	swait.ge [sflag:s0], $0x0  }
0x160: {  	s30 =	smov.u32 s29;
	[sflag:s0] =	ssyncset.done $0x0;
	s0 =	simm.s32 $0x0  }
.LBB3_22:
0x161: {  	_ =	sfence.sel $0x180000  }
0x162: {  	s0 =	simm.s32 $0x9;
	[bflag:$0x0] =	sbarrier.arrive $0xFFFF  }
0x163: {  	s24 =	simm.s32 $0xA;
	[sflag:s0] =	ssyncpa.u1 $0x1  }
0x164: {  	s25 =	simm.s32 $0xB;
	[sflag:s24] =	ssyncpa.u1 $0x1  }
0x165: {  	s26 =	simm.s32 $0x2;
	[sflag:s25] =	ssyncpa.u1 $0x1  }
0x166: {  	[sflag:s26] =	ssyncpa.u1 $0x1  }
0x167: {  	v0 =	vld [tilespmem:$0xF208];
	_ =	sdelay $0x4  }
0x168: {  	(v2sf) =	vpush v0, $0x0  }
0x169: {  	(v2sf) =	vpush v0, $0x1;
	_ =	sdelay $0x1  }
0x16a: {  	(v2sf) =	vpush v0, $0x2;
	_ =	sdelay $0xb  }
0x16b: {  	s0 =	spop (v2sf)  }
0x16c: {  	s2 =	spop (v2sf)  }
0x16d: {  	s3 =	smov.u32 s0;
	p0 =	sne.s32 s0, s2  }
0x16e: {  	s4 =	spop (v2sf);
	s3 =	simm.s32 @!p0 $0xFFFFFFFF  }
0x16f: {  	v2 =	vimm.s32 $0x1;
	v3 =	vlaneseq.u32;
	p0 =	seq.s32 s4, $0xFFFFFFFF;
	v1 =	vmov s3  }
0x170: {  	s16 =	stileid.u32;
	v0 =	vperm.xlane v0, v2;
	p1 =	sne.s32 @!p0 s0, s2;
	v1 =	vperm.xlane v1, v3  }
0x171: {  	vm0 =	vcmask $0x3F04;
	s6 =	simm.s32 $0xF208;
	s0 =	simm.s32 @!p0 $0x1;
	p1 =	por !p1, p0  }
0x172: {  	s3 =	sshll.u32 s16, $0x1;
	s2 =	sshll.u32 @!p0 s4, $0x9;
	s0 =	simm.s32 @p1 $0x0;
	v0 =	vsel vm0, v1, v0  }
0x173: {  	s5 =	sor.u32 $0x1000, s3;
	s2 =	sshra.s32 @!p0 s2, $0x2;
	s0 =	sor.u32 @!p0 s0, s3;
	[tilespmem:$0xF208] =	vst v0  }
0x174: {  	[spmem:s5] =	stream.linear.scatter [tilespmem:s6], [sflag:$0x1], $0x2, $0x38;
	[tilespmem:$0x1F6F8] =	vst v63  }
0x175: {  	s2 =	sadd.s32 @!p0 $0x108, s2;
	s0 =	sshll.u32 @!p0 s0, $0x7  }
0x176: {  	[spmem:s0] =	stream.linear.scatter @!p0 [tilespmem:s2], [sflag:$0x1], $0x80, $0x38;
	[tilespmem:$0x1F6F8] =	vst v63  }
0x177: {  	s0 =	simm.s32 @!p0 $0x82  }
0x178: {  	s28 =	simm.s32 $0x1;
	s0 =	simm.s32 @p0 $0x2  }
0x179: {  	_ =	swait.ge [sflag:s28], s0  }
0x17a: {  	s0 =	ssub.s32 $0x0, s0;
	[sflag:s28] =	ssyncset.done $0x0  }
0x17b: {  	p0 =	sne.s32 s16, $0x0;
	[sflag:s28] =	ssyncadd.s32 s0  }
.Ltmp22:
0x17c: {  	_ =	sfence.stream.spmem;
	(pc) =	sbr.rel @p0 .LBB3_39-.Ltmp22, $4  }
0x17d: {  	s29 =	simm.s32 $0x3;
	[bflag:$0x0] =	sbarrier.arrive $0xFFFF  }
0x17e: {  	s30 =	simm.s32 $0x4;
	[sflag:s29] =	ssyncpa.u1 $0x1  }
0x17f: {  	s31 =	simm.s32 $0x3C;
	[sflag:s30] =	ssyncpa.u1 $0x1  }
0x180: {  	s15 =	rddreg [dreg:$0x4];
	[sflag:s31] =	ssyncpa.u1 $0x1  }
0x181: {  	_ =	sfence.stream.spmem;
	s0 =	simm.s32 $0x5  }
0x182: {  	s2 =	simm.s32 $0x1000;
	s3 =	simm.s32 $0xF218;
	[sflag:s0] =	ssyncpa.u1 $0x0  }
0x183: {  	[tilespmem:s3], [sflag:$0x5] =	stream.linear.gather [spmem:s2], $0x20, $0x38;
	[tilespmem:$0x1F6F8] =	vst v63  }
0x184: {  	s26 =	simm.s32 $0x0;
	s28 =	simm.s32 $0xF238  }
0x185: {  	[tilespmem:s28], [sflag:$0x5] =	stream.linear.gather [spmem:s26], $0x1000, $0x38;
	[tilespmem:$0x1F6F8] =	vst v63  }
0x186: {  	_ =	swait.ge [sflag:s0], $0x1020  }
0x187: {  	[sflag:s0] =	ssyncset.done $0x0  }
0x188: {  	s29 =	simm.s32 $0x0;
	[sflag:s0] =	ssyncadd.s32 $0xFFFFEFE0  }
0x189: {  	v0 =	vld.msk [tilespmem:s29+$0xF218], $0x1;
	_ =	sdelay $0x1  }
0x18a: {  	s30 =	simm.s32 $0x1  }
0x18b: {  	v1 =	vld.msk [tilespmem:s30+$0xF218], $0x1;
	_ =	sdelay $0x1  }
0x18c: {  	(v2sf) =	vpush v0, $0x0;
	_ =	sdelay $0x2  }
0x18d: {  	(v2sf) =	vpush v1, $0x0;
	_ =	sdelay $0x2  }
0x18e: {  	s31 =	simm.s32 $0x2  }
0x18f: {  	v0 =	vld.msk [tilespmem:s31+$0xF218], $0x1;
	_ =	sdelay $0x2  }
0x190: {  	s4 =	simm.s32 $0xFFFFFFFF;
	s5 =	simm.s32 $0xFFFFFFFF;
	s0 =	simm.s32 $0xC  }
.LBB3_24:
0x191: {  	s2 =	smov.u32 s5;
	s3 =	smov.u32 s4  }
0x192: {  	s4 =	sshra.s32 s0, $0x2;
	p1 =	sne.s32 s0, $0x7C;
	s0 =	sadd.s32 $0x4, s0;
	(v2sf) =	vpush v0, $0x0  }
0x193: {  	v0 =	vld.msk [tilespmem:s4+$0xF218], $0x1  }
.Ltmp23:
0x194: {  	(pc) =	sbr.rel @p1 .LBB3_24-.Ltmp23, $4  }
0x195: {  	s5 =	spop (v2sf)  }
0x196: {  	p2 =	sne.s32 s3, $0xFFFFFFFF;
	s4 =	smov.u32 s5  }
0x197: {  	p3 =	seq.s32 s5, $0xFFFFFFFF;
	s4 =	smov.u32 @p2 s3  }
0x198: {  	s5 =	smov.u32 @p3 s2;
	s4 =	smov.u32 @p3 s3  }
0x199: {  	(v2sf) =	vpush v0, $0x0;
	_ =	sdelay $0x8  }
0x19a: {  	s0 =	spop (v2sf)  }
0x19b: {  	p1 =	sne.s32 s4, $0xFFFFFFFF;
	s2 =	smov.u32 s0  }
0x19c: {  	s9 =	simm.s32 $0x6;
	p2 =	seq.s32 s0, $0xFFFFFFFF;
	s2 =	smov.u32 @p1 s4  }
0x19d: {  	s6 =	simm.s32 $0x0;
	s2 =	smov.u32 @p2 s4;
	s3 =	spop (v2sf)  }
0x19e: {  	s0 =	smov.u32 @p2 s5;
	p1 =	sne.s32 s2, $0xFFFFFFFF;
	s4 =	smov.u32 s3  }
.Ltmp24:
0x19f: {  	p2 =	seq.s32 s3, $0xFFFFFFFF;
	s4 =	smov.u32 @p1 s2;
	(pc) =	sbr.rel .LBB3_26-.Ltmp24, $4  }
0x1a0: {  	s10 =	simm.s32 $0xF188;
	s4 =	smov.u32 @p2 s2;
	s7 =	spop (v2sf)  }
0x1a1: {  	s11 =	simm.s32 $0x0;
	p1 =	sne.s32 s4, $0xFFFFFFFF;
	s8 =	smov.u32 s7  }
0x1a2: {  	s3 =	smov.u32 @p2 s0;
	p2 =	seq.s32 s7, $0xFFFFFFFF;
	s8 =	smov.u32 @p1 s4  }
0x1a3: {  	[sflag:s9] =	ssyncpa.u1 $0x0;
	s7 =	smov.u32 @p2 s3;
	s8 =	smov.u32 @p2 s4  }
.LBB3_32:
0x1a4: {  	p1 =	sgt.u32 s12, $0x27FF0  }
0x1a5: {  	p2 =	seq.s32 @!p1 s12, s8  }
0x1a6: {  	p1 =	por p1, p2  }
0x1a7: {  	p2 =	sne.s32 @!p1 s12, s7  }
0x1a8: {  	p1 =	por p1, !p2  }
0x1a9: {  	s0 =	sshll.u32 @p1 s11, $0x9  }
0x1aa: {  	s0 =	sand.u32 @!p1 $0x3FFF8, s12  }
0x1ab: {  	s2 =	sand.u32 @!p1 $0x7, s12;
	s0 =	sadd.s32 @!p1 s1, s0  }
0x1ac: {  	[tilespmem:s10], [sflag:$0x6] =	stream.linear.gather @!p1 [hbm4b:s0+s2], $0x80, $0x38;
	[tilespmem:$0x1F6F8] =	vst v63  }
0x1ad: {  	_ =	swait.ge @!p1 [sflag:s9], $0x80  }
0x1ae: {  	[sflag:s9] =	ssyncset.done @!p1 $0x0  }
0x1af: {  	[sflag:s9] =	ssyncadd.s32 @!p1 $0xFFFFFF80  }
0x1b0: {  	v1 =	vld @!p1 [tilespmem:$0xF188];
	_ =	sdelay $0x2  }
0x1b1: {  	s0 =	sshll.u32 @!p1 s11, $0x9  }
0x1b2: {  	s2 =	sshrl.u32 @!p1 s0, $0x2  }
0x1b3: {  	[tilespmem:s2+$0xF238] =	vst.add.f32.msk @!p1 $0xffff, v1  }
0x1b4: {  	v1 =	vld @!p1 [tilespmem:$0xF198];
	_ =	sdelay $0x4  }
0x1b5: {  	[tilespmem:s2+$0xF248] =	vst.add.f32.msk @!p1 $0xffff, v1  }
0x1b6: {  	v1 =	vld @!p1 [tilespmem:$0xF1A8];
	_ =	sdelay $0x4  }
0x1b7: {  	[tilespmem:s2+$0xF258] =	vst.add.f32.msk @!p1 $0xffff, v1  }
0x1b8: {  	v1 =	vld @!p1 [tilespmem:$0xF1B8];
	_ =	sdelay $0x4  }
0x1b9: {  	[tilespmem:s2+$0xF268] =	vst.add.f32.msk @!p1 $0xffff, v1  }
0x1ba: {  	v1 =	vld @!p1 [tilespmem:$0xF1C8];
	_ =	sdelay $0x4  }
0x1bb: {  	[tilespmem:s2+$0xF278] =	vst.add.f32.msk @!p1 $0xffff, v1  }
0x1bc: {  	v1 =	vld @!p1 [tilespmem:$0xF1D8];
	_ =	sdelay $0x4  }
0x1bd: {  	[tilespmem:s2+$0xF288] =	vst.add.f32.msk @!p1 $0xffff, v1  }
0x1be: {  	v1 =	vld @!p1 [tilespmem:$0xF1E8];
	_ =	sdelay $0x4  }
0x1bf: {  	[tilespmem:s2+$0xF298] =	vst.add.f32.msk @!p1 $0xffff, v1  }
0x1c0: {  	v1 =	vld @!p1 [tilespmem:$0xF1F8];
	_ =	sdelay $0x4  }
0x1c1: {  	[tilespmem:s2+$0xF2A8] =	vst.add.f32.msk @!p1 $0xffff, v1  }
0x1c2: {  	s0 =	sshrl.u32 s0, $0x2;
	[tilespmem:s6+$0xF218] =	vst.msk $0x1, v0  }
0x1c3: {  	v0 =	vld [tilespmem:s0+$0xF238];
	_ =	sdelay $0x2  }
0x1c4: {  	s31 =	sshll.u32 s6, $0x9  }
0x1c5: {  	s2 =	sshra.s32 s31, $0x2  }
0x1c6: {  	[tilespmem:s2+$0xF238] =	vst v0  }
0x1c7: {  	v0 =	vld [tilespmem:s0+$0xF248];
	_ =	sdelay $0x4  }
0x1c8: {  	[tilespmem:s2+$0xF248] =	vst v0  }
0x1c9: {  	v0 =	vld [tilespmem:s0+$0xF258];
	_ =	sdelay $0x4  }
0x1ca: {  	[tilespmem:s2+$0xF258] =	vst v0  }
0x1cb: {  	v0 =	vld [tilespmem:s0+$0xF268];
	_ =	sdelay $0x4  }
0x1cc: {  	[tilespmem:s2+$0xF268] =	vst v0  }
0x1cd: {  	v0 =	vld [tilespmem:s0+$0xF278];
	_ =	sdelay $0x4  }
0x1ce: {  	[tilespmem:s2+$0xF278] =	vst v0  }
0x1cf: {  	v0 =	vld [tilespmem:s0+$0xF288];
	_ =	sdelay $0x4  }
0x1d0: {  	[tilespmem:s2+$0xF288] =	vst v0  }
0x1d1: {  	v0 =	vld [tilespmem:s0+$0xF298];
	_ =	sdelay $0x4  }
0x1d2: {  	[tilespmem:s2+$0xF298] =	vst v0  }
0x1d3: {  	v0 =	vld [tilespmem:s0+$0xF2A8];
	_ =	sdelay $0x4  }
0x1d4: {  	s6 =	sadd.s32 $0x1, s6;
	[tilespmem:s2+$0xF2A8] =	vst v0  }
.LBB3_33:
0x1d5: {  	s11 =	sadd.s32 $0x1, s11  }
0x1d6: {  	p1 =	sne.s32 s11, $0x20  }
.Ltmp25:
0x1d7: {  	_ = 	snop;
	(pc) =	sbr.rel @!p1 .LBB3_34-.Ltmp25, $1  }
0x1d8: {  	_ =	sdelay $0x3  }
.LBB3_26:
0x1d9: {  	v0 =	vld.msk [tilespmem:s11+$0xF218], $0x1;
	_ =	sdelay $0x4  }
0x1da: {  	(v2sf) =	vpush v0, $0x0;
	_ =	sdelay $0xe  }
0x1db: {  	s12 =	spop (v2sf)  }
0x1dc: {  	p1 =	seq.s32 s12, $0xFFFFFFFF  }
.Ltmp26:
0x1dd: {  	_ = 	snop;
	(pc) =	sbr.rel @p1 .LBB3_33-.Ltmp26, $1  }
0x1de: {  	_ =	sdelay $0x3  }
0x1df: {  	p1 =	slt.s32 s6, $0x1  }
.Ltmp27:
0x1e0: {  	_ = 	snop;
	(pc) =	sbr.rel @p1 .LBB3_32-.Ltmp27, $1  }
0x1e1: {  	_ =	sdelay $0x3  }
0x1e2: {  	s13 =	simm.s32 $0xF218;
	p1 =	por $0x0, $0x0  }
0x1e3: {  	v1 =	vld.msk @!p1 [tilespmem:s13+$0x0], $0x1;
	_ =	sdelay $0x4  }
0x1e4: {  	(v2sf) =	vpush @!p1 v1, $0x0;
	_ =	sdelay $0xd  }
0x1e5: {  	p3 =	sne.s32 s6, $0x1  }
.Ltmp28:
0x1e6: {  	s0 =	spop @!p1 (v2sf);
	(pc) =	sbr.rel @!p3 .LBB3_30-.Ltmp28, $4  }
0x1e7: {  	p2 =	seq.s32 @!p1 s12, s0  }
0x1e8: {  	s14 =	simm.s32 $0x0;
	p2 =	por !p2, p1  }
0x1e9: {  	s2 =	simm.s32 $0xFFFFFFFF;
	s14 =	simm.s32 @p2 $0xFFFFFFFF  }
0x1ea: {  	s0 =	simm.s32 $0x1;
	s14 =	smov.u32 @p1 s2  }
.LBB3_29:
0x1eb: {  	s2 =	smov.u32 s14;
	p1 =	sne.s32 s14, $0xFFFFFFFF  }
0x1ec: {  	s13 =	sadd.s32 $0x1, s13;
	s14 =	smov.u32 s0;
	s0 =	sadd.s32 $0x1, s0  }
0x1ed: {  	p2 =	sne.s32 s6, s0;
	v1 =	vld.msk @!p1 [tilespmem:s13+$0x0], $0x1;
	_ =	sdelay $0x4  }
0x1ee: {  	(v2sf) =	vpush @!p1 v1, $0x0;
	_ =	sdelay $0xe  }
.Ltmp29:
0x1ef: {  	s3 =	spop @!p1 (v2sf);
	(pc) =	sbr.rel @p2 .LBB3_29-.Ltmp29, $4  }
0x1f0: {  	p3 =	seq.s32 @!p1 s12, s3  }
0x1f1: {  	p3 =	por !p3, p1  }
0x1f2: {  	s14 =	simm.s32 @p3 $0xFFFFFFFF  }
0x1f3: {  	s14 =	smov.u32 @p1 s2  }
.LBB3_30:
0x1f4: {  	p1 =	seq.s32 s14, $0xFFFFFFFF  }
.Ltmp30:
0x1f5: {  	_ = 	snop;
	(pc) =	sbr.rel @p1 .LBB3_32-.Ltmp30, $1  }
0x1f6: {  	_ =	sdelay $0x3  }
0x1f7: {  	s0 =	sshll.u32 s11, $0x7  }
0x1f8: {  	s0 =	sand.u32 $0x3FFFFF80, s0  }
0x1f9: {  	v0 =	vld [tilespmem:s0+$0xF238];
	_ =	sdelay $0x2  }
0x1fa: {  	s2 =	sshll.u32 s14, $0x9  }
0x1fb: {  	s2 =	sshra.s32 s2, $0x2  }
0x1fc: {  	[tilespmem:s2+$0xF238] =	vst.add.f32.msk $0xffff, v0  }
0x1fd: {  	v0 =	vld [tilespmem:s0+$0xF248];
	_ =	sdelay $0x4  }
0x1fe: {  	[tilespmem:s2+$0xF248] =	vst.add.f32.msk $0xffff, v0  }
0x1ff: {  	v0 =	vld [tilespmem:s0+$0xF258];
	_ =	sdelay $0x4  }
0x200: {  	[tilespmem:s2+$0xF258] =	vst.add.f32.msk $0xffff, v0  }
0x201: {  	v0 =	vld [tilespmem:s0+$0xF268];
	_ =	sdelay $0x4  }
0x202: {  	[tilespmem:s2+$0xF268] =	vst.add.f32.msk $0xffff, v0  }
0x203: {  	v0 =	vld [tilespmem:s0+$0xF278];
	_ =	sdelay $0x4  }
0x204: {  	[tilespmem:s2+$0xF278] =	vst.add.f32.msk $0xffff, v0  }
0x205: {  	v0 =	vld [tilespmem:s0+$0xF288];
	_ =	sdelay $0x4  }
0x206: {  	[tilespmem:s2+$0xF288] =	vst.add.f32.msk $0xffff, v0  }
0x207: {  	v0 =	vld [tilespmem:s0+$0xF298];
	_ =	sdelay $0x4  }
0x208: {  	[tilespmem:s2+$0xF298] =	vst.add.f32.msk $0xffff, v0  }
0x209: {  	v0 =	vld [tilespmem:s0+$0xF2A8]  }
.Ltmp31:
0x20a: {  	_ = 	snop;
	(pc) =	sbr.rel .LBB3_33-.Ltmp31, $2  }
0x20b: {  	_ =	sdelay $0x2  }
0x20c: {  	[tilespmem:s2+$0xF2A8] =	vst.add.f32.msk $0xffff, v0  }
.LBB3_34:
0x20d: {  	s0 =	simm.s32 $0x6;
	p1 =	seq.s32 s6, $0x0  }
0x20e: {  	[sflag:s0] =	ssyncpa.u1 $0x1;
	v0 =	vimm.s32 @p1 $0xFFFFFFFF  }
0x20f: {  	s9 =	sadd.s32 $0xFFFFFFFF, s6;
	[tilespmem:$0x10238] =	vst @p1 v0  }
0x210: {  	v0 =	vld.msk @!p1 [tilespmem:s9+$0xF218], $0x1;
	_ =	sdelay $0x1  }
0x211: {  	v1 =	vld.msk @!p1 [tilespmem:$0xF218], $0x1;
	_ =	sdelay $0x2  }
0x212: {  	p2 =	seq.s32 @!p1 s9, $0x0;
	v0 =	vbroadcast @!p1 v0, $0x0  }
0x213: {  	vm0 =	vmmov @!p1 $0x1;
	p2 =	por !p2, p1  }
0x214: {  	v1 =	vnsel @!p1 vm0, $0xFFFFFFFF, v1;
	vm0 =	vcmask @!p1 $0x308;
	v0 =	vpsel !p2, $0xFFFFFFFF, v0  }
0x215: {  	p2 =	sne.s32 @!p1 s8, s7;
	v0 =	vsel @!p1 vm0, v1, v0  }
0x216: {  	s0 =	simm.s32 @!p1 $0xF238;
	s2 =	simm.s32 @!p1 $0x0;
	p3 =	por !p2, p1;
	[tilespmem:$0x10238] =	vst @!p1 v0  }
0x217: {  	[spmem:s2] =	stream.linear.scatter @!p1 [tilespmem:s0], [sflag:$0x1], $0x80, $0x38;
	[tilespmem:$0x1F6F8] =	vst v63  }
0x218: {  	s0 =	sshll.u32 @!p3 s9, $0x9  }
0x219: {  	s0 =	sshra.s32 @!p3 s0, $0x2  }
0x21a: {  	s2 =	simm.s32 @!p3 $0x80;
	s0 =	sadd.s32 @!p3 $0xF238, s0  }
0x21b: {  	[spmem:s2] =	stream.linear.scatter @!p3 [tilespmem:s0], [sflag:$0x1], $0x80, $0x38;
	[tilespmem:$0x1F6F8] =	vst v63  }
0x21c: {  	s0 =	simm.s32 @!p3 $0x1  }
0x21d: {  	_ =	swait.ge @!p3 [sflag:s0], $0x100  }
0x21e: {  	p1 =	por p2, p1;
	[sflag:s0] =	ssyncset.done @!p3 $0x0  }
0x21f: {  	[sflag:s0] =	ssyncadd.s32 @!p3 $0xFFFFFF00;
	s0 =	simm.s32 @!p1 $0x1  }
0x220: {  	_ =	swait.ge @!p1 [sflag:s0], $0x80  }
0x221: {  	s29 =	simm.s32 $0x10238;
	[sflag:s0] =	ssyncset.done @!p1 $0x0  }
0x222: {  	s30 =	simm.s32 $0x1000;
	s31 =	simm.s32 $0x1;
	[sflag:s0] =	ssyncadd.s32 @!p1 $0xFFFFFF80  }
0x223: {  	[spmem:s30] =	stream.linear.scatter [tilespmem:s29], [sflag:$0x1], $0x10, $0x38;
	[tilespmem:$0x1F6F8] =	vst v63  }
0x224: {  	_ =	swait.ge [sflag:s31], $0x10  }
0x225: {  	[sflag:s31] =	ssyncset.done $0x0  }
0x226: {  	p1 =	seq.s32 s15, $0x0;
	s8 =	rddreg [dreg:$0x1];
	[sflag:s31] =	ssyncadd.s32 $0xFFFFFFF0  }
0x227: {  	s2 =	sshll.u32 @p1 s8, $0xE;
	s7 =	rddreg [dreg:$0x2]  }
0x228: {  	s0 =	sadd.s32 @p1 $0x15C3C, s2;
	s2 =	sshll.u32 @p1 s7, $0x11  }
0x229: {  	_ =	sfence.stream.spmem;
	s0 =	sor.u32 @p1 s2, s0  }
0x22a: {  	[sflag:s0] =	ssyncadd.remote.s32 @p1 $0x1;
	s0 =	simm.s32 @p1 $0x4  }
0x22b: {  	s3 =	simm.s32 @!p1 $0x3C;
	s2 =	sand.u32 $0xFFFFFFFE, s8;
	_ =	swait.ge @p1 [sflag:s0], $0x22  }
0x22c: {  	s4 =	simm.s32 @!p1 $0x0;
	s2 =	sadd.s32 @!p1 $0x4, s2;
	[sflag:s0] =	ssyncset.done @p1 $0x0  }
0x22d: {  	s5 =	simm.s32 @!p1 $0x100;
	[sflag:s0] =	ssyncadd.s32 @p1 $0xFFFFFFDE;
	s0 =	sshll.u32 @!p1 s2, $0x1A  }
0x22e: {  	s2 =	sshll.u32 @!p1 s2, $0xD;
	s0 =	sor.u32 @!p1 s0, s7;
	_ =	swait.eq @!p1 [sflag:s3], $0x1  }
0x22f: {  	s2 =	sor.u32 @!p1 $0x1C04, s2;
	s3 =	simm.s32 @!p1 $0x1C03;
	s0 =	sor.u32 @!p1 $0x80004000, s0  }
0x230: {  	[spmem:s5], [sflag:s2] =	dma.general @!p1 [spmem:s4], [sflag:s3], length:$0x20, [dreg:$0x0], stride_count:$0x0, ici_dest:s0, dma_misc:DstOpCode:WRITE  }
0x231: {  	p2 =	slt.s32 s9, $0x2;
	s4 =	simm.s32 @!p1 $0x200;
	s5 =	simm.s32 @!p1 $0x202  }
0x232: {  	[spmem:s5], [sflag:s2] =	dma.general @!p1 [spmem:s4], [sflag:s3], length:$0x2, [dreg:$0x0], stride_count:$0x0, ici_dest:s0, dma_misc:DstOpCode:WRITE  }
.Ltmp32:
0x233: {  	s0 =	simm.s32 @!p1 $0x3;
	(pc) =	sbr.rel @p2 .LBB3_38-.Ltmp32, $4  }
0x234: {  	s2 =	sshll.u32 @!p1 s8, $0xE;
	_ =	swait.ge @!p1 [sflag:s0], $0x22  }
0x235: {  	s3 =	sshll.u32 @!p1 s7, $0x11;
	s2 =	sadd.s32 @!p1 $0x11C3C, s2;
	[sflag:s0] =	ssyncset.done @!p1 $0x0  }
0x236: {  	[sflag:s0] =	ssyncadd.s32 @!p1 $0xFFFFFFDE;
	s0 =	sor.u32 @!p1 s3, s2  }
0x237: {  	[sflag:s0] =	ssyncadd.remote.s32 @!p1 $0xFFFFFFFF;
	s0 =	simm.s32 $0x0  }
0x238: {  	s0 =	simm.s32 $0xF219  }
0x239: {  	v0 =	vld.msk [tilespmem:s0+$0x0], $0x1;
	_ =	sdelay $0x4  }
0x23a: {  	(v2sf) =	vpush v0, $0x0;
	_ =	sdelay $0xb  }
0x23b: {  	s31 =	sadd.s32 $0xFFFFFFFE, s6  }
0x23c: {  	s0 =	sadd.s32 $0xFFFFFFFF, s31  }
0x23d: {  	p2 =	sne.s32 s0, $0x0  }
.Ltmp33:
0x23e: {  	s2 =	spop (v2sf);
	(pc) =	sbr.rel @!p2 .LBB3_37-.Ltmp33, $4  }
0x23f: {  	s4 =	simm.s32 $0xF2B8;
	s7 =	simm.s32 $0x0;
	p1 =	sgt.u32 s2, $0x27FF0  }
0x240: {  	s5 =	simm.s32 $0x0;
	s6 =	simm.s32 $0xF21A;
	s3 =	sand.u32 @!p1 $0x3FFF8, s2  }
0x241: {  	s2 =	sand.u32 @!p1 $0x7, s2;
	s7 =	simm.s32 @!p1 $0x200;
	s3 =	sadd.s32 @!p1 s1, s3  }
0x242: {  	[hbm4b:s3+s2] =	stream.linear.scatter @!p1 [tilespmem:s4], [sflag:$0x5], $0x80, $0x38;
	[tilespmem:$0x1F6F8] =	vst v63  }
.LBB3_36:
0x243: {  	v0 =	vld.msk [tilespmem:s6+$0x0], $0x1;
	s0 =	sadd.s32 $0xFFFFFFFF, s0;
	s5 =	sadd.s32 s5, s7  }
0x244: {  	p1 =	sne.s32 s0, $0x0;
	_ =	sdelay $0x3  }
0x245: {  	(v2sf) =	vpush v0, $0x0;
	_ =	sdelay $0xe  }
.Ltmp34:
0x246: {  	s2 =	spop (v2sf);
	(pc) =	sbr.rel @p1 .LBB3_36-.Ltmp34, $4  }
0x247: {  	s7 =	simm.s32 $0x0;
	p2 =	sgt.u32 s2, $0x27FF0  }
0x248: {  	s4 =	sadd.s32 $0x80, s4;
	s7 =	simm.s32 @!p2 $0x200;
	s3 =	sand.u32 @!p2 $0x3FFF8, s2  }
0x249: {  	s6 =	sadd.s32 $0x1, s6;
	s2 =	sand.u32 @!p2 $0x7, s2;
	s3 =	sadd.s32 @!p2 s1, s3  }
0x24a: {  	[hbm4b:s3+s2] =	stream.linear.scatter @!p2 [tilespmem:s4], [sflag:$0x5], $0x80, $0x38;
	[tilespmem:$0x1F6F8] =	vst v63  }
.LBB3_37:
0x24b: {  	s0 =	sadd.s32 s5, s7  }
0x24c: {  	s0 =	sshrl.u32 s0, $0x2  }
.LBB3_38:
0x24d: {  	s2 =	simm.s32 $0x5  }
0x24e: {  	_ =	swait.ge [sflag:s2], s0  }
0x24f: {  	s31 =	ssub.s32 $0x0, s0;
	[sflag:s2] =	ssyncset.done $0x0  }
0x250: {  	[sflag:s2] =	ssyncadd.s32 s31  }
0x251: {  	[sflag:s2] =	ssyncpa.u1 $0x1  }
.LBB3_39:
0x252: {  	s0 =	sor.u32 s15, s16  }
0x253: {  	p1 =	sne.s32 s0, $0x0  }
.Ltmp35:
0x254: {  	_ = 	snop;
	(pc) =	sbr.rel @p1 .LBB3_54-.Ltmp35, $3  }
0x255: {  	_ =	sdelay $0x1  }
0x256: {  	[bflag:$0x0] =	sbarrier.arrive $0xFFFF  }
0x257: {  	_ =	sfence  }
0x258: {  	s0 =	simm.s32 $0x7  }
0x259: {  	s2 =	simm.s32 $0x1000;
	s3 =	simm.s32 $0xF218;
	[sflag:s0] =	ssyncpa.u1 $0x0  }
0x25a: {  	[tilespmem:s3], [sflag:$0x7] =	stream.linear.gather [spmem:s2], $0x20, $0x38;
	[tilespmem:$0x1F6F8] =	vst v63  }
0x25b: {  	s30 =	simm.s32 $0xF238;
	s2 =	simm.s32 $0x0  }
0x25c: {  	[tilespmem:s30], [sflag:$0x7] =	stream.linear.gather [spmem:s2], $0x1000, $0x38;
	[tilespmem:$0x1F6F8] =	vst v63  }
.Ltmp36:
0x25d: {  	_ = 	snop;
	(pc) =	sbr.rel .LBB3_41-.Ltmp36, $4  }
0x25e: {  	_ =	swait.ge [sflag:s0], $0x1020  }
0x25f: {  	[sflag:s0] =	ssyncset.done $0x0  }
0x260: {  	s31 =	simm.s32 $0x8;
	[sflag:s0] =	ssyncadd.s32 $0xFFFFEFE0  }
0x261: {  	s3 =	simm.s32 $0x0;
	[sflag:s31] =	ssyncpa.u1 $0x0  }
.LBB3_47:
0x262: {  	p1 =	slt.u32 s4, $0x27FF1  }
0x263: {  	s0 =	sand.u32 @p1 $0x3FFF8, s4  }
0x264: {  	s4 =	sand.u32 @p1 $0x7, s4;
	s5 =	simm.s32 @p1 $0xF188;
	s0 =	sadd.s32 @p1 s1, s0  }
0x265: {  	[tilespmem:s5], [sflag:$0x8] =	stream.linear.gather @p1 [hbm4b:s0+s4], $0x80, $0x38;
	[tilespmem:$0x1F6F8] =	vst v63  }
0x266: {  	s0 =	simm.s32 @p1 $0x8  }
0x267: {  	_ =	swait.ge @p1 [sflag:s0], $0x80  }
0x268: {  	[sflag:s0] =	ssyncset.done @p1 $0x0  }
0x269: {  	[sflag:s0] =	ssyncadd.s32 @p1 $0xFFFFFF80  }
0x26a: {  	v1 =	vld @p1 [tilespmem:$0xF188];
	_ =	sdelay $0x2  }
0x26b: {  	s0 =	sshll.u32 @p1 s3, $0x9  }
0x26c: {  	s4 =	sshrl.u32 @p1 s0, $0x2  }
0x26d: {  	[tilespmem:s4+$0xF238] =	vst.add.f32.msk @p1 $0xffff, v1  }
0x26e: {  	v1 =	vld @p1 [tilespmem:$0xF198];
	_ =	sdelay $0x4  }
0x26f: {  	[tilespmem:s4+$0xF248] =	vst.add.f32.msk @p1 $0xffff, v1  }
0x270: {  	v1 =	vld @p1 [tilespmem:$0xF1A8];
	_ =	sdelay $0x4  }
0x271: {  	[tilespmem:s4+$0xF258] =	vst.add.f32.msk @p1 $0xffff, v1  }
0x272: {  	v1 =	vld @p1 [tilespmem:$0xF1B8];
	_ =	sdelay $0x4  }
0x273: {  	[tilespmem:s4+$0xF268] =	vst.add.f32.msk @p1 $0xffff, v1  }
0x274: {  	v1 =	vld @p1 [tilespmem:$0xF1C8];
	_ =	sdelay $0x4  }
0x275: {  	[tilespmem:s4+$0xF278] =	vst.add.f32.msk @p1 $0xffff, v1  }
0x276: {  	v1 =	vld @p1 [tilespmem:$0xF1D8];
	_ =	sdelay $0x4  }
0x277: {  	[tilespmem:s4+$0xF288] =	vst.add.f32.msk @p1 $0xffff, v1  }
0x278: {  	v1 =	vld @p1 [tilespmem:$0xF1E8];
	_ =	sdelay $0x4  }
0x279: {  	[tilespmem:s4+$0xF298] =	vst.add.f32.msk @p1 $0xffff, v1  }
0x27a: {  	v1 =	vld @p1 [tilespmem:$0xF1F8];
	_ =	sdelay $0x3  }
0x27b: {  	s5 =	sshll.u32 @!p1 s3, $0x9  }
0x27c: {  	s5 =	smov.u32 @p1 s0;
	[tilespmem:s4+$0xF2A8] =	vst.add.f32.msk @p1 $0xffff, v1  }
0x27d: {  	s0 =	sshrl.u32 s5, $0x2;
	[tilespmem:s2+$0xF218] =	vst.msk $0x1, v0  }
0x27e: {  	v0 =	vld [tilespmem:s0+$0xF238];
	_ =	sdelay $0x2  }
0x27f: {  	s31 =	sshll.u32 s2, $0x9  }
0x280: {  	s4 =	sshra.s32 s31, $0x2  }
0x281: {  	[tilespmem:s4+$0xF238] =	vst v0  }
0x282: {  	v0 =	vld [tilespmem:s0+$0xF248];
	_ =	sdelay $0x4  }
0x283: {  	[tilespmem:s4+$0xF248] =	vst v0  }
0x284: {  	v0 =	vld [tilespmem:s0+$0xF258];
	_ =	sdelay $0x4  }
0x285: {  	[tilespmem:s4+$0xF258] =	vst v0  }
0x286: {  	v0 =	vld [tilespmem:s0+$0xF268];
	_ =	sdelay $0x4  }
0x287: {  	[tilespmem:s4+$0xF268] =	vst v0  }
0x288: {  	v0 =	vld [tilespmem:s0+$0xF278];
	_ =	sdelay $0x4  }
0x289: {  	[tilespmem:s4+$0xF278] =	vst v0  }
0x28a: {  	v0 =	vld [tilespmem:s0+$0xF288];
	_ =	sdelay $0x4  }
0x28b: {  	[tilespmem:s4+$0xF288] =	vst v0  }
0x28c: {  	v0 =	vld [tilespmem:s0+$0xF298];
	_ =	sdelay $0x4  }
0x28d: {  	[tilespmem:s4+$0xF298] =	vst v0  }
0x28e: {  	v0 =	vld [tilespmem:s0+$0xF2A8];
	_ =	sdelay $0x4  }
0x28f: {  	s2 =	sadd.s32 $0x1, s2;
	[tilespmem:s4+$0xF2A8] =	vst v0  }
.LBB3_48:
0x290: {  	s3 =	sadd.s32 $0x1, s3  }
0x291: {  	p1 =	sne.s32 s3, $0x20  }
.Ltmp37:
0x292: {  	_ = 	snop;
	(pc) =	sbr.rel @!p1 .LBB3_49-.Ltmp37, $1  }
0x293: {  	_ =	sdelay $0x3  }
.LBB3_41:
0x294: {  	v0 =	vld.msk [tilespmem:s3+$0xF218], $0x1;
	_ =	sdelay $0x4  }
0x295: {  	(v2sf) =	vpush v0, $0x0;
	_ =	sdelay $0xe  }
0x296: {  	s4 =	spop (v2sf)  }
0x297: {  	p1 =	seq.s32 s4, $0xFFFFFFFF  }
.Ltmp38:
0x298: {  	_ = 	snop;
	(pc) =	sbr.rel @p1 .LBB3_48-.Ltmp38, $1  }
0x299: {  	_ =	sdelay $0x3  }
0x29a: {  	p1 =	slt.s32 s2, $0x1  }
.Ltmp39:
0x29b: {  	_ = 	snop;
	(pc) =	sbr.rel @p1 .LBB3_47-.Ltmp39, $1  }
0x29c: {  	_ =	sdelay $0x3  }
0x29d: {  	s5 =	simm.s32 $0xF218;
	p1 =	por $0x0, $0x0  }
0x29e: {  	v1 =	vld.msk @!p1 [tilespmem:s5+$0x0], $0x1;
	_ =	sdelay $0x4  }
0x29f: {  	(v2sf) =	vpush @!p1 v1, $0x0;
	_ =	sdelay $0xd  }
0x2a0: {  	p3 =	sne.s32 s2, $0x1  }
.Ltmp40:
0x2a1: {  	s0 =	spop @!p1 (v2sf);
	(pc) =	sbr.rel @!p3 .LBB3_45-.Ltmp40, $4  }
0x2a2: {  	p2 =	seq.s32 @!p1 s4, s0  }
0x2a3: {  	s6 =	simm.s32 $0x0;
	p2 =	por !p2, p1  }
0x2a4: {  	s7 =	simm.s32 $0xFFFFFFFF;
	s6 =	simm.s32 @p2 $0xFFFFFFFF  }
0x2a5: {  	s0 =	simm.s32 $0x1;
	s6 =	smov.u32 @p1 s7  }
.LBB3_44:
0x2a6: {  	s7 =	smov.u32 s6;
	p1 =	sne.s32 s6, $0xFFFFFFFF  }
0x2a7: {  	s5 =	sadd.s32 $0x1, s5;
	s6 =	smov.u32 s0;
	s0 =	sadd.s32 $0x1, s0  }
0x2a8: {  	p2 =	sne.s32 s2, s0;
	v1 =	vld.msk @!p1 [tilespmem:s5+$0x0], $0x1;
	_ =	sdelay $0x4  }
0x2a9: {  	(v2sf) =	vpush @!p1 v1, $0x0;
	_ =	sdelay $0xe  }
.Ltmp41:
0x2aa: {  	s8 =	spop @!p1 (v2sf);
	(pc) =	sbr.rel @p2 .LBB3_44-.Ltmp41, $4  }
0x2ab: {  	p3 =	seq.s32 @!p1 s4, s8  }
0x2ac: {  	p3 =	por !p3, p1  }
0x2ad: {  	s6 =	simm.s32 @p3 $0xFFFFFFFF  }
0x2ae: {  	s6 =	smov.u32 @p1 s7  }
.LBB3_45:
0x2af: {  	p1 =	seq.s32 s6, $0xFFFFFFFF  }
.Ltmp42:
0x2b0: {  	_ = 	snop;
	(pc) =	sbr.rel @p1 .LBB3_47-.Ltmp42, $1  }
0x2b1: {  	_ =	sdelay $0x3  }
0x2b2: {  	s0 =	sshll.u32 s3, $0x7  }
0x2b3: {  	s0 =	sand.u32 $0x3FFFFF80, s0  }
0x2b4: {  	v0 =	vld [tilespmem:s0+$0xF238];
	_ =	sdelay $0x2  }
0x2b5: {  	s4 =	sshll.u32 s6, $0x9  }
0x2b6: {  	s4 =	sshra.s32 s4, $0x2  }
0x2b7: {  	[tilespmem:s4+$0xF238] =	vst.add.f32.msk $0xffff, v0  }
0x2b8: {  	v0 =	vld [tilespmem:s0+$0xF248];
	_ =	sdelay $0x4  }
0x2b9: {  	[tilespmem:s4+$0xF248] =	vst.add.f32.msk $0xffff, v0  }
0x2ba: {  	v0 =	vld [tilespmem:s0+$0xF258];
	_ =	sdelay $0x4  }
0x2bb: {  	[tilespmem:s4+$0xF258] =	vst.add.f32.msk $0xffff, v0  }
0x2bc: {  	v0 =	vld [tilespmem:s0+$0xF268];
	_ =	sdelay $0x4  }
0x2bd: {  	[tilespmem:s4+$0xF268] =	vst.add.f32.msk $0xffff, v0  }
0x2be: {  	v0 =	vld [tilespmem:s0+$0xF278];
	_ =	sdelay $0x4  }
0x2bf: {  	[tilespmem:s4+$0xF278] =	vst.add.f32.msk $0xffff, v0  }
0x2c0: {  	v0 =	vld [tilespmem:s0+$0xF288];
	_ =	sdelay $0x4  }
0x2c1: {  	[tilespmem:s4+$0xF288] =	vst.add.f32.msk $0xffff, v0  }
0x2c2: {  	v0 =	vld [tilespmem:s0+$0xF298];
	_ =	sdelay $0x4  }
0x2c3: {  	[tilespmem:s4+$0xF298] =	vst.add.f32.msk $0xffff, v0  }
0x2c4: {  	v0 =	vld [tilespmem:s0+$0xF2A8]  }
.Ltmp43:
0x2c5: {  	_ = 	snop;
	(pc) =	sbr.rel .LBB3_48-.Ltmp43, $2  }
0x2c6: {  	_ =	sdelay $0x2  }
0x2c7: {  	[tilespmem:s4+$0xF2A8] =	vst.add.f32.msk $0xffff, v0  }
.LBB3_49:
0x2c8: {  	p1 =	slt.s32 s2, $0x1  }
.Ltmp44:
0x2c9: {  	_ = 	snop;
	(pc) =	sbr.rel @p1 .LBB3_53-.Ltmp44, $3  }
0x2ca: {  	_ =	sdelay $0x1  }
0x2cb: {  	s0 =	simm.s32 $0x8  }
0x2cc: {  	s3 =	simm.s32 $0x0;
	[sflag:s0] =	ssyncpa.u1 $0x1  }
0x2cd: {  	s0 =	simm.s32 $0xF218  }
0x2ce: {  	v0 =	vld.msk [tilespmem:s0+$0x0], $0x1;
	_ =	sdelay $0x4  }
0x2cf: {  	(v2sf) =	vpush v0, $0x0;
	_ =	sdelay $0xe  }
0x2d0: {  	s0 =	sadd.s32 $0xFFFFFFFF, s2;
	s5 =	spop (v2sf)  }
0x2d1: {  	p2 =	sne.s32 s0, $0x0;
	p1 =	sgt.u32 s5, $0x27FF0  }
.Ltmp45:
0x2d2: {  	s6 =	sand.u32 @!p1 $0x3FFF8, s5;
	(pc) =	sbr.rel @!p2 .LBB3_52-.Ltmp45, $4  }
0x2d3: {  	s4 =	simm.s32 $0xF238;
	s5 =	sand.u32 @!p1 $0x7, s5;
	s2 =	sadd.s32 @!p1 s1, s6  }
0x2d4: {  	[hbm4b:s2+s5] =	stream.linear.scatter @!p1 [tilespmem:s4], [sflag:$0x7], $0x80, $0x38;
	[tilespmem:$0x1F6F8] =	vst v63  }
0x2d5: {  	s5 =	simm.s32 $0x0  }
0x2d6: {  	s2 =	simm.s32 $0xF219;
	s5 =	simm.s32 @!p1 $0x200  }
.LBB3_51:
0x2d7: {  	v0 =	vld.msk [tilespmem:s2+$0x0], $0x1;
	s0 =	sadd.s32 $0xFFFFFFFF, s0;
	s3 =	sadd.s32 s3, s5  }
0x2d8: {  	p1 =	sne.s32 s0, $0x0;
	_ =	sdelay $0x3  }
0x2d9: {  	(v2sf) =	vpush v0, $0x0;
	_ =	sdelay $0xe  }
.Ltmp46:
0x2da: {  	s6 =	spop (v2sf);
	(pc) =	sbr.rel @p1 .LBB3_51-.Ltmp46, $4  }
0x2db: {  	s5 =	simm.s32 $0x0;
	p2 =	sgt.u32 s6, $0x27FF0  }
0x2dc: {  	s4 =	sadd.s32 $0x80, s4;
	s5 =	simm.s32 @!p2 $0x200;
	s7 =	sand.u32 @!p2 $0x3FFF8, s6  }
0x2dd: {  	s2 =	sadd.s32 $0x1, s2;
	s6 =	sand.u32 @!p2 $0x7, s6;
	s7 =	sadd.s32 @!p2 s1, s7  }
0x2de: {  	[hbm4b:s7+s6] =	stream.linear.scatter @!p2 [tilespmem:s4], [sflag:$0x7], $0x80, $0x38;
	[tilespmem:$0x1F6F8] =	vst v63  }
.LBB3_52:
0x2df: {  	s0 =	sadd.s32 s3, s5  }
0x2e0: {  	s3 =	sshrl.u32 s0, $0x2  }
.LBB3_53:
0x2e1: {  	s0 =	simm.s32 $0x7  }
0x2e2: {  	_ =	swait.ge [sflag:s0], s3  }
0x2e3: {  	s1 =	ssub.s32 $0x0, s3;
	[sflag:s0] =	ssyncset.done $0x0  }
0x2e4: {  	[sflag:s0] =	ssyncadd.s32 s1  }
0x2e5: {  	[sflag:s0] =	ssyncpa.u1 $0x1  }
.LBB3_54:
0x2e6: {  	_ =	sfence;
	s0 =	simm.s32 $0x1  }
0x2e7: {  	[sflag:s0] =	ssyncpa.u1 $0x1  }
0x2e8: {  	_ =	strace $0x9000004A  }
0x2e9: {  	[bflag:$0x2] =	sbarrier.arrive $0xFFFF  }
0x2ea: {  	s0 =	rddreg [dreg:$0x3]  }
0x2eb: {  	s0 =	sadd.s32 @!p0 $0x100000, s0  }
0x2ec: {  	[sflag:s0] =	ssyncadd.tile.s32 @!p0 $0x1;
	_ =	shalt  }
.Lfunc_end3:
_tile_overlayer_lowered:
.L_overlay_start_3:
0x2ed: {  	(tag) =	ssettag $0x3  }
0x2ee: {  	s0 =	rddreg [dreg:$0x0];
	s2 =	stileid.u32  }
0x2ef: {  	s1 =	rddreg [dreg:$0x1];
	p0 =	sne.s32 s2, $0x0  }
0x2f0: {  	s3 =	rddreg [dreg:$0x2];
	[bflag:$0x3] =	sbarrier.arrive $0xFFFF;
	s2 =	simm.s32 @!p0 $0x1C01  }
0x2f1: {  	[timem:s3], [sflag:s2] =	dma.local @!p0 [hbm:s0], s1  }
0x2f2: {  	s0 =	simm.s32 @!p0 $0x1  }
0x2f3: {  	_ =	swait.ge @!p0 [sflag:s0], s1  }
0x2f4: {  	s1 =	ssub.s32 @!p0 $0x0, s1;
	[sflag:s0] =	ssyncset.done @!p0 $0x0  }
0x2f5: {  	[sflag:s0] =	ssyncadd.s32 @!p0 s1  }
0x2f6: {  	[bflag:$0x3] =	sbarrier.arrive $0xFFFF  }
0x2f7: {  	_ =	shalt  }

</sc_bundles>
